<compile_context>
chip_gen: v7x
topology: tpu7x:2x2x1
jax: 0.10.2.dev20260603
libtpu: 0.0.44.dev20260713+nightly
codegen_flags: <defaults>
</compile_context>

<pallas_src>
import functools

import jax
import jax.numpy as jnp
from jax import lax
from jax.experimental import pallas as pl
from jax.experimental.pallas import tpu as pltpu
from jax.experimental.pallas import tpu_sc as plsc

G = 256
CHUNK = 128
NBUF = 4
NC, NS = 2, 16
NW = NC * NS


def _sc_edge_agg(hm, src3, dst3, zrows, nacc):
    n2, hh = hm.shape
    h = NC * hh
    nch = src3.shape[2]
    rpt = nacc // NS
    mesh = plsc.VectorSubcoreMesh(core_axis_name="c", subcore_axis_name="s")

    @functools.partial(
        pl.kernel,
        out_type=jax.ShapeDtypeStruct((nacc, h), jnp.bfloat16),
        mesh=mesh,
        compiler_params=pltpu.CompilerParams(use_tc_tiling_on_sc=False),
        scratch_types=[
            pltpu.VMEM((nch, CHUNK), jnp.int32),
            pltpu.VMEM((nch, CHUNK), jnp.int32),
            pltpu.VMEM((NBUF, CHUNK, hh), jnp.bfloat16),
            pltpu.VMEM_SHARED((nacc, hh), jnp.bfloat16),
            pltpu.SemaphoreType.DMA,
            pltpu.SemaphoreType.DMA,
            pltpu.SemaphoreType.DMA,
            pltpu.SemaphoreType.DMA,
        ],
    )
    def k(hm_hbm, src_hbm, dst_hbm, zrows_hbm, parts_hbm, sidx, didx, rows,
          acc, s0, s1, s2, s3):
        cid = lax.axis_index("c")
        sid = lax.axis_index("s")
        sems = [s0, s1, s2, s3]
        table = hm_hbm

        pltpu.sync_copy(src_hbm.at[cid, sid], sidx)
        pltpu.sync_copy(dst_hbm.at[sid], didx)
        pltpu.sync_copy(zrows_hbm, acc.at[pl.ds(sid * rpt, rpt)])
        for b in range(NBUF):
            pltpu.async_copy(table.at[sidx.at[b]], rows.at[b], sems[b])
        plsc.subcore_barrier()

        def grp(g, carry):
            for b in range(NBUF):
                j = g * NBUF + b
                pltpu.make_async_copy(
                    table.at[pl.ds(0, CHUNK)], rows.at[b], sems[b]
                ).wait()
                pltpu.sync_copy(rows.at[b], acc.at[didx.at[j]], add=True)

                @pl.when(j + NBUF < nch)
                def _():
                    pltpu.async_copy(
                        table.at[sidx.at[j + NBUF]], rows.at[b], sems[b]
                    )
            return carry

        lax.fori_loop(0, nch // NBUF, grp, 0)
        plsc.subcore_barrier()
        pltpu.sync_copy(
            acc.at[pl.ds(sid * rpt, rpt)],
            parts_hbm.at[pl.ds(sid * rpt, rpt), pl.ds(cid * hh, hh)],
        )

    return k(hm, src3, dst3, zrows)


def _tc_prep(eidx, epad, n):
    e = eidx.shape[1]

    def body(e_ref, s_ref, d_ref):
        ei = e_ref[...]
        s2 = ei[0:1, :] * 2
        s_ref[0:1, :e] = s2
        s_ref[1:2, :e] = s2 + 1
        d_ref[0:1, :e] = ei[1:2, :]
        pad = lax.broadcasted_iota(jnp.int32, (1, epad - e), 1)
        ps = (pad & 4095) * 2
        s_ref[0:1, e:] = ps
        s_ref[1:2, e:] = ps + 1
        d_ref[0:1, e:] = n + (pad & 63)

    return pl.pallas_call(
        body,
        out_shape=[
            jax.ShapeDtypeStruct((2, epad), jnp.int32),
            jax.ShapeDtypeStruct((1, epad), jnp.int32),
        ],
    )(eidx)


def _tc_init(nf, w_init, wm0, blk):
    n, d = nf.shape
    h = w_init.shape[1]

    def body(nf_ref, wi_ref, wm_ref, h_ref, hm_ref):
        hv = jnp.dot(nf_ref[...], wi_ref[...], preferred_element_type=jnp.float32)
        h_ref[...] = hv
        hm_ref[...] = jnp.dot(hv, wm_ref[...],
                              preferred_element_type=jnp.float32
                              ).astype(jnp.bfloat16)

    return pl.pallas_call(
        body,
        grid=(n // blk,),
        in_specs=[
            pl.BlockSpec((blk, d), lambda i: (i, 0)),
            pl.BlockSpec((d, h), lambda i: (0, 0)),
            pl.BlockSpec((h, h), lambda i: (0, 0)),
        ],
        out_specs=[pl.BlockSpec((blk, h), lambda i: (i, 0))] * 2,
        out_shape=[
            jax.ShapeDtypeStruct((n, h), jnp.float32),
            jax.ShapeDtypeStruct((n, h), jnp.bfloat16),
        ],
    )(nf, w_init, wm0)


def _tc_layer(hs, parts, w_self, wm_next, blk):
    n, h = hs.shape
    last = wm_next is None

    def body(h_ref, p_ref, ws_ref, *rest):
        hv = h_ref[...]
        agg = p_ref[...].astype(jnp.float32)
        hn = jax.nn.relu(agg + jnp.dot(hv, ws_ref[...],
                                       preferred_element_type=jnp.float32)) + hv
        if last:
            (hn_ref,) = rest
            hn_ref[...] = hn
        else:
            wm_ref, hn_ref, hm_ref = rest
            hn_ref[...] = hn
            hm_ref[...] = jnp.dot(hn, wm_ref[...],
                                  preferred_element_type=jnp.float32
                                  ).astype(jnp.bfloat16)

    in_specs = [
        pl.BlockSpec((blk, h), lambda i: (i, 0)),
        pl.BlockSpec((blk, h), lambda i: (i, 0)),
        pl.BlockSpec((h, h), lambda i: (0, 0)),
    ]
    ins = [hs, parts, w_self]
    out_specs = [pl.BlockSpec((blk, h), lambda i: (i, 0))]
    out_shape = [jax.ShapeDtypeStruct((n, h), jnp.float32)]
    if not last:
        in_specs.append(pl.BlockSpec((h, h), lambda i: (0, 0)))
        ins.append(wm_next)
        out_specs.append(pl.BlockSpec((blk, h), lambda i: (i, 0)))
        out_shape.append(jax.ShapeDtypeStruct((n, h), jnp.bfloat16))
    return pl.pallas_call(
        body,
        grid=(n // blk,),
        in_specs=in_specs,
        out_specs=out_specs,
        out_shape=out_shape,
    )(*ins)


def _tc_pool_state(n2g3, state, blk, with_counts):
    n, h = state.shape

    def body(n2g_ref, s_ref, *orefs):
        ids = n2g_ref[0, :, :]
        iota = lax.broadcasted_iota(jnp.int32, (G, blk), 0)
        mask = (ids == iota).astype(jnp.float32)
        pooled = jnp.dot(mask, s_ref[...], preferred_element_type=jnp.float32)

        @pl.when(pl.program_id(0) == 0)
        def _():
            for o in orefs:
                o[...] = jnp.zeros_like(o)

        orefs[0][...] += pooled
        if with_counts:
            cnt = jnp.sum(mask, axis=1, keepdims=True)
            orefs[1][...] += jnp.broadcast_to(cnt, (G, h))

    nout = 2 if with_counts else 1
    out_specs = [pl.BlockSpec((G, h), lambda i: (0, 0))] * nout
    out_shape = [jax.ShapeDtypeStruct((G, h), jnp.float32)] * nout
    res = pl.pallas_call(
        body,
        grid=(n // blk,),
        in_specs=[
            pl.BlockSpec((1, 1, blk), lambda i: (i, 0, 0)),
            pl.BlockSpec((blk, h), lambda i: (i, 0)),
        ],
        out_specs=out_specs,
        out_shape=out_shape,
    )(n2g3, state)
    return res if with_counts else res[0]


def _tc_project(pooleds, counts, w_ro):
    rep, out = w_ro.shape
    ns = len(pooleds)
    h = rep // ns

    def body(*refs):
        c_ref, w_ref, o_ref = refs[ns], refs[ns + 1], refs[ns + 2]
        inv = 1.0 / jnp.maximum(c_ref[...][:, :1], 1.0)
        p = jnp.concatenate([refs[s][...] for s in range(ns)], axis=1) * inv
        o_ref[...] = jnp.dot(p, w_ref[...], preferred_element_type=jnp.float32)

    return pl.pallas_call(
        body,
        out_shape=jax.ShapeDtypeStruct((G, out), jnp.float32),
    )(*pooleds, counts, w_ro)


def kernel(node_features, edge_index, node_to_graph, num_graphs, W_init,
           W_msg, W_self, W_ro):
    n, _ = node_features.shape
    e = edge_index.shape[1]
    hdim = W_init.shape[1]
    nlayers = W_msg.shape[0]
    blk = 5000

    quant = NS * NBUF * CHUNK
    epad = -(-e // quant) * quant
    nacc = -(-(n + 1) // (NS * 8)) * (NS * 8)
    src6, dst6 = _tc_prep(edge_index, epad, n)
    src3 = src6.reshape(NC, NS, epad // (NS * CHUNK), CHUNK)
    dst3 = dst6.reshape(NS, epad // (NS * CHUNK), CHUNK)
    zrows = jnp.zeros((nacc // NS, hdim // 2), jnp.bfloat16)
    n2g3 = node_to_graph.reshape(n // blk, 1, blk)

    h, hm = _tc_init(node_features, W_init, W_msg[0], blk)
    pooled0, counts = _tc_pool_state(n2g3, h, blk, with_counts=True)
    pooleds = [pooled0]
    for l in range(nlayers):
        parts = _sc_edge_agg(hm.reshape(2 * n, hdim // 2), src3, dst3,
                             zrows, nacc)
        wm_next = W_msg[l + 1] if l + 1 < nlayers else None
        res = _tc_layer(h, parts, W_self[l], wm_next, blk)
        if wm_next is None:
            (h,) = res
        else:
            h, hm = res
        pooleds.append(_tc_pool_state(n2g3, h, blk, with_counts=False))

    out = _tc_project(pooleds, counts, W_ro)
    return jnp.where(jnp.arange(G)[:, None] < num_graphs, out, 0.0)

# --- scband reference (transcript-rebuilt; emitter-appended) ---
"""Pipeline reference for scband-graph-feature-extractor-10909216932249 (READ-ONLY COPY).

The authoritative reference and input builder live on the scoring server;
editing this copy changes nothing except your own understanding.
"""

import jax, jax.numpy as jnp
import numpy as np

N = 10000
E = 320000
D_IN = 128
H = 128
L = 4
G = 256
OUT = 512


def setup_inputs(seed: int = 0):
    key = jax.random.key(seed)
    ks = jax.random.split(key, 8)
    node_features = jax.random.normal(ks[0], (N, D_IN), dtype=jnp.float32)
    edge_index = jax.random.randint(ks[1], (2, E), 0, N, dtype=jnp.int32)
    node_to_graph = jnp.sort(jax.random.randint(ks[2], (N,), 0, G, dtype=jnp.int32))
    W_init = jax.random.normal(ks[3], (D_IN, H), dtype=jnp.float32) / np.sqrt(D_IN)
    W_msg = jax.random.normal(ks[4], (L, H, H), dtype=jnp.float32) / np.sqrt(H)
    W_self = jax.random.normal(ks[5], (L, H, H), dtype=jnp.float32) / np.sqrt(H)
    W_ro = jax.random.normal(ks[6], ((L + 1) * H, OUT), dtype=jnp.float32) / np.sqrt((L + 1) * H)
    return {
        "node_features": node_features,
        "edge_index": edge_index,
        "node_to_graph": node_to_graph,
        "num_graphs": G,
        "W_init": W_init,
        "W_msg": W_msg,
        "W_self": W_self,
        "W_ro": W_ro,
    }


def reference(node_features, edge_index, node_to_graph, num_graphs, W_init, W_msg, W_self, W_ro):
    # init_node_proj (bias=False)
    h = node_features @ W_init
    all_states = [h]
    src = edge_index[0]
    dst = edge_index[1]
    # GNN message passing layers with residual connections
    for l in range(L):
        msg = jnp.take(h, src, axis=0) @ W_msg[l]          # gather + transform
        agg = jax.ops.segment_sum(msg, dst, num_segments=N)  # scatter-add aggregation
        h = jax.nn.relu(agg + h @ W_self[l]) + h
        all_states.append(h)
    # use_all_states=True: concat all layer states
    rep = jnp.concatenate(all_states, axis=-1)  # [N, (L+1)*H]
    # mean readout per graph
    pooled = jax.ops.segment_sum(rep, node_to_graph, num_segments=G)
    counts = jax.ops.segment_sum(jnp.ones((N,), dtype=rep.dtype), node_to_graph, num_segments=G)
    pooled = pooled / jnp.maximum(counts, 1.0)[:, None]
    valid = jnp.arange(G) < num_graphs
    pooled = jnp.where(valid[:, None], pooled, jnp.zeros((), dtype=pooled.dtype))
    # readout output projection -> mol representations [G, OUT]; output_norm='off'
    return pooled @ W_ro

if __name__ == "__main__":
    import jax
    _d = setup_inputs()
    print(jax.jit(kernel)(*tuple(_d.values())))

</pallas_src>

<mosaic_0001>
#map = affine_map<(d0, d1) -> (0, 0)>
#map1 = affine_map<(d0, d1) -> (0, 0, 0, 0)>
#map2 = affine_map<(d0, d1) -> (0, 0, 0)>
module attributes {stable_mosaic.version = 14 : i64} {
  func.func @k(%arg0: i32, %arg1: i32, %arg2: memref<20000x64xbf16, #tpu.memory_space<hbm>>, %arg3: memref<2x16x160x128xi32, #tpu.memory_space<hbm>>, %arg4: memref<16x160x128xi32, #tpu.memory_space<hbm>>, %arg5: memref<632x64xbf16, #tpu.memory_space<hbm>>, %arg6: memref<10112x128xbf16, #tpu.memory_space<hbm>>, %arg7: memref<160x128xi32, #tpu.memory_space<vmem>>, %arg8: memref<160x128xi32, #tpu.memory_space<vmem>>, %arg9: memref<4x128x64xbf16, #tpu.memory_space<vmem>>, %arg10: memref<10112x64xbf16, #tpu.memory_space<vmem_shared>>, %arg11: memref<!tpu.dma_semaphore, #tpu.memory_space<semaphore_mem>>, %arg12: memref<!tpu.dma_semaphore, #tpu.memory_space<semaphore_mem>>, %arg13: memref<!tpu.dma_semaphore, #tpu.memory_space<semaphore_mem>>, %arg14: memref<!tpu.dma_semaphore, #tpu.memory_space<semaphore_mem>>) attributes {dimension_semantics = [#tpu.dimension_semantics<core_parallel>, #tpu.dimension_semantics<subcore_parallel>], iteration_bounds = array<i64: 2, 16>, scalar_prefetch = 0 : i64, scratch_operands = 8 : i64, tpu.core_type = #tpu.core_type<sc_vector_subcore>, window_params = [{transform_indices = #map}, {transform_indices = #map1}, {transform_indices = #map2}, {transform_indices = #map}, {transform_indices = #map}]} {
    "tpu.region"() ({
      %run_scoped3A = tpu.sem_alloc : memref<!tpu.dma_semaphore, #tpu.memory_space<semaphore_mem>>
      %dma_start3A_60 = arith.constant 0 : i32
      %dma_start3A_61 = arith.constant 0 : i32
      %dma_start3A_62 = tpu.memref_slice %arg3[%arg0, %arg1, %dma_start3A_60, %dma_start3A_61] : memref<2x16x160x128xi32, #tpu.memory_space<hbm>> -> memref<1x1x160x128xi32, #tpu.memory_space<hbm>>
      %dma_start3A_63 = tpu.memref_squeeze %dma_start3A_62 : memref<1x1x160x128xi32, #tpu.memory_space<hbm>> -> memref<160x128xi32, #tpu.memory_space<hbm>>
      %dma_start3A_64 = arith.constant 0 : i32
      %dma_start3A_65 = arith.constant 0 : i32
      %dma_start3A_66 = tpu.memref_slice %arg3[%arg0, %arg1, %dma_start3A_64, %dma_start3A_65] : memref<2x16x160x128xi32, #tpu.memory_space<hbm>> -> memref<1x1x160x128xi32, #tpu.memory_space<hbm>>
      %dma_start3A_67 = tpu.memref_squeeze %dma_start3A_66 : memref<1x1x160x128xi32, #tpu.memory_space<hbm>> -> memref<160x128xi32, #tpu.memory_space<hbm>>
      tpu.enqueue_dma source(%dma_start3A_67 : memref<160x128xi32, #tpu.memory_space<hbm>>) target(%arg7 : memref<160x128xi32, #tpu.memory_space<vmem>>) target_semaphore(%run_scoped3A : memref<!tpu.dma_semaphore, #tpu.memory_space<semaphore_mem>>)
      %dma_wait3A = arith.constant 0 : i32
      %dma_wait3A_68 = arith.constant 0 : i32
      %dma_wait3A_69 = tpu.memref_slice %arg3[%arg0, %arg1, %dma_wait3A, %dma_wait3A_68] : memref<2x16x160x128xi32, #tpu.memory_space<hbm>> -> memref<1x1x160x128xi32, #tpu.memory_space<hbm>>
      %dma_wait3A_70 = tpu.memref_squeeze %dma_wait3A_69 : memref<1x1x160x128xi32, #tpu.memory_space<hbm>> -> memref<160x128xi32, #tpu.memory_space<hbm>>
      %dma_wait3A_71 = arith.constant 0 : i32
      %dma_wait3A_72 = arith.constant 0 : i32
      %dma_wait3A_73 = tpu.memref_slice %arg3[%arg0, %arg1, %dma_wait3A_71, %dma_wait3A_72] : memref<2x16x160x128xi32, #tpu.memory_space<hbm>> -> memref<1x1x160x128xi32, #tpu.memory_space<hbm>>
      %dma_wait3A_74 = tpu.memref_squeeze %dma_wait3A_73 : memref<1x1x160x128xi32, #tpu.memory_space<hbm>> -> memref<160x128xi32, #tpu.memory_space<hbm>>
      tpu.wait_dma2 semaphore(%run_scoped3A : memref<!tpu.dma_semaphore, #tpu.memory_space<semaphore_mem>>) src(%dma_wait3A_74 : memref<160x128xi32, #tpu.memory_space<hbm>>) dst(%arg7 : memref<160x128xi32, #tpu.memory_space<vmem>>)
      tpu.yield
    }) : () -> ()
    "tpu.region"() ({
      %run_scoped3A = tpu.sem_alloc : memref<!tpu.dma_semaphore, #tpu.memory_space<semaphore_mem>>
      %dma_start3A_60 = arith.constant 0 : i32
      %dma_start3A_61 = arith.constant 0 : i32
      %dma_start3A_62 = tpu.memref_slice %arg4[%arg1, %dma_start3A_60, %dma_start3A_61] : memref<16x160x128xi32, #tpu.memory_space<hbm>> -> memref<1x160x128xi32, #tpu.memory_space<hbm>>
      %dma_start3A_63 = tpu.memref_squeeze %dma_start3A_62 : memref<1x160x128xi32, #tpu.memory_space<hbm>> -> memref<160x128xi32, #tpu.memory_space<hbm>>
      %dma_start3A_64 = arith.constant 0 : i32
      %dma_start3A_65 = arith.constant 0 : i32
      %dma_start3A_66 = tpu.memref_slice %arg4[%arg1, %dma_start3A_64, %dma_start3A_65] : memref<16x160x128xi32, #tpu.memory_space<hbm>> -> memref<1x160x128xi32, #tpu.memory_space<hbm>>
      %dma_start3A_67 = tpu.memref_squeeze %dma_start3A_66 : memref<1x160x128xi32, #tpu.memory_space<hbm>> -> memref<160x128xi32, #tpu.memory_space<hbm>>
      tpu.enqueue_dma source(%dma_start3A_67 : memref<160x128xi32, #tpu.memory_space<hbm>>) target(%arg8 : memref<160x128xi32, #tpu.memory_space<vmem>>) target_semaphore(%run_scoped3A : memref<!tpu.dma_semaphore, #tpu.memory_space<semaphore_mem>>)
      %dma_wait3A = arith.constant 0 : i32
      %dma_wait3A_68 = arith.constant 0 : i32
      %dma_wait3A_69 = tpu.memref_slice %arg4[%arg1, %dma_wait3A, %dma_wait3A_68] : memref<16x160x128xi32, #tpu.memory_space<hbm>> -> memref<1x160x128xi32, #tpu.memory_space<hbm>>
      %dma_wait3A_70 = tpu.memref_squeeze %dma_wait3A_69 : memref<1x160x128xi32, #tpu.memory_space<hbm>> -> memref<160x128xi32, #tpu.memory_space<hbm>>
      %dma_wait3A_71 = arith.constant 0 : i32
      %dma_wait3A_72 = arith.constant 0 : i32
      %dma_wait3A_73 = tpu.memref_slice %arg4[%arg1, %dma_wait3A_71, %dma_wait3A_72] : memref<16x160x128xi32, #tpu.memory_space<hbm>> -> memref<1x160x128xi32, #tpu.memory_space<hbm>>
      %dma_wait3A_74 = tpu.memref_squeeze %dma_wait3A_73 : memref<1x160x128xi32, #tpu.memory_space<hbm>> -> memref<160x128xi32, #tpu.memory_space<hbm>>
      tpu.wait_dma2 semaphore(%run_scoped3A : memref<!tpu.dma_semaphore, #tpu.memory_space<semaphore_mem>>) src(%dma_wait3A_74 : memref<160x128xi32, #tpu.memory_space<hbm>>) dst(%arg8 : memref<160x128xi32, #tpu.memory_space<vmem>>)
      tpu.yield
    }) : () -> ()
    %mul3A = arith.constant 632 : i32
    %mul3A_0 = arith.muli %arg1, %mul3A : i32
    "tpu.region"() ({
      %run_scoped3A = tpu.sem_alloc : memref<!tpu.dma_semaphore, #tpu.memory_space<semaphore_mem>>
      %dma_start3A_60 = arith.constant 0 : i32
      %dma_start3A_61 = tpu.memref_slice %arg10[%mul3A_0, %dma_start3A_60] : memref<10112x64xbf16, #tpu.memory_space<vmem_shared>> -> memref<632x64xbf16, #tpu.memory_space<vmem_shared>>
      tpu.enqueue_dma source(%arg5 : memref<632x64xbf16, #tpu.memory_space<hbm>>) target(%dma_start3A_61 : memref<632x64xbf16, #tpu.memory_space<vmem_shared>>) target_semaphore(%run_scoped3A : memref<!tpu.dma_semaphore, #tpu.memory_space<semaphore_mem>>)
      %dma_wait3A = arith.constant 0 : i32
      %dma_wait3A_62 = tpu.memref_slice %arg10[%mul3A_0, %dma_wait3A] : memref<10112x64xbf16, #tpu.memory_space<vmem_shared>> -> memref<632x64xbf16, #tpu.memory_space<vmem_shared>>
      tpu.wait_dma2 semaphore(%run_scoped3A : memref<!tpu.dma_semaphore, #tpu.memory_space<semaphore_mem>>) src(%arg5 : memref<632x64xbf16, #tpu.memory_space<hbm>>) dst(%dma_wait3A_62 : memref<632x64xbf16, #tpu.memory_space<vmem_shared>>)
      tpu.yield
    }) : () -> ()
    %dma_start3A = arith.constant 0 : i32
    %dma_start3A_1 = arith.constant 0 : i32
    %dma_start3A_2 = arith.constant 0 : i32
    %dma_start3A_3 = arith.constant 0 : i32
    %dma_start3A_4 = tpu.memref_slice %arg9[%dma_start3A_1, %dma_start3A_2, %dma_start3A_3] : memref<4x128x64xbf16, #tpu.memory_space<vmem>> -> memref<1x128x64xbf16, #tpu.memory_space<vmem>>
    %dma_start3A_5 = tpu.memref_squeeze %dma_start3A_4 : memref<1x128x64xbf16, #tpu.memory_space<vmem>> -> memref<128x64xbf16, #tpu.memory_space<vmem>>
    %dma_start3A_6 = arith.constant 0 : i32
    %dma_start3A_7 = tpu.memref_slice %arg7[%dma_start3A, %dma_start3A_6] : memref<160x128xi32, #tpu.memory_space<vmem>> -> memref<1x128xi32, #tpu.memory_space<vmem>>
    %dma_start3A_8 = tpu.memref_squeeze %dma_start3A_7 : memref<1x128xi32, #tpu.memory_space<vmem>> -> memref<128xi32, #tpu.memory_space<vmem>>
    %dma_start3A_9 = arith.constant 0 : i32
    %dma_start3A_10 = arith.constant 0 : i32
    %dma_start3A_11 = tpu.memref_slice %arg2[%dma_start3A_9, %dma_start3A_10] : memref<20000x64xbf16, #tpu.memory_space<hbm>> -> memref<20000x64xbf16, #tpu.memory_space<hbm>>
    tpu.enqueue_indirect_dma source(%dma_start3A_11 : memref<20000x64xbf16, #tpu.memory_space<hbm>>) target(%dma_start3A_5 : memref<128x64xbf16, #tpu.memory_space<vmem>>) offsets(%dma_start3A_8 : memref<128xi32, #tpu.memory_space<vmem>>) semaphore(%arg11 : memref<!tpu.dma_semaphore, #tpu.memory_space<semaphore_mem>>)
    %dma_start3A_12 = arith.constant 1 : i32
    %dma_start3A_13 = arith.constant 1 : i32
    %dma_start3A_14 = arith.constant 0 : i32
    %dma_start3A_15 = arith.constant 0 : i32
    %dma_start3A_16 = tpu.memref_slice %arg9[%dma_start3A_13, %dma_start3A_14, %dma_start3A_15] : memref<4x128x64xbf16, #tpu.memory_space<vmem>> -> memref<1x128x64xbf16, #tpu.memory_space<vmem>>
    %dma_start3A_17 = tpu.memref_squeeze %dma_start3A_16 : memref<1x128x64xbf16, #tpu.memory_space<vmem>> -> memref<128x64xbf16, #tpu.memory_space<vmem>>
    %dma_start3A_18 = arith.constant 0 : i32
    %dma_start3A_19 = tpu.memref_slice %arg7[%dma_start3A_12, %dma_start3A_18] : memref<160x128xi32, #tpu.memory_space<vmem>> -> memref<1x128xi32, #tpu.memory_space<vmem>>
    %dma_start3A_20 = tpu.memref_squeeze %dma_start3A_19 : memref<1x128xi32, #tpu.memory_space<vmem>> -> memref<128xi32, #tpu.memory_space<vmem>>
    %dma_start3A_21 = arith.constant 0 : i32
    %dma_start3A_22 = arith.constant 0 : i32
    %dma_start3A_23 = tpu.memref_slice %arg2[%dma_start3A_21, %dma_start3A_22] : memref<20000x64xbf16, #tpu.memory_space<hbm>> -> memref<20000x64xbf16, #tpu.memory_space<hbm>>
    tpu.enqueue_indirect_dma source(%dma_start3A_23 : memref<20000x64xbf16, #tpu.memory_space<hbm>>) target(%dma_start3A_17 : memref<128x64xbf16, #tpu.memory_space<vmem>>) offsets(%dma_start3A_20 : memref<128xi32, #tpu.memory_space<vmem>>) semaphore(%arg12 : memref<!tpu.dma_semaphore, #tpu.memory_space<semaphore_mem>>)
    %dma_start3A_24 = arith.constant 2 : i32
    %dma_start3A_25 = arith.constant 2 : i32
    %dma_start3A_26 = arith.constant 0 : i32
    %dma_start3A_27 = arith.constant 0 : i32
    %dma_start3A_28 = tpu.memref_slice %arg9[%dma_start3A_25, %dma_start3A_26, %dma_start3A_27] : memref<4x128x64xbf16, #tpu.memory_space<vmem>> -> memref<1x128x64xbf16, #tpu.memory_space<vmem>>
    %dma_start3A_29 = tpu.memref_squeeze %dma_start3A_28 : memref<1x128x64xbf16, #tpu.memory_space<vmem>> -> memref<128x64xbf16, #tpu.memory_space<vmem>>
    %dma_start3A_30 = arith.constant 0 : i32
    %dma_start3A_31 = tpu.memref_slice %arg7[%dma_start3A_24, %dma_start3A_30] : memref<160x128xi32, #tpu.memory_space<vmem>> -> memref<1x128xi32, #tpu.memory_space<vmem>>
    %dma_start3A_32 = tpu.memref_squeeze %dma_start3A_31 : memref<1x128xi32, #tpu.memory_space<vmem>> -> memref<128xi32, #tpu.memory_space<vmem>>
    %dma_start3A_33 = arith.constant 0 : i32
    %dma_start3A_34 = arith.constant 0 : i32
    %dma_start3A_35 = tpu.memref_slice %arg2[%dma_start3A_33, %dma_start3A_34] : memref<20000x64xbf16, #tpu.memory_space<hbm>> -> memref<20000x64xbf16, #tpu.memory_space<hbm>>
    tpu.enqueue_indirect_dma source(%dma_start3A_35 : memref<20000x64xbf16, #tpu.memory_space<hbm>>) target(%dma_start3A_29 : memref<128x64xbf16, #tpu.memory_space<vmem>>) offsets(%dma_start3A_32 : memref<128xi32, #tpu.memory_space<vmem>>) semaphore(%arg13 : memref<!tpu.dma_semaphore, #tpu.memory_space<semaphore_mem>>)
    %dma_start3A_36 = arith.constant 3 : i32
    %dma_start3A_37 = arith.constant 3 : i32
    %dma_start3A_38 = arith.constant 0 : i32
    %dma_start3A_39 = arith.constant 0 : i32
    %dma_start3A_40 = tpu.memref_slice %arg9[%dma_start3A_37, %dma_start3A_38, %dma_start3A_39] : memref<4x128x64xbf16, #tpu.memory_space<vmem>> -> memref<1x128x64xbf16, #tpu.memory_space<vmem>>
    %dma_start3A_41 = tpu.memref_squeeze %dma_start3A_40 : memref<1x128x64xbf16, #tpu.memory_space<vmem>> -> memref<128x64xbf16, #tpu.memory_space<vmem>>
    %dma_start3A_42 = arith.constant 0 : i32
    %dma_start3A_43 = tpu.memref_slice %arg7[%dma_start3A_36, %dma_start3A_42] : memref<160x128xi32, #tpu.memory_space<vmem>> -> memref<1x128xi32, #tpu.memory_space<vmem>>
    %dma_start3A_44 = tpu.memref_squeeze %dma_start3A_43 : memref<1x128xi32, #tpu.memory_space<vmem>> -> memref<128xi32, #tpu.memory_space<vmem>>
    %dma_start3A_45 = arith.constant 0 : i32
    %dma_start3A_46 = arith.constant 0 : i32
    %dma_start3A_47 = tpu.memref_slice %arg2[%dma_start3A_45, %dma_start3A_46] : memref<20000x64xbf16, #tpu.memory_space<hbm>> -> memref<20000x64xbf16, #tpu.memory_space<hbm>>
    tpu.enqueue_indirect_dma source(%dma_start3A_47 : memref<20000x64xbf16, #tpu.memory_space<hbm>>) target(%dma_start3A_41 : memref<128x64xbf16, #tpu.memory_space<vmem>>) offsets(%dma_start3A_44 : memref<128xi32, #tpu.memory_space<vmem>>) semaphore(%arg14 : memref<!tpu.dma_semaphore, #tpu.memory_space<semaphore_mem>>)
    %barrier3A = arith.constant 0 : index
    tpu.barrier barrier_id(%barrier3A)
    %scan3A = arith.constant 0 : i32
    %scan3A_48 = arith.constant 0 : i32
    %scan3A_49 = arith.constant 40 : i32
    %scan3A_50 = arith.addi %scan3A_48, %scan3A_49 : i32
    %scan3A_51 = arith.constant 1 : i32
    scf.for %scan3A_60 = %scan3A_48 to %scan3A_50 step %scan3A_51  : i32 {
      %mul3A_61 = arith.constant 4 : i32
      %mul3A_62 = arith.muli %scan3A_60, %mul3A_61 : i32
      %add3A = arith.constant 0 : i32
      %add3A_63 = arith.addi %mul3A_62, %add3A : i32
      %dma_wait3A = arith.constant 0 : i32
      %dma_wait3A_64 = arith.constant 0 : i32
      %dma_wait3A_65 = arith.constant 0 : i32
      %dma_wait3A_66 = tpu.memref_slice %arg9[%dma_wait3A, %dma_wait3A_64, %dma_wait3A_65] : memref<4x128x64xbf16, #tpu.memory_space<vmem>> -> memref<1x128x64xbf16, #tpu.memory_space<vmem>>
      %dma_wait3A_67 = tpu.memref_squeeze %dma_wait3A_66 : memref<1x128x64xbf16, #tpu.memory_space<vmem>> -> memref<128x64xbf16, #tpu.memory_space<vmem>>
      %dma_wait3A_68 = arith.constant 0 : i32
      %dma_wait3A_69 = arith.constant 0 : i32
      %dma_wait3A_70 = tpu.memref_slice %arg2[%dma_wait3A_68, %dma_wait3A_69] : memref<20000x64xbf16, #tpu.memory_space<hbm>> -> memref<128x64xbf16, #tpu.memory_space<hbm>>
      %dma_wait3A_71 = arith.constant 0 : i32
      %dma_wait3A_72 = arith.constant 0 : i32
      %dma_wait3A_73 = tpu.memref_slice %arg9[%dma_wait3A, %dma_wait3A_71, %dma_wait3A_72] : memref<4x128x64xbf16, #tpu.memory_space<vmem>> -> memref<1x128x64xbf16, #tpu.memory_space<vmem>>
      %dma_wait3A_74 = tpu.memref_squeeze %dma_wait3A_73 : memref<1x128x64xbf16, #tpu.memory_space<vmem>> -> memref<128x64xbf16, #tpu.memory_space<vmem>>
      %dma_wait3A_75 = arith.constant 0 : i32
      %dma_wait3A_76 = arith.constant 0 : i32
      %dma_wait3A_77 = tpu.memref_slice %arg2[%dma_wait3A_75, %dma_wait3A_76] : memref<20000x64xbf16, #tpu.memory_space<hbm>> -> memref<128x64xbf16, #tpu.memory_space<hbm>>
      tpu.wait_dma2 semaphore(%arg11 : memref<!tpu.dma_semaphore, #tpu.memory_space<semaphore_mem>>) src(%dma_wait3A_77 : memref<128x64xbf16, #tpu.memory_space<hbm>>) dst(%dma_wait3A_74 : memref<128x64xbf16, #tpu.memory_space<vmem>>)
      %run_scoped3A = arith.constant 0 : i32
      "tpu.region"() ({
        %run_scoped3A_163 = tpu.sem_alloc : memref<!tpu.dma_semaphore, #tpu.memory_space<semaphore_mem>>
        %dma_start3A_164 = arith.constant 0 : i32
        %dma_start3A_165 = arith.constant 0 : i32
        %dma_start3A_166 = tpu.memref_slice %arg9[%run_scoped3A, %dma_start3A_164, %dma_start3A_165] : memref<4x128x64xbf16, #tpu.memory_space<vmem>> -> memref<1x128x64xbf16, #tpu.memory_space<vmem>>
        %dma_start3A_167 = tpu.memref_squeeze %dma_start3A_166 : memref<1x128x64xbf16, #tpu.memory_space<vmem>> -> memref<128x64xbf16, #tpu.memory_space<vmem>>
        %dma_start3A_168 = arith.constant 0 : i32
        %dma_start3A_169 = tpu.memref_slice %arg8[%add3A_63, %dma_start3A_168] : memref<160x128xi32, #tpu.memory_space<vmem>> -> memref<1x128xi32, #tpu.memory_space<vmem>>
        %dma_start3A_170 = tpu.memref_squeeze %dma_start3A_169 : memref<1x128xi32, #tpu.memory_space<vmem>> -> memref<128xi32, #tpu.memory_space<vmem>>
        %dma_start3A_171 = arith.constant 0 : i32
        %dma_start3A_172 = arith.constant 0 : i32
        %dma_start3A_173 = tpu.memref_slice %arg10[%dma_start3A_171, %dma_start3A_172] : memref<10112x64xbf16, #tpu.memory_space<vmem_shared>> -> memref<10112x64xbf16, #tpu.memory_space<vmem_shared>>
        tpu.enqueue_indirect_dma source(%dma_start3A_167 : memref<128x64xbf16, #tpu.memory_space<vmem>>) target(%dma_start3A_173 : memref<10112x64xbf16, #tpu.memory_space<vmem_shared>>) offsets(%dma_start3A_170 : memref<128xi32, #tpu.memory_space<vmem>>) semaphore(%run_scoped3A_163 : memref<!tpu.dma_semaphore, #tpu.memory_space<semaphore_mem>>) {add = true}
        %dma_wait3A_174 = arith.constant 0 : i32
        %dma_wait3A_175 = arith.constant 0 : i32
        %dma_wait3A_176 = tpu.memref_slice %arg9[%run_scoped3A, %dma_wait3A_174, %dma_wait3A_175] : memref<4x128x64xbf16, #tpu.memory_space<vmem>> -> memref<1x128x64xbf16, #tpu.memory_space<vmem>>
        %dma_wait3A_177 = tpu.memref_squeeze %dma_wait3A_176 : memref<1x128x64xbf16, #tpu.memory_space<vmem>> -> memref<128x64xbf16, #tpu.memory_space<vmem>>
        %dma_wait3A_178 = arith.constant 0 : i32
        %dma_wait3A_179 = tpu.memref_slice %arg8[%add3A_63, %dma_wait3A_178] : memref<160x128xi32, #tpu.memory_space<vmem>> -> memref<1x128xi32, #tpu.memory_space<vmem>>
        %dma_wait3A_180 = tpu.memref_squeeze %dma_wait3A_179 : memref<1x128xi32, #tpu.memory_space<vmem>> -> memref<128xi32, #tpu.memory_space<vmem>>
        %dma_wait3A_181 = arith.constant 0 : i32
        %dma_wait3A_182 = arith.constant 0 : i32
        %dma_wait3A_183 = tpu.memref_slice %arg10[%dma_wait3A_181, %dma_wait3A_182] : memref<10112x64xbf16, #tpu.memory_space<vmem_shared>> -> memref<10112x64xbf16, #tpu.memory_space<vmem_shared>>
        tpu.wait_indirect_dma semaphore(%run_scoped3A_163 : memref<!tpu.dma_semaphore, #tpu.memory_space<semaphore_mem>>) src(%dma_wait3A_177 : memref<128x64xbf16, #tpu.memory_space<vmem>>) dst(%dma_wait3A_183 : memref<10112x64xbf16, #tpu.memory_space<vmem_shared>>)
        tpu.yield
      }) : () -> ()
      %add3A_78 = arith.constant 4 : i32
      %add3A_79 = arith.addi %add3A_63, %add3A_78 : i32
      %lt3A = arith.constant 160 : i32
      %lt3A_80 = arith.cmpi slt, %add3A_79, %lt3A : i32
      %convert_element_type3A = arith.extui %lt3A_80 : i1 to i32
      %cond3A = arith.constant 0 : i32
      %cond3A_81 = arith.cmpi ne, %convert_element_type3A, %cond3A : i32
      scf.if %cond3A_81 {
        %add3A_163 = arith.constant 4 : i32
        %add3A_164 = arith.addi %add3A_63, %add3A_163 : i32
        %dma_start3A_165 = arith.constant 0 : i32
        %dma_start3A_166 = arith.constant 0 : i32
        %dma_start3A_167 = arith.constant 0 : i32
        %dma_start3A_168 = tpu.memref_slice %arg9[%dma_start3A_165, %dma_start3A_166, %dma_start3A_167] : memref<4x128x64xbf16, #tpu.memory_space<vmem>> -> memref<1x128x64xbf16, #tpu.memory_space<vmem>>
        %dma_start3A_169 = tpu.memref_squeeze %dma_start3A_168 : memref<1x128x64xbf16, #tpu.memory_space<vmem>> -> memref<128x64xbf16, #tpu.memory_space<vmem>>
        %dma_start3A_170 = arith.constant 0 : i32
        %dma_start3A_171 = tpu.memref_slice %arg7[%add3A_164, %dma_start3A_170] : memref<160x128xi32, #tpu.memory_space<vmem>> -> memref<1x128xi32, #tpu.memory_space<vmem>>
        %dma_start3A_172 = tpu.memref_squeeze %dma_start3A_171 : memref<1x128xi32, #tpu.memory_space<vmem>> -> memref<128xi32, #tpu.memory_space<vmem>>
        %dma_start3A_173 = arith.constant 0 : i32
        %dma_start3A_174 = arith.constant 0 : i32
        %dma_start3A_175 = tpu.memref_slice %arg2[%dma_start3A_173, %dma_start3A_174] : memref<20000x64xbf16, #tpu.memory_space<hbm>> -> memref<20000x64xbf16, #tpu.memory_space<hbm>>
        tpu.enqueue_indirect_dma source(%dma_start3A_175 : memref<20000x64xbf16, #tpu.memory_space<hbm>>) target(%dma_start3A_169 : memref<128x64xbf16, #tpu.memory_space<vmem>>) offsets(%dma_start3A_172 : memref<128xi32, #tpu.memory_space<vmem>>) semaphore(%arg11 : memref<!tpu.dma_semaphore, #tpu.memory_space<semaphore_mem>>)
      } else {
      }
      %mul3A_82 = arith.constant 4 : i32
      %mul3A_83 = arith.muli %scan3A_60, %mul3A_82 : i32
      %add3A_84 = arith.constant 1 : i32
      %add3A_85 = arith.addi %mul3A_83, %add3A_84 : i32
      %dma_wait3A_86 = arith.constant 1 : i32
      %dma_wait3A_87 = arith.constant 0 : i32
      %dma_wait3A_88 = arith.constant 0 : i32
      %dma_wait3A_89 = tpu.memref_slice %arg9[%dma_wait3A_86, %dma_wait3A_87, %dma_wait3A_88] : memref<4x128x64xbf16, #tpu.memory_space<vmem>> -> memref<1x128x64xbf16, #tpu.memory_space<vmem>>
      %dma_wait3A_90 = tpu.memref_squeeze %dma_wait3A_89 : memref<1x128x64xbf16, #tpu.memory_space<vmem>> -> memref<128x64xbf16, #tpu.memory_space<vmem>>
      %dma_wait3A_91 = arith.constant 0 : i32
      %dma_wait3A_92 = arith.constant 0 : i32
      %dma_wait3A_93 = tpu.memref_slice %arg2[%dma_wait3A_91, %dma_wait3A_92] : memref<20000x64xbf16, #tpu.memory_space<hbm>> -> memref<128x64xbf16, #tpu.memory_space<hbm>>
      %dma_wait3A_94 = arith.constant 0 : i32
      %dma_wait3A_95 = arith.constant 0 : i32
      %dma_wait3A_96 = tpu.memref_slice %arg9[%dma_wait3A_86, %dma_wait3A_94, %dma_wait3A_95] : memref<4x128x64xbf16, #tpu.memory_space<vmem>> -> memref<1x128x64xbf16, #tpu.memory_space<vmem>>
      %dma_wait3A_97 = tpu.memref_squeeze %dma_wait3A_96 : memref<1x128x64xbf16, #tpu.memory_space<vmem>> -> memref<128x64xbf16, #tpu.memory_space<vmem>>
      %dma_wait3A_98 = arith.constant 0 : i32
      %dma_wait3A_99 = arith.constant 0 : i32
      %dma_wait3A_100 = tpu.memref_slice %arg2[%dma_wait3A_98, %dma_wait3A_99] : memref<20000x64xbf16, #tpu.memory_space<hbm>> -> memref<128x64xbf16, #tpu.memory_space<hbm>>
      tpu.wait_dma2 semaphore(%arg12 : memref<!tpu.dma_semaphore, #tpu.memory_space<semaphore_mem>>) src(%dma_wait3A_100 : memref<128x64xbf16, #tpu.memory_space<hbm>>) dst(%dma_wait3A_97 : memref<128x64xbf16, #tpu.memory_space<vmem>>)
      %run_scoped3A_101 = arith.constant 1 : i32
      "tpu.region"() ({
        %run_scoped3A_163 = tpu.sem_alloc : memref<!tpu.dma_semaphore, #tpu.memory_space<semaphore_mem>>
        %dma_start3A_164 = arith.constant 0 : i32
        %dma_start3A_165 = arith.constant 0 : i32
        %dma_start3A_166 = tpu.memref_slice %arg9[%run_scoped3A_101, %dma_start3A_164, %dma_start3A_165] : memref<4x128x64xbf16, #tpu.memory_space<vmem>> -> memref<1x128x64xbf16, #tpu.memory_space<vmem>>
        %dma_start3A_167 = tpu.memref_squeeze %dma_start3A_166 : memref<1x128x64xbf16, #tpu.memory_space<vmem>> -> memref<128x64xbf16, #tpu.memory_space<vmem>>
        %dma_start3A_168 = arith.constant 0 : i32
        %dma_start3A_169 = tpu.memref_slice %arg8[%add3A_85, %dma_start3A_168] : memref<160x128xi32, #tpu.memory_space<vmem>> -> memref<1x128xi32, #tpu.memory_space<vmem>>
        %dma_start3A_170 = tpu.memref_squeeze %dma_start3A_169 : memref<1x128xi32, #tpu.memory_space<vmem>> -> memref<128xi32, #tpu.memory_space<vmem>>
        %dma_start3A_171 = arith.constant 0 : i32
        %dma_start3A_172 = arith.constant 0 : i32
        %dma_start3A_173 = tpu.memref_slice %arg10[%dma_start3A_171, %dma_start3A_172] : memref<10112x64xbf16, #tpu.memory_space<vmem_shared>> -> memref<10112x64xbf16, #tpu.memory_space<vmem_shared>>
        tpu.enqueue_indirect_dma source(%dma_start3A_167 : memref<128x64xbf16, #tpu.memory_space<vmem>>) target(%dma_start3A_173 : memref<10112x64xbf16, #tpu.memory_space<vmem_shared>>) offsets(%dma_start3A_170 : memref<128xi32, #tpu.memory_space<vmem>>) semaphore(%run_scoped3A_163 : memref<!tpu.dma_semaphore, #tpu.memory_space<semaphore_mem>>) {add = true}
        %dma_wait3A_174 = arith.constant 0 : i32
        %dma_wait3A_175 = arith.constant 0 : i32
        %dma_wait3A_176 = tpu.memref_slice %arg9[%run_scoped3A_101, %dma_wait3A_174, %dma_wait3A_175] : memref<4x128x64xbf16, #tpu.memory_space<vmem>> -> memref<1x128x64xbf16, #tpu.memory_space<vmem>>
        %dma_wait3A_177 = tpu.memref_squeeze %dma_wait3A_176 : memref<1x128x64xbf16, #tpu.memory_space<vmem>> -> memref<128x64xbf16, #tpu.memory_space<vmem>>
        %dma_wait3A_178 = arith.constant 0 : i32
        %dma_wait3A_179 = tpu.memref_slice %arg8[%add3A_85, %dma_wait3A_178] : memref<160x128xi32, #tpu.memory_space<vmem>> -> memref<1x128xi32, #tpu.memory_space<vmem>>
        %dma_wait3A_180 = tpu.memref_squeeze %dma_wait3A_179 : memref<1x128xi32, #tpu.memory_space<vmem>> -> memref<128xi32, #tpu.memory_space<vmem>>
        %dma_wait3A_181 = arith.constant 0 : i32
        %dma_wait3A_182 = arith.constant 0 : i32
        %dma_wait3A_183 = tpu.memref_slice %arg10[%dma_wait3A_181, %dma_wait3A_182] : memref<10112x64xbf16, #tpu.memory_space<vmem_shared>> -> memref<10112x64xbf16, #tpu.memory_space<vmem_shared>>
        tpu.wait_indirect_dma semaphore(%run_scoped3A_163 : memref<!tpu.dma_semaphore, #tpu.memory_space<semaphore_mem>>) src(%dma_wait3A_177 : memref<128x64xbf16, #tpu.memory_space<vmem>>) dst(%dma_wait3A_183 : memref<10112x64xbf16, #tpu.memory_space<vmem_shared>>)
        tpu.yield
      }) : () -> ()
      %add3A_102 = arith.constant 4 : i32
      %add3A_103 = arith.addi %add3A_85, %add3A_102 : i32
      %lt3A_104 = arith.constant 160 : i32
      %lt3A_105 = arith.cmpi slt, %add3A_103, %lt3A_104 : i32
      %convert_element_type3A_106 = arith.extui %lt3A_105 : i1 to i32
      %cond3A_107 = arith.constant 0 : i32
      %cond3A_108 = arith.cmpi ne, %convert_element_type3A_106, %cond3A_107 : i32
      scf.if %cond3A_108 {
        %add3A_163 = arith.constant 4 : i32
        %add3A_164 = arith.addi %add3A_85, %add3A_163 : i32
        %dma_start3A_165 = arith.constant 1 : i32
        %dma_start3A_166 = arith.constant 0 : i32
        %dma_start3A_167 = arith.constant 0 : i32
        %dma_start3A_168 = tpu.memref_slice %arg9[%dma_start3A_165, %dma_start3A_166, %dma_start3A_167] : memref<4x128x64xbf16, #tpu.memory_space<vmem>> -> memref<1x128x64xbf16, #tpu.memory_space<vmem>>
        %dma_start3A_169 = tpu.memref_squeeze %dma_start3A_168 : memref<1x128x64xbf16, #tpu.memory_space<vmem>> -> memref<128x64xbf16, #tpu.memory_space<vmem>>
        %dma_start3A_170 = arith.constant 0 : i32
        %dma_start3A_171 = tpu.memref_slice %arg7[%add3A_164, %dma_start3A_170] : memref<160x128xi32, #tpu.memory_space<vmem>> -> memref<1x128xi32, #tpu.memory_space<vmem>>
        %dma_start3A_172 = tpu.memref_squeeze %dma_start3A_171 : memref<1x128xi32, #tpu.memory_space<vmem>> -> memref<128xi32, #tpu.memory_space<vmem>>
        %dma_start3A_173 = arith.constant 0 : i32
        %dma_start3A_174 = arith.constant 0 : i32
        %dma_start3A_175 = tpu.memref_slice %arg2[%dma_start3A_173, %dma_start3A_174] : memref<20000x64xbf16, #tpu.memory_space<hbm>> -> memref<20000x64xbf16, #tpu.memory_space<hbm>>
        tpu.enqueue_indirect_dma source(%dma_start3A_175 : memref<20000x64xbf16, #tpu.memory_space<hbm>>) target(%dma_start3A_169 : memref<128x64xbf16, #tpu.memory_space<vmem>>) offsets(%dma_start3A_172 : memref<128xi32, #tpu.memory_space<vmem>>) semaphore(%arg12 : memref<!tpu.dma_semaphore, #tpu.memory_space<semaphore_mem>>)
      } else {
      }
      %mul3A_109 = arith.constant 4 : i32
      %mul3A_110 = arith.muli %scan3A_60, %mul3A_109 : i32
      %add3A_111 = arith.constant 2 : i32
      %add3A_112 = arith.addi %mul3A_110, %add3A_111 : i32
      %dma_wait3A_113 = arith.constant 2 : i32
      %dma_wait3A_114 = arith.constant 0 : i32
      %dma_wait3A_115 = arith.constant 0 : i32
      %dma_wait3A_116 = tpu.memref_slice %arg9[%dma_wait3A_113, %dma_wait3A_114, %dma_wait3A_115] : memref<4x128x64xbf16, #tpu.memory_space<vmem>> -> memref<1x128x64xbf16, #tpu.memory_space<vmem>>
      %dma_wait3A_117 = tpu.memref_squeeze %dma_wait3A_116 : memref<1x128x64xbf16, #tpu.memory_space<vmem>> -> memref<128x64xbf16, #tpu.memory_space<vmem>>
      %dma_wait3A_118 = arith.constant 0 : i32
      %dma_wait3A_119 = arith.constant 0 : i32
      %dma_wait3A_120 = tpu.memref_slice %arg2[%dma_wait3A_118, %dma_wait3A_119] : memref<20000x64xbf16, #tpu.memory_space<hbm>> -> memref<128x64xbf16, #tpu.memory_space<hbm>>
      %dma_wait3A_121 = arith.constant 0 : i32
      %dma_wait3A_122 = arith.constant 0 : i32
      %dma_wait3A_123 = tpu.memref_slice %arg9[%dma_wait3A_113, %dma_wait3A_121, %dma_wait3A_122] : memref<4x128x64xbf16, #tpu.memory_space<vmem>> -> memref<1x128x64xbf16, #tpu.memory_space<vmem>>
      %dma_wait3A_124 = tpu.memref_squeeze %dma_wait3A_123 : memref<1x128x64xbf16, #tpu.memory_space<vmem>> -> memref<128x64xbf16, #tpu.memory_space<vmem>>
      %dma_wait3A_125 = arith.constant 0 : i32
      %dma_wait3A_126 = arith.constant 0 : i32
      %dma_wait3A_127 = tpu.memref_slice %arg2[%dma_wait3A_125, %dma_wait3A_126] : memref<20000x64xbf16, #tpu.memory_space<hbm>> -> memref<128x64xbf16, #tpu.memory_space<hbm>>
      tpu.wait_dma2 semaphore(%arg13 : memref<!tpu.dma_semaphore, #tpu.memory_space<semaphore_mem>>) src(%dma_wait3A_127 : memref<128x64xbf16, #tpu.memory_space<hbm>>) dst(%dma_wait3A_124 : memref<128x64xbf16, #tpu.memory_space<vmem>>)
      %run_scoped3A_128 = arith.constant 2 : i32
      "tpu.region"() ({
        %run_scoped3A_163 = tpu.sem_alloc : memref<!tpu.dma_semaphore, #tpu.memory_space<semaphore_mem>>
        %dma_start3A_164 = arith.constant 0 : i32
        %dma_start3A_165 = arith.constant 0 : i32
        %dma_start3A_166 = tpu.memref_slice %arg9[%run_scoped3A_128, %dma_start3A_164, %dma_start3A_165] : memref<4x128x64xbf16, #tpu.memory_space<vmem>> -> memref<1x128x64xbf16, #tpu.memory_space<vmem>>
        %dma_start3A_167 = tpu.memref_squeeze %dma_start3A_166 : memref<1x128x64xbf16, #tpu.memory_space<vmem>> -> memref<128x64xbf16, #tpu.memory_space<vmem>>
        %dma_start3A_168 = arith.constant 0 : i32
        %dma_start3A_169 = tpu.memref_slice %arg8[%add3A_112, %dma_start3A_168] : memref<160x128xi32, #tpu.memory_space<vmem>> -> memref<1x128xi32, #tpu.memory_space<vmem>>
        %dma_start3A_170 = tpu.memref_squeeze %dma_start3A_169 : memref<1x128xi32, #tpu.memory_space<vmem>> -> memref<128xi32, #tpu.memory_space<vmem>>
        %dma_start3A_171 = arith.constant 0 : i32
        %dma_start3A_172 = arith.constant 0 : i32
        %dma_start3A_173 = tpu.memref_slice %arg10[%dma_start3A_171, %dma_start3A_172] : memref<10112x64xbf16, #tpu.memory_space<vmem_shared>> -> memref<10112x64xbf16, #tpu.memory_space<vmem_shared>>
        tpu.enqueue_indirect_dma source(%dma_start3A_167 : memref<128x64xbf16, #tpu.memory_space<vmem>>) target(%dma_start3A_173 : memref<10112x64xbf16, #tpu.memory_space<vmem_shared>>) offsets(%dma_start3A_170 : memref<128xi32, #tpu.memory_space<vmem>>) semaphore(%run_scoped3A_163 : memref<!tpu.dma_semaphore, #tpu.memory_space<semaphore_mem>>) {add = true}
        %dma_wait3A_174 = arith.constant 0 : i32
        %dma_wait3A_175 = arith.constant 0 : i32
        %dma_wait3A_176 = tpu.memref_slice %arg9[%run_scoped3A_128, %dma_wait3A_174, %dma_wait3A_175] : memref<4x128x64xbf16, #tpu.memory_space<vmem>> -> memref<1x128x64xbf16, #tpu.memory_space<vmem>>
        %dma_wait3A_177 = tpu.memref_squeeze %dma_wait3A_176 : memref<1x128x64xbf16, #tpu.memory_space<vmem>> -> memref<128x64xbf16, #tpu.memory_space<vmem>>
        %dma_wait3A_178 = arith.constant 0 : i32
        %dma_wait3A_179 = tpu.memref_slice %arg8[%add3A_112, %dma_wait3A_178] : memref<160x128xi32, #tpu.memory_space<vmem>> -> memref<1x128xi32, #tpu.memory_space<vmem>>
        %dma_wait3A_180 = tpu.memref_squeeze %dma_wait3A_179 : memref<1x128xi32, #tpu.memory_space<vmem>> -> memref<128xi32, #tpu.memory_space<vmem>>
        %dma_wait3A_181 = arith.constant 0 : i32
        %dma_wait3A_182 = arith.constant 0 : i32
        %dma_wait3A_183 = tpu.memref_slice %arg10[%dma_wait3A_181, %dma_wait3A_182] : memref<10112x64xbf16, #tpu.memory_space<vmem_shared>> -> memref<10112x64xbf16, #tpu.memory_space<vmem_shared>>
        tpu.wait_indirect_dma semaphore(%run_scoped3A_163 : memref<!tpu.dma_semaphore, #tpu.memory_space<semaphore_mem>>) src(%dma_wait3A_177 : memref<128x64xbf16, #tpu.memory_space<vmem>>) dst(%dma_wait3A_183 : memref<10112x64xbf16, #tpu.memory_space<vmem_shared>>)
        tpu.yield
      }) : () -> ()
      %add3A_129 = arith.constant 4 : i32
      %add3A_130 = arith.addi %add3A_112, %add3A_129 : i32
      %lt3A_131 = arith.constant 160 : i32
      %lt3A_132 = arith.cmpi slt, %add3A_130, %lt3A_131 : i32
      %convert_element_type3A_133 = arith.extui %lt3A_132 : i1 to i32
      %cond3A_134 = arith.constant 0 : i32
      %cond3A_135 = arith.cmpi ne, %convert_element_type3A_133, %cond3A_134 : i32
      scf.if %cond3A_135 {
        %add3A_163 = arith.constant 4 : i32
        %add3A_164 = arith.addi %add3A_112, %add3A_163 : i32
        %dma_start3A_165 = arith.constant 2 : i32
        %dma_start3A_166 = arith.constant 0 : i32
        %dma_start3A_167 = arith.constant 0 : i32
        %dma_start3A_168 = tpu.memref_slice %arg9[%dma_start3A_165, %dma_start3A_166, %dma_start3A_167] : memref<4x128x64xbf16, #tpu.memory_space<vmem>> -> memref<1x128x64xbf16, #tpu.memory_space<vmem>>
        %dma_start3A_169 = tpu.memref_squeeze %dma_start3A_168 : memref<1x128x64xbf16, #tpu.memory_space<vmem>> -> memref<128x64xbf16, #tpu.memory_space<vmem>>
        %dma_start3A_170 = arith.constant 0 : i32
        %dma_start3A_171 = tpu.memref_slice %arg7[%add3A_164, %dma_start3A_170] : memref<160x128xi32, #tpu.memory_space<vmem>> -> memref<1x128xi32, #tpu.memory_space<vmem>>
        %dma_start3A_172 = tpu.memref_squeeze %dma_start3A_171 : memref<1x128xi32, #tpu.memory_space<vmem>> -> memref<128xi32, #tpu.memory_space<vmem>>
        %dma_start3A_173 = arith.constant 0 : i32
        %dma_start3A_174 = arith.constant 0 : i32
        %dma_start3A_175 = tpu.memref_slice %arg2[%dma_start3A_173, %dma_start3A_174] : memref<20000x64xbf16, #tpu.memory_space<hbm>> -> memref<20000x64xbf16, #tpu.memory_space<hbm>>
        tpu.enqueue_indirect_dma source(%dma_start3A_175 : memref<20000x64xbf16, #tpu.memory_space<hbm>>) target(%dma_start3A_169 : memref<128x64xbf16, #tpu.memory_space<vmem>>) offsets(%dma_start3A_172 : memref<128xi32, #tpu.memory_space<vmem>>) semaphore(%arg13 : memref<!tpu.dma_semaphore, #tpu.memory_space<semaphore_mem>>)
      } else {
      }
      %mul3A_136 = arith.constant 4 : i32
      %mul3A_137 = arith.muli %scan3A_60, %mul3A_136 : i32
      %add3A_138 = arith.constant 3 : i32
      %add3A_139 = arith.addi %mul3A_137, %add3A_138 : i32
      %dma_wait3A_140 = arith.constant 3 : i32
      %dma_wait3A_141 = arith.constant 0 : i32
      %dma_wait3A_142 = arith.constant 0 : i32
      %dma_wait3A_143 = tpu.memref_slice %arg9[%dma_wait3A_140, %dma_wait3A_141, %dma_wait3A_142] : memref<4x128x64xbf16, #tpu.memory_space<vmem>> -> memref<1x128x64xbf16, #tpu.memory_space<vmem>>
      %dma_wait3A_144 = tpu.memref_squeeze %dma_wait3A_143 : memref<1x128x64xbf16, #tpu.memory_space<vmem>> -> memref<128x64xbf16, #tpu.memory_space<vmem>>
      %dma_wait3A_145 = arith.constant 0 : i32
      %dma_wait3A_146 = arith.constant 0 : i32
      %dma_wait3A_147 = tpu.memref_slice %arg2[%dma_wait3A_145, %dma_wait3A_146] : memref<20000x64xbf16, #tpu.memory_space<hbm>> -> memref<128x64xbf16, #tpu.memory_space<hbm>>
      %dma_wait3A_148 = arith.constant 0 : i32
      %dma_wait3A_149 = arith.constant 0 : i32
      %dma_wait3A_150 = tpu.memref_slice %arg9[%dma_wait3A_140, %dma_wait3A_148, %dma_wait3A_149] : memref<4x128x64xbf16, #tpu.memory_space<vmem>> -> memref<1x128x64xbf16, #tpu.memory_space<vmem>>
      %dma_wait3A_151 = tpu.memref_squeeze %dma_wait3A_150 : memref<1x128x64xbf16, #tpu.memory_space<vmem>> -> memref<128x64xbf16, #tpu.memory_space<vmem>>
      %dma_wait3A_152 = arith.constant 0 : i32
      %dma_wait3A_153 = arith.constant 0 : i32
      %dma_wait3A_154 = tpu.memref_slice %arg2[%dma_wait3A_152, %dma_wait3A_153] : memref<20000x64xbf16, #tpu.memory_space<hbm>> -> memref<128x64xbf16, #tpu.memory_space<hbm>>
      tpu.wait_dma2 semaphore(%arg14 : memref<!tpu.dma_semaphore, #tpu.memory_space<semaphore_mem>>) src(%dma_wait3A_154 : memref<128x64xbf16, #tpu.memory_space<hbm>>) dst(%dma_wait3A_151 : memref<128x64xbf16, #tpu.memory_space<vmem>>)
      %run_scoped3A_155 = arith.constant 3 : i32
      "tpu.region"() ({
        %run_scoped3A_163 = tpu.sem_alloc : memref<!tpu.dma_semaphore, #tpu.memory_space<semaphore_mem>>
        %dma_start3A_164 = arith.constant 0 : i32
        %dma_start3A_165 = arith.constant 0 : i32
        %dma_start3A_166 = tpu.memref_slice %arg9[%run_scoped3A_155, %dma_start3A_164, %dma_start3A_165] : memref<4x128x64xbf16, #tpu.memory_space<vmem>> -> memref<1x128x64xbf16, #tpu.memory_space<vmem>>
        %dma_start3A_167 = tpu.memref_squeeze %dma_start3A_166 : memref<1x128x64xbf16, #tpu.memory_space<vmem>> -> memref<128x64xbf16, #tpu.memory_space<vmem>>
        %dma_start3A_168 = arith.constant 0 : i32
        %dma_start3A_169 = tpu.memref_slice %arg8[%add3A_139, %dma_start3A_168] : memref<160x128xi32, #tpu.memory_space<vmem>> -> memref<1x128xi32, #tpu.memory_space<vmem>>
        %dma_start3A_170 = tpu.memref_squeeze %dma_start3A_169 : memref<1x128xi32, #tpu.memory_space<vmem>> -> memref<128xi32, #tpu.memory_space<vmem>>
        %dma_start3A_171 = arith.constant 0 : i32
        %dma_start3A_172 = arith.constant 0 : i32
        %dma_start3A_173 = tpu.memref_slice %arg10[%dma_start3A_171, %dma_start3A_172] : memref<10112x64xbf16, #tpu.memory_space<vmem_shared>> -> memref<10112x64xbf16, #tpu.memory_space<vmem_shared>>
        tpu.enqueue_indirect_dma source(%dma_start3A_167 : memref<128x64xbf16, #tpu.memory_space<vmem>>) target(%dma_start3A_173 : memref<10112x64xbf16, #tpu.memory_space<vmem_shared>>) offsets(%dma_start3A_170 : memref<128xi32, #tpu.memory_space<vmem>>) semaphore(%run_scoped3A_163 : memref<!tpu.dma_semaphore, #tpu.memory_space<semaphore_mem>>) {add = true}
        %dma_wait3A_174 = arith.constant 0 : i32
        %dma_wait3A_175 = arith.constant 0 : i32
        %dma_wait3A_176 = tpu.memref_slice %arg9[%run_scoped3A_155, %dma_wait3A_174, %dma_wait3A_175] : memref<4x128x64xbf16, #tpu.memory_space<vmem>> -> memref<1x128x64xbf16, #tpu.memory_space<vmem>>
        %dma_wait3A_177 = tpu.memref_squeeze %dma_wait3A_176 : memref<1x128x64xbf16, #tpu.memory_space<vmem>> -> memref<128x64xbf16, #tpu.memory_space<vmem>>
        %dma_wait3A_178 = arith.constant 0 : i32
        %dma_wait3A_179 = tpu.memref_slice %arg8[%add3A_139, %dma_wait3A_178] : memref<160x128xi32, #tpu.memory_space<vmem>> -> memref<1x128xi32, #tpu.memory_space<vmem>>
        %dma_wait3A_180 = tpu.memref_squeeze %dma_wait3A_179 : memref<1x128xi32, #tpu.memory_space<vmem>> -> memref<128xi32, #tpu.memory_space<vmem>>
        %dma_wait3A_181 = arith.constant 0 : i32
        %dma_wait3A_182 = arith.constant 0 : i32
        %dma_wait3A_183 = tpu.memref_slice %arg10[%dma_wait3A_181, %dma_wait3A_182] : memref<10112x64xbf16, #tpu.memory_space<vmem_shared>> -> memref<10112x64xbf16, #tpu.memory_space<vmem_shared>>
        tpu.wait_indirect_dma semaphore(%run_scoped3A_163 : memref<!tpu.dma_semaphore, #tpu.memory_space<semaphore_mem>>) src(%dma_wait3A_177 : memref<128x64xbf16, #tpu.memory_space<vmem>>) dst(%dma_wait3A_183 : memref<10112x64xbf16, #tpu.memory_space<vmem_shared>>)
        tpu.yield
      }) : () -> ()
      %add3A_156 = arith.constant 4 : i32
      %add3A_157 = arith.addi %add3A_139, %add3A_156 : i32
      %lt3A_158 = arith.constant 160 : i32
      %lt3A_159 = arith.cmpi slt, %add3A_157, %lt3A_158 : i32
      %convert_element_type3A_160 = arith.extui %lt3A_159 : i1 to i32
      %cond3A_161 = arith.constant 0 : i32
      %cond3A_162 = arith.cmpi ne, %convert_element_type3A_160, %cond3A_161 : i32
      scf.if %cond3A_162 {
        %add3A_163 = arith.constant 4 : i32
        %add3A_164 = arith.addi %add3A_139, %add3A_163 : i32
        %dma_start3A_165 = arith.constant 3 : i32
        %dma_start3A_166 = arith.constant 0 : i32
        %dma_start3A_167 = arith.constant 0 : i32
        %dma_start3A_168 = tpu.memref_slice %arg9[%dma_start3A_165, %dma_start3A_166, %dma_start3A_167] : memref<4x128x64xbf16, #tpu.memory_space<vmem>> -> memref<1x128x64xbf16, #tpu.memory_space<vmem>>
        %dma_start3A_169 = tpu.memref_squeeze %dma_start3A_168 : memref<1x128x64xbf16, #tpu.memory_space<vmem>> -> memref<128x64xbf16, #tpu.memory_space<vmem>>
        %dma_start3A_170 = arith.constant 0 : i32
        %dma_start3A_171 = tpu.memref_slice %arg7[%add3A_164, %dma_start3A_170] : memref<160x128xi32, #tpu.memory_space<vmem>> -> memref<1x128xi32, #tpu.memory_space<vmem>>
        %dma_start3A_172 = tpu.memref_squeeze %dma_start3A_171 : memref<1x128xi32, #tpu.memory_space<vmem>> -> memref<128xi32, #tpu.memory_space<vmem>>
        %dma_start3A_173 = arith.constant 0 : i32
        %dma_start3A_174 = arith.constant 0 : i32
        %dma_start3A_175 = tpu.memref_slice %arg2[%dma_start3A_173, %dma_start3A_174] : memref<20000x64xbf16, #tpu.memory_space<hbm>> -> memref<20000x64xbf16, #tpu.memory_space<hbm>>
        tpu.enqueue_indirect_dma source(%dma_start3A_175 : memref<20000x64xbf16, #tpu.memory_space<hbm>>) target(%dma_start3A_169 : memref<128x64xbf16, #tpu.memory_space<vmem>>) offsets(%dma_start3A_172 : memref<128xi32, #tpu.memory_space<vmem>>) semaphore(%arg14 : memref<!tpu.dma_semaphore, #tpu.memory_space<semaphore_mem>>)
      } else {
      }
    }
    %scan3A_52 = arith.constant 40 : i32
    %barrier3A_53 = arith.constant 0 : index
    tpu.barrier barrier_id(%barrier3A_53)
    %mul3A_54 = arith.constant 632 : i32
    %mul3A_55 = arith.muli %arg1, %mul3A_54 : i32
    %mul3A_56 = arith.constant 632 : i32
    %mul3A_57 = arith.muli %arg1, %mul3A_56 : i32
    %mul3A_58 = arith.constant 64 : i32
    %mul3A_59 = arith.muli %arg0, %mul3A_58 : i32
    "tpu.region"() ({
      %run_scoped3A = tpu.sem_alloc : memref<!tpu.dma_semaphore, #tpu.memory_space<semaphore_mem>>
      %dma_start3A_60 = tpu.memref_slice %arg6[%mul3A_57, %mul3A_59] : memref<10112x128xbf16, #tpu.memory_space<hbm>> -> memref<632x64xbf16, #tpu.memory_space<hbm>>
      %dma_start3A_61 = arith.constant 0 : i32
      %dma_start3A_62 = tpu.memref_slice %arg10[%mul3A_55, %dma_start3A_61] : memref<10112x64xbf16, #tpu.memory_space<vmem_shared>> -> memref<632x64xbf16, #tpu.memory_space<vmem_shared>>
      tpu.enqueue_dma source(%dma_start3A_62 : memref<632x64xbf16, #tpu.memory_space<vmem_shared>>) target(%dma_start3A_60 : memref<632x64xbf16, #tpu.memory_space<hbm>>) target_semaphore(%run_scoped3A : memref<!tpu.dma_semaphore, #tpu.memory_space<semaphore_mem>>)
      %dma_wait3A = tpu.memref_slice %arg6[%mul3A_57, %mul3A_59] : memref<10112x128xbf16, #tpu.memory_space<hbm>> -> memref<632x64xbf16, #tpu.memory_space<hbm>>
      %dma_wait3A_63 = arith.constant 0 : i32
      %dma_wait3A_64 = tpu.memref_slice %arg10[%mul3A_55, %dma_wait3A_63] : memref<10112x64xbf16, #tpu.memory_space<vmem_shared>> -> memref<632x64xbf16, #tpu.memory_space<vmem_shared>>
      tpu.wait_dma2 semaphore(%run_scoped3A : memref<!tpu.dma_semaphore, #tpu.memory_space<semaphore_mem>>) src(%dma_wait3A_64 : memref<632x64xbf16, #tpu.memory_space<vmem_shared>>) dst(%dma_wait3A : memref<632x64xbf16, #tpu.memory_space<hbm>>)
      tpu.yield
    }) : () -> ()
    return
  }
}

#map = affine_map<(d0, d1) -> (0, 0)>
#map1 = affine_map<(d0, d1) -> (0, 0, 0, 0)>
#map2 = affine_map<(d0, d1) -> (0, 0, 0)>
module attributes {stable_mosaic.version = 14 : i64} {
  func.func @k(%arg0: i32, %arg1: i32, %arg2: memref<20000x64xbf16, #tpu.memory_space<hbm>>, %arg3: memref<2x16x160x128xi32, #tpu.memory_space<hbm>>, %arg4: memref<16x160x128xi32, #tpu.memory_space<hbm>>, %arg5: memref<632x64xbf16, #tpu.memory_space<hbm>>, %arg6: memref<10112x128xbf16, #tpu.memory_space<hbm>>, %arg7: memref<160x128xi32, #tpu.memory_space<vmem>>, %arg8: memref<160x128xi32, #tpu.memory_space<vmem>>, %arg9: memref<4x128x64xbf16, #tpu.memory_space<vmem>>, %arg10: memref<10112x64xbf16, #tpu.memory_space<vmem_shared>>, %arg11: memref<!tpu.dma_semaphore, #tpu.memory_space<semaphore_mem>>, %arg12: memref<!tpu.dma_semaphore, #tpu.memory_space<semaphore_mem>>, %arg13: memref<!tpu.dma_semaphore, #tpu.memory_space<semaphore_mem>>, %arg14: memref<!tpu.dma_semaphore, #tpu.memory_space<semaphore_mem>>) attributes {dimension_semantics = [#tpu.dimension_semantics<core_parallel>, #tpu.dimension_semantics<subcore_parallel>], iteration_bounds = array<i64: 2, 16>, scalar_prefetch = 0 : i64, scratch_operands = 8 : i64, tpu.core_type = #tpu.core_type<sc_vector_subcore>, window_params = [{transform_indices = #map}, {transform_indices = #map1}, {transform_indices = #map2}, {transform_indices = #map}, {transform_indices = #map}]} {
    "tpu.region"() ({
      %run_scoped3A = tpu.sem_alloc : memref<!tpu.dma_semaphore, #tpu.memory_space<semaphore_mem>>
      %dma_start3A_60 = arith.constant 0 : i32
      %dma_start3A_61 = arith.constant 0 : i32
      %dma_start3A_62 = tpu.memref_slice %arg3[%arg0, %arg1, %dma_start3A_60, %dma_start3A_61] : memref<2x16x160x128xi32, #tpu.memory_space<hbm>> -> memref<1x1x160x128xi32, #tpu.memory_space<hbm>>
      %dma_start3A_63 = tpu.memref_squeeze %dma_start3A_62 : memref<1x1x160x128xi32, #tpu.memory_space<hbm>> -> memref<160x128xi32, #tpu.memory_space<hbm>>
      %dma_start3A_64 = arith.constant 0 : i32
      %dma_start3A_65 = arith.constant 0 : i32
      %dma_start3A_66 = tpu.memref_slice %arg3[%arg0, %arg1, %dma_start3A_64, %dma_start3A_65] : memref<2x16x160x128xi32, #tpu.memory_space<hbm>> -> memref<1x1x160x128xi32, #tpu.memory_space<hbm>>
      %dma_start3A_67 = tpu.memref_squeeze %dma_start3A_66 : memref<1x1x160x128xi32, #tpu.memory_space<hbm>> -> memref<160x128xi32, #tpu.memory_space<hbm>>
      tpu.enqueue_dma source(%dma_start3A_67 : memref<160x128xi32, #tpu.memory_space<hbm>>) target(%arg7 : memref<160x128xi32, #tpu.memory_space<vmem>>) target_semaphore(%run_scoped3A : memref<!tpu.dma_semaphore, #tpu.memory_space<semaphore_mem>>)
      %dma_wait3A = arith.constant 0 : i32
      %dma_wait3A_68 = arith.constant 0 : i32
      %dma_wait3A_69 = tpu.memref_slice %arg3[%arg0, %arg1, %dma_wait3A, %dma_wait3A_68] : memref<2x16x160x128xi32, #tpu.memory_space<hbm>> -> memref<1x1x160x128xi32, #tpu.memory_space<hbm>>
      %dma_wait3A_70 = tpu.memref_squeeze %dma_wait3A_69 : memref<1x1x160x128xi32, #tpu.memory_space<hbm>> -> memref<160x128xi32, #tpu.memory_space<hbm>>
      %dma_wait3A_71 = arith.constant 0 : i32
      %dma_wait3A_72 = arith.constant 0 : i32
      %dma_wait3A_73 = tpu.memref_slice %arg3[%arg0, %arg1, %dma_wait3A_71, %dma_wait3A_72] : memref<2x16x160x128xi32, #tpu.memory_space<hbm>> -> memref<1x1x160x128xi32, #tpu.memory_space<hbm>>
      %dma_wait3A_74 = tpu.memref_squeeze %dma_wait3A_73 : memref<1x1x160x128xi32, #tpu.memory_space<hbm>> -> memref<160x128xi32, #tpu.memory_space<hbm>>
      tpu.wait_dma2 semaphore(%run_scoped3A : memref<!tpu.dma_semaphore, #tpu.memory_space<semaphore_mem>>) src(%dma_wait3A_74 : memref<160x128xi32, #tpu.memory_space<hbm>>) dst(%arg7 : memref<160x128xi32, #tpu.memory_space<vmem>>)
      tpu.yield
    }) : () -> ()
    "tpu.region"() ({
      %run_scoped3A = tpu.sem_alloc : memref<!tpu.dma_semaphore, #tpu.memory_space<semaphore_mem>>
      %dma_start3A_60 = arith.constant 0 : i32
      %dma_start3A_61 = arith.constant 0 : i32
      %dma_start3A_62 = tpu.memref_slice %arg4[%arg1, %dma_start3A_60, %dma_start3A_61] : memref<16x160x128xi32, #tpu.memory_space<hbm>> -> memref<1x160x128xi32, #tpu.memory_space<hbm>>
      %dma_start3A_63 = tpu.memref_squeeze %dma_start3A_62 : memref<1x160x128xi32, #tpu.memory_space<hbm>> -> memref<160x128xi32, #tpu.memory_space<hbm>>
      %dma_start3A_64 = arith.constant 0 : i32
      %dma_start3A_65 = arith.constant 0 : i32
      %dma_start3A_66 = tpu.memref_slice %arg4[%arg1, %dma_start3A_64, %dma_start3A_65] : memref<16x160x128xi32, #tpu.memory_space<hbm>> -> memref<1x160x128xi32, #tpu.memory_space<hbm>>
      %dma_start3A_67 = tpu.memref_squeeze %dma_start3A_66 : memref<1x160x128xi32, #tpu.memory_space<hbm>> -> memref<160x128xi32, #tpu.memory_space<hbm>>
      tpu.enqueue_dma source(%dma_start3A_67 : memref<160x128xi32, #tpu.memory_space<hbm>>) target(%arg8 : memref<160x128xi32, #tpu.memory_space<vmem>>) target_semaphore(%run_scoped3A : memref<!tpu.dma_semaphore, #tpu.memory_space<semaphore_mem>>)
      %dma_wait3A = arith.constant 0 : i32
      %dma_wait3A_68 = arith.constant 0 : i32
      %dma_wait3A_69 = tpu.memref_slice %arg4[%arg1, %dma_wait3A, %dma_wait3A_68] : memref<16x160x128xi32, #tpu.memory_space<hbm>> -> memref<1x160x128xi32, #tpu.memory_space<hbm>>
      %dma_wait3A_70 = tpu.memref_squeeze %dma_wait3A_69 : memref<1x160x128xi32, #tpu.memory_space<hbm>> -> memref<160x128xi32, #tpu.memory_space<hbm>>
      %dma_wait3A_71 = arith.constant 0 : i32
      %dma_wait3A_72 = arith.constant 0 : i32
      %dma_wait3A_73 = tpu.memref_slice %arg4[%arg1, %dma_wait3A_71, %dma_wait3A_72] : memref<16x160x128xi32, #tpu.memory_space<hbm>> -> memref<1x160x128xi32, #tpu.memory_space<hbm>>
      %dma_wait3A_74 = tpu.memref_squeeze %dma_wait3A_73 : memref<1x160x128xi32, #tpu.memory_space<hbm>> -> memref<160x128xi32, #tpu.memory_space<hbm>>
      tpu.wait_dma2 semaphore(%run_scoped3A : memref<!tpu.dma_semaphore, #tpu.memory_space<semaphore_mem>>) src(%dma_wait3A_74 : memref<160x128xi32, #tpu.memory_space<hbm>>) dst(%arg8 : memref<160x128xi32, #tpu.memory_space<vmem>>)
      tpu.yield
    }) : () -> ()
    %mul3A = arith.constant 632 : i32
    %mul3A_0 = arith.muli %arg1, %mul3A : i32
    "tpu.region"() ({
      %run_scoped3A = tpu.sem_alloc : memref<!tpu.dma_semaphore, #tpu.memory_space<semaphore_mem>>
      %dma_start3A_60 = arith.constant 0 : i32
      %dma_start3A_61 = tpu.memref_slice %arg10[%mul3A_0, %dma_start3A_60] : memref<10112x64xbf16, #tpu.memory_space<vmem_shared>> -> memref<632x64xbf16, #tpu.memory_space<vmem_shared>>
      tpu.enqueue_dma source(%arg5 : memref<632x64xbf16, #tpu.memory_space<hbm>>) target(%dma_start3A_61 : memref<632x64xbf16, #tpu.memory_space<vmem_shared>>) target_semaphore(%run_scoped3A : memref<!tpu.dma_semaphore, #tpu.memory_space<semaphore_mem>>)
      %dma_wait3A = arith.constant 0 : i32
      %dma_wait3A_62 = tpu.memref_slice %arg10[%mul3A_0, %dma_wait3A] : memref<10112x64xbf16, #tpu.memory_space<vmem_shared>> -> memref<632x64xbf16, #tpu.memory_space<vmem_shared>>
      tpu.wait_dma2 semaphore(%run_scoped3A : memref<!tpu.dma_semaphore, #tpu.memory_space<semaphore_mem>>) src(%arg5 : memref<632x64xbf16, #tpu.memory_space<hbm>>) dst(%dma_wait3A_62 : memref<632x64xbf16, #tpu.memory_space<vmem_shared>>)
      tpu.yield
    }) : () -> ()
    %dma_start3A = arith.constant 0 : i32
    %dma_start3A_1 = arith.constant 0 : i32
    %dma_start3A_2 = arith.constant 0 : i32
    %dma_start3A_3 = arith.constant 0 : i32
    %dma_start3A_4 = tpu.memref_slice %arg9[%dma_start3A_1, %dma_start3A_2, %dma_start3A_3] : memref<4x128x64xbf16, #tpu.memory_space<vmem>> -> memref<1x128x64xbf16, #tpu.memory_space<vmem>>
    %dma_start3A_5 = tpu.memref_squeeze %dma_start3A_4 : memref<1x128x64xbf16, #tpu.memory_space<vmem>> -> memref<128x64xbf16, #tpu.memory_space<vmem>>
    %dma_start3A_6 = arith.constant 0 : i32
    %dma_start3A_7 = tpu.memref_slice %arg7[%dma_start3A, %dma_start3A_6] : memref<160x128xi32, #tpu.memory_space<vmem>> -> memref<1x128xi32, #tpu.memory_space<vmem>>
    %dma_start3A_8 = tpu.memref_squeeze %dma_start3A_7 : memref<1x128xi32, #tpu.memory_space<vmem>> -> memref<128xi32, #tpu.memory_space<vmem>>
    %dma_start3A_9 = arith.constant 0 : i32
    %dma_start3A_10 = arith.constant 0 : i32
    %dma_start3A_11 = tpu.memref_slice %arg2[%dma_start3A_9, %dma_start3A_10] : memref<20000x64xbf16, #tpu.memory_space<hbm>> -> memref<20000x64xbf16, #tpu.memory_space<hbm>>
    tpu.enqueue_indirect_dma source(%dma_start3A_11 : memref<20000x64xbf16, #tpu.memory_space<hbm>>) target(%dma_start3A_5 : memref<128x64xbf16, #tpu.memory_space<vmem>>) offsets(%dma_start3A_8 : memref<128xi32, #tpu.memory_space<vmem>>) semaphore(%arg11 : memref<!tpu.dma_semaphore, #tpu.memory_space<semaphore_mem>>)
    %dma_start3A_12 = arith.constant 1 : i32
    %dma_start3A_13 = arith.constant 1 : i32
    %dma_start3A_14 = arith.constant 0 : i32
    %dma_start3A_15 = arith.constant 0 : i32
    %dma_start3A_16 = tpu.memref_slice %arg9[%dma_start3A_13, %dma_start3A_14, %dma_start3A_15] : memref<4x128x64xbf16, #tpu.memory_space<vmem>> -> memref<1x128x64xbf16, #tpu.memory_space<vmem>>
    %dma_start3A_17 = tpu.memref_squeeze %dma_start3A_16 : memref<1x128x64xbf16, #tpu.memory_space<vmem>> -> memref<128x64xbf16, #tpu.memory_space<vmem>>
    %dma_start3A_18 = arith.constant 0 : i32
    %dma_start3A_19 = tpu.memref_slice %arg7[%dma_start3A_12, %dma_start3A_18] : memref<160x128xi32, #tpu.memory_space<vmem>> -> memref<1x128xi32, #tpu.memory_space<vmem>>
    %dma_start3A_20 = tpu.memref_squeeze %dma_start3A_19 : memref<1x128xi32, #tpu.memory_space<vmem>> -> memref<128xi32, #tpu.memory_space<vmem>>
    %dma_start3A_21 = arith.constant 0 : i32
    %dma_start3A_22 = arith.constant 0 : i32
    %dma_start3A_23 = tpu.memref_slice %arg2[%dma_start3A_21, %dma_start3A_22] : memref<20000x64xbf16, #tpu.memory_space<hbm>> -> memref<20000x64xbf16, #tpu.memory_space<hbm>>
    tpu.enqueue_indirect_dma source(%dma_start3A_23 : memref<20000x64xbf16, #tpu.memory_space<hbm>>) target(%dma_start3A_17 : memref<128x64xbf16, #tpu.memory_space<vmem>>) offsets(%dma_start3A_20 : memref<128xi32, #tpu.memory_space<vmem>>) semaphore(%arg12 : memref<!tpu.dma_semaphore, #tpu.memory_space<semaphore_mem>>)
    %dma_start3A_24 = arith.constant 2 : i32
    %dma_start3A_25 = arith.constant 2 : i32
    %dma_start3A_26 = arith.constant 0 : i32
    %dma_start3A_27 = arith.constant 0 : i32
    %dma_start3A_28 = tpu.memref_slice %arg9[%dma_start3A_25, %dma_start3A_26, %dma_start3A_27] : memref<4x128x64xbf16, #tpu.memory_space<vmem>> -> memref<1x128x64xbf16, #tpu.memory_space<vmem>>
    %dma_start3A_29 = tpu.memref_squeeze %dma_start3A_28 : memref<1x128x64xbf16, #tpu.memory_space<vmem>> -> memref<128x64xbf16, #tpu.memory_space<vmem>>
    %dma_start3A_30 = arith.constant 0 : i32
    %dma_start3A_31 = tpu.memref_slice %arg7[%dma_start3A_24, %dma_start3A_30] : memref<160x128xi32, #tpu.memory_space<vmem>> -> memref<1x128xi32, #tpu.memory_space<vmem>>
    %dma_start3A_32 = tpu.memref_squeeze %dma_start3A_31 : memref<1x128xi32, #tpu.memory_space<vmem>> -> memref<128xi32, #tpu.memory_space<vmem>>
    %dma_start3A_33 = arith.constant 0 : i32
    %dma_start3A_34 = arith.constant 0 : i32
    %dma_start3A_35 = tpu.memref_slice %arg2[%dma_start3A_33, %dma_start3A_34] : memref<20000x64xbf16, #tpu.memory_space<hbm>> -> memref<20000x64xbf16, #tpu.memory_space<hbm>>
    tpu.enqueue_indirect_dma source(%dma_start3A_35 : memref<20000x64xbf16, #tpu.memory_space<hbm>>) target(%dma_start3A_29 : memref<128x64xbf16, #tpu.memory_space<vmem>>) offsets(%dma_start3A_32 : memref<128xi32, #tpu.memory_space<vmem>>) semaphore(%arg13 : memref<!tpu.dma_semaphore, #tpu.memory_space<semaphore_mem>>)
    %dma_start3A_36 = arith.constant 3 : i32
    %dma_start3A_37 = arith.constant 3 : i32
    %dma_start3A_38 = arith.constant 0 : i32
    %dma_start3A_39 = arith.constant 0 : i32
    %dma_start3A_40 = tpu.memref_slice %arg9[%dma_start3A_37, %dma_start3A_38, %dma_start3A_39] : memref<4x128x64xbf16, #tpu.memory_space<vmem>> -> memref<1x128x64xbf16, #tpu.memory_space<vmem>>
    %dma_start3A_41 = tpu.memref_squeeze %dma_start3A_40 : memref<1x128x64xbf16, #tpu.memory_space<vmem>> -> memref<128x64xbf16, #tpu.memory_space<vmem>>
    %dma_start3A_42 = arith.constant 0 : i32
    %dma_start3A_43 = tpu.memref_slice %arg7[%dma_start3A_36, %dma_start3A_42] : memref<160x128xi32, #tpu.memory_space<vmem>> -> memref<1x128xi32, #tpu.memory_space<vmem>>
    %dma_start3A_44 = tpu.memref_squeeze %dma_start3A_43 : memref<1x128xi32, #tpu.memory_space<vmem>> -> memref<128xi32, #tpu.memory_space<vmem>>
    %dma_start3A_45 = arith.constant 0 : i32
    %dma_start3A_46 = arith.constant 0 : i32
    %dma_start3A_47 = tpu.memref_slice %arg2[%dma_start3A_45, %dma_start3A_46] : memref<20000x64xbf16, #tpu.memory_space<hbm>> -> memref<20000x64xbf16, #tpu.memory_space<hbm>>
    tpu.enqueue_indirect_dma source(%dma_start3A_47 : memref<20000x64xbf16, #tpu.memory_space<hbm>>) target(%dma_start3A_41 : memref<128x64xbf16, #tpu.memory_space<vmem>>) offsets(%dma_start3A_44 : memref<128xi32, #tpu.memory_space<vmem>>) semaphore(%arg14 : memref<!tpu.dma_semaphore, #tpu.memory_space<semaphore_mem>>)
    %barrier3A = arith.constant 0 : index
    tpu.barrier barrier_id(%barrier3A)
    %scan3A = arith.constant 0 : i32
    %scan3A_48 = arith.constant 0 : i32
    %scan3A_49 = arith.constant 40 : i32
    %scan3A_50 = arith.addi %scan3A_48, %scan3A_49 : i32
    %scan3A_51 = arith.constant 1 : i32
    scf.for %scan3A_60 = %scan3A_48 to %scan3A_50 step %scan3A_51  : i32 {
      %mul3A_61 = arith.constant 4 : i32
      %mul3A_62 = arith.muli %scan3A_60, %mul3A_61 : i32
      %add3A = arith.constant 0 : i32
      %add3A_63 = arith.addi %mul3A_62, %add3A : i32
      %dma_wait3A = arith.constant 0 : i32
      %dma_wait3A_64 = arith.constant 0 : i32
      %dma_wait3A_65 = arith.constant 0 : i32
      %dma_wait3A_66 = tpu.memref_slice %arg9[%dma_wait3A, %dma_wait3A_64, %dma_wait3A_65] : memref<4x128x64xbf16, #tpu.memory_space<vmem>> -> memref<1x128x64xbf16, #tpu.memory_space<vmem>>
      %dma_wait3A_67 = tpu.memref_squeeze %dma_wait3A_66 : memref<1x128x64xbf16, #tpu.memory_space<vmem>> -> memref<128x64xbf16, #tpu.memory_space<vmem>>
      %dma_wait3A_68 = arith.constant 0 : i32
      %dma_wait3A_69 = arith.constant 0 : i32
      %dma_wait3A_70 = tpu.memref_slice %arg2[%dma_wait3A_68, %dma_wait3A_69] : memref<20000x64xbf16, #tpu.memory_space<hbm>> -> memref<128x64xbf16, #tpu.memory_space<hbm>>
      %dma_wait3A_71 = arith.constant 0 : i32
      %dma_wait3A_72 = arith.constant 0 : i32
      %dma_wait3A_73 = tpu.memref_slice %arg9[%dma_wait3A, %dma_wait3A_71, %dma_wait3A_72] : memref<4x128x64xbf16, #tpu.memory_space<vmem>> -> memref<1x128x64xbf16, #tpu.memory_space<vmem>>
      %dma_wait3A_74 = tpu.memref_squeeze %dma_wait3A_73 : memref<1x128x64xbf16, #tpu.memory_space<vmem>> -> memref<128x64xbf16, #tpu.memory_space<vmem>>
      %dma_wait3A_75 = arith.constant 0 : i32
      %dma_wait3A_76 = arith.constant 0 : i32
      %dma_wait3A_77 = tpu.memref_slice %arg2[%dma_wait3A_75, %dma_wait3A_76] : memref<20000x64xbf16, #tpu.memory_space<hbm>> -> memref<128x64xbf16, #tpu.memory_space<hbm>>
      tpu.wait_dma2 semaphore(%arg11 : memref<!tpu.dma_semaphore, #tpu.memory_space<semaphore_mem>>) src(%dma_wait3A_77 : memref<128x64xbf16, #tpu.memory_space<hbm>>) dst(%dma_wait3A_74 : memref<128x64xbf16, #tpu.memory_space<vmem>>)
      %run_scoped3A = arith.constant 0 : i32
      "tpu.region"() ({
        %run_scoped3A_163 = tpu.sem_alloc : memref<!tpu.dma_semaphore, #tpu.memory_space<semaphore_mem>>
        %dma_start3A_164 = arith.constant 0 : i32
        %dma_start3A_165 = arith.constant 0 : i32
        %dma_start3A_166 = tpu.memref_slice %arg9[%run_scoped3A, %dma_start3A_164, %dma_start3A_165] : memref<4x128x64xbf16, #tpu.memory_space<vmem>> -> memref<1x128x64xbf16, #tpu.memory_space<vmem>>
        %dma_start3A_167 = tpu.memref_squeeze %dma_start3A_166 : memref<1x128x64xbf16, #tpu.memory_space<vmem>> -> memref<128x64xbf16, #tpu.memory_space<vmem>>
        %dma_start3A_168 = arith.constant 0 : i32
        %dma_start3A_169 = tpu.memref_slice %arg8[%add3A_63, %dma_start3A_168] : memref<160x128xi32, #tpu.memory_space<vmem>> -> memref<1x128xi32, #tpu.memory_space<vmem>>
        %dma_start3A_170 = tpu.memref_squeeze %dma_start3A_169 : memref<1x128xi32, #tpu.memory_space<vmem>> -> memref<128xi32, #tpu.memory_space<vmem>>
        %dma_start3A_171 = arith.constant 0 : i32
        %dma_start3A_172 = arith.constant 0 : i32
        %dma_start3A_173 = tpu.memref_slice %arg10[%dma_start3A_171, %dma_start3A_172] : memref<10112x64xbf16, #tpu.memory_space<vmem_shared>> -> memref<10112x64xbf16, #tpu.memory_space<vmem_shared>>
        tpu.enqueue_indirect_dma source(%dma_start3A_167 : memref<128x64xbf16, #tpu.memory_space<vmem>>) target(%dma_start3A_173 : memref<10112x64xbf16, #tpu.memory_space<vmem_shared>>) offsets(%dma_start3A_170 : memref<128xi32, #tpu.memory_space<vmem>>) semaphore(%run_scoped3A_163 : memref<!tpu.dma_semaphore, #tpu.memory_space<semaphore_mem>>) {add = true}
        %dma_wait3A_174 = arith.constant 0 : i32
        %dma_wait3A_175 = arith.constant 0 : i32
        %dma_wait3A_176 = tpu.memref_slice %arg9[%run_scoped3A, %dma_wait3A_174, %dma_wait3A_175] : memref<4x128x64xbf16, #tpu.memory_space<vmem>> -> memref<1x128x64xbf16, #tpu.memory_space<vmem>>
        %dma_wait3A_177 = tpu.memref_squeeze %dma_wait3A_176 : memref<1x128x64xbf16, #tpu.memory_space<vmem>> -> memref<128x64xbf16, #tpu.memory_space<vmem>>
        %dma_wait3A_178 = arith.constant 0 : i32
        %dma_wait3A_179 = tpu.memref_slice %arg8[%add3A_63, %dma_wait3A_178] : memref<160x128xi32, #tpu.memory_space<vmem>> -> memref<1x128xi32, #tpu.memory_space<vmem>>
        %dma_wait3A_180 = tpu.memref_squeeze %dma_wait3A_179 : memref<1x128xi32, #tpu.memory_space<vmem>> -> memref<128xi32, #tpu.memory_space<vmem>>
        %dma_wait3A_181 = arith.constant 0 : i32
        %dma_wait3A_182 = arith.constant 0 : i32
        %dma_wait3A_183 = tpu.memref_slice %arg10[%dma_wait3A_181, %dma_wait3A_182] : memref<10112x64xbf16, #tpu.memory_space<vmem_shared>> -> memref<10112x64xbf16, #tpu.memory_space<vmem_shared>>
        tpu.wait_indirect_dma semaphore(%run_scoped3A_163 : memref<!tpu.dma_semaphore, #tpu.memory_space<semaphore_mem>>) src(%dma_wait3A_177 : memref<128x64xbf16, #tpu.memory_space<vmem>>) dst(%dma_wait3A_183 : memref<10112x64xbf16, #tpu.memory_space<vmem_shared>>)
        tpu.yield
      }) : () -> ()
      %add3A_78 = arith.constant 4 : i32
      %add3A_79 = arith.addi %add3A_63, %add3A_78 : i32
      %lt3A = arith.constant 160 : i32
      %lt3A_80 = arith.cmpi slt, %add3A_79, %lt3A : i32
      %convert_element_type3A = arith.extui %lt3A_80 : i1 to i32
      %cond3A = arith.constant 0 : i32
      %cond3A_81 = arith.cmpi ne, %convert_element_type3A, %cond3A : i32
      scf.if %cond3A_81 {
        %add3A_163 = arith.constant 4 : i32
        %add3A_164 = arith.addi %add3A_63, %add3A_163 : i32
        %dma_start3A_165 = arith.constant 0 : i32
        %dma_start3A_166 = arith.constant 0 : i32
        %dma_start3A_167 = arith.constant 0 : i32
        %dma_start3A_168 = tpu.memref_slice %arg9[%dma_start3A_165, %dma_start3A_166, %dma_start3A_167] : memref<4x128x64xbf16, #tpu.memory_space<vmem>> -> memref<1x128x64xbf16, #tpu.memory_space<vmem>>
        %dma_start3A_169 = tpu.memref_squeeze %dma_start3A_168 : memref<1x128x64xbf16, #tpu.memory_space<vmem>> -> memref<128x64xbf16, #tpu.memory_space<vmem>>
        %dma_start3A_170 = arith.constant 0 : i32
        %dma_start3A_171 = tpu.memref_slice %arg7[%add3A_164, %dma_start3A_170] : memref<160x128xi32, #tpu.memory_space<vmem>> -> memref<1x128xi32, #tpu.memory_space<vmem>>
        %dma_start3A_172 = tpu.memref_squeeze %dma_start3A_171 : memref<1x128xi32, #tpu.memory_space<vmem>> -> memref<128xi32, #tpu.memory_space<vmem>>
        %dma_start3A_173 = arith.constant 0 : i32
        %dma_start3A_174 = arith.constant 0 : i32
        %dma_start3A_175 = tpu.memref_slice %arg2[%dma_start3A_173, %dma_start3A_174] : memref<20000x64xbf16, #tpu.memory_space<hbm>> -> memref<20000x64xbf16, #tpu.memory_space<hbm>>
        tpu.enqueue_indirect_dma source(%dma_start3A_175 : memref<20000x64xbf16, #tpu.memory_space<hbm>>) target(%dma_start3A_169 : memref<128x64xbf16, #tpu.memory_space<vmem>>) offsets(%dma_start3A_172 : memref<128xi32, #tpu.memory_space<vmem>>) semaphore(%arg11 : memref<!tpu.dma_semaphore, #tpu.memory_space<semaphore_mem>>)
      } else {
      }
      %mul3A_82 = arith.constant 4 : i32
      %mul3A_83 = arith.muli %scan3A_60, %mul3A_82 : i32
      %add3A_84 = arith.constant 1 : i32
      %add3A_85 = arith.addi %mul3A_83, %add3A_84 : i32
      %dma_wait3A_86 = arith.constant 1 : i32
      %dma_wait3A_87 = arith.constant 0 : i32
      %dma_wait3A_88 = arith.constant 0 : i32
      %dma_wait3A_89 = tpu.memref_slice %arg9[%dma_wait3A_86, %dma_wait3A_87, %dma_wait3A_88] : memref<4x128x64xbf16, #tpu.memory_space<vmem>> -> memref<1x128x64xbf16, #tpu.memory_space<vmem>>
      %dma_wait3A_90 = tpu.memref_squeeze %dma_wait3A_89 : memref<1x128x64xbf16, #tpu.memory_space<vmem>> -> memref<128x64xbf16, #tpu.memory_space<vmem>>
      %dma_wait3A_91 = arith.constant 0 : i32
      %dma_wait3A_92 = arith.constant 0 : i32
      %dma_wait3A_93 = tpu.memref_slice %arg2[%dma_wait3A_91, %dma_wait3A_92] : memref<20000x64xbf16, #tpu.memory_space<hbm>> -> memref<128x64xbf16, #tpu.memory_space<hbm>>
      %dma_wait3A_94 = arith.constant 0 : i32
      %dma_wait3A_95 = arith.constant 0 : i32
      %dma_wait3A_96 = tpu.memref_slice %arg9[%dma_wait3A_86, %dma_wait3A_94, %dma_wait3A_95] : memref<4x128x64xbf16, #tpu.memory_space<vmem>> -> memref<1x128x64xbf16, #tpu.memory_space<vmem>>
      %dma_wait3A_97 = tpu.memref_squeeze %dma_wait3A_96 : memref<1x128x64xbf16, #tpu.memory_space<vmem>> -> memref<128x64xbf16, #tpu.memory_space<vmem>>
      %dma_wait3A_98 = arith.constant 0 : i32
      %dma_wait3A_99 = arith.constant 0 : i32
      %dma_wait3A_100 = tpu.memref_slice %arg2[%dma_wait3A_98, %dma_wait3A_99] : memref<20000x64xbf16, #tpu.memory_space<hbm>> -> memref<128x64xbf16, #tpu.memory_space<hbm>>
      tpu.wait_dma2 semaphore(%arg12 : memref<!tpu.dma_semaphore, #tpu.memory_space<semaphore_mem>>) src(%dma_wait3A_100 : memref<128x64xbf16, #tpu.memory_space<hbm>>) dst(%dma_wait3A_97 : memref<128x64xbf16, #tpu.memory_space<vmem>>)
      %run_scoped3A_101 = arith.constant 1 : i32
      "tpu.region"() ({
        %run_scoped3A_163 = tpu.sem_alloc : memref<!tpu.dma_semaphore, #tpu.memory_space<semaphore_mem>>
        %dma_start3A_164 = arith.constant 0 : i32
        %dma_start3A_165 = arith.constant 0 : i32
        %dma_start3A_166 = tpu.memref_slice %arg9[%run_scoped3A_101, %dma_start3A_164, %dma_start3A_165] : memref<4x128x64xbf16, #tpu.memory_space<vmem>> -> memref<1x128x64xbf16, #tpu.memory_space<vmem>>
        %dma_start3A_167 = tpu.memref_squeeze %dma_start3A_166 : memref<1x128x64xbf16, #tpu.memory_space<vmem>> -> memref<128x64xbf16, #tpu.memory_space<vmem>>
        %dma_start3A_168 = arith.constant 0 : i32
        %dma_start3A_169 = tpu.memref_slice %arg8[%add3A_85, %dma_start3A_168] : memref<160x128xi32, #tpu.memory_space<vmem>> -> memref<1x128xi32, #tpu.memory_space<vmem>>
        %dma_start3A_170 = tpu.memref_squeeze %dma_start3A_169 : memref<1x128xi32, #tpu.memory_space<vmem>> -> memref<128xi32, #tpu.memory_space<vmem>>
        %dma_start3A_171 = arith.constant 0 : i32
        %dma_start3A_172 = arith.constant 0 : i32
        %dma_start3A_173 = tpu.memref_slice %arg10[%dma_start3A_171, %dma_start3A_172] : memref<10112x64xbf16, #tpu.memory_space<vmem_shared>> -> memref<10112x64xbf16, #tpu.memory_space<vmem_shared>>
        tpu.enqueue_indirect_dma source(%dma_start3A_167 : memref<128x64xbf16, #tpu.memory_space<vmem>>) target(%dma_start3A_173 : memref<10112x64xbf16, #tpu.memory_space<vmem_shared>>) offsets(%dma_start3A_170 : memref<128xi32, #tpu.memory_space<vmem>>) semaphore(%run_scoped3A_163 : memref<!tpu.dma_semaphore, #tpu.memory_space<semaphore_mem>>) {add = true}
        %dma_wait3A_174 = arith.constant 0 : i32
        %dma_wait3A_175 = arith.constant 0 : i32
        %dma_wait3A_176 = tpu.memref_slice %arg9[%run_scoped3A_101, %dma_wait3A_174, %dma_wait3A_175] : memref<4x128x64xbf16, #tpu.memory_space<vmem>> -> memref<1x128x64xbf16, #tpu.memory_space<vmem>>
        %dma_wait3A_177 = tpu.memref_squeeze %dma_wait3A_176 : memref<1x128x64xbf16, #tpu.memory_space<vmem>> -> memref<128x64xbf16, #tpu.memory_space<vmem>>
        %dma_wait3A_178 = arith.constant 0 : i32
        %dma_wait3A_179 = tpu.memref_slice %arg8[%add3A_85, %dma_wait3A_178] : memref<160x128xi32, #tpu.memory_space<vmem>> -> memref<1x128xi32, #tpu.memory_space<vmem>>
        %dma_wait3A_180 = tpu.memref_squeeze %dma_wait3A_179 : memref<1x128xi32, #tpu.memory_space<vmem>> -> memref<128xi32, #tpu.memory_space<vmem>>
        %dma_wait3A_181 = arith.constant 0 : i32
        %dma_wait3A_182 = arith.constant 0 : i32
        %dma_wait3A_183 = tpu.memref_slice %arg10[%dma_wait3A_181, %dma_wait3A_182] : memref<10112x64xbf16, #tpu.memory_space<vmem_shared>> -> memref<10112x64xbf16, #tpu.memory_space<vmem_shared>>
        tpu.wait_indirect_dma semaphore(%run_scoped3A_163 : memref<!tpu.dma_semaphore, #tpu.memory_space<semaphore_mem>>) src(%dma_wait3A_177 : memref<128x64xbf16, #tpu.memory_space<vmem>>) dst(%dma_wait3A_183 : memref<10112x64xbf16, #tpu.memory_space<vmem_shared>>)
        tpu.yield
      }) : () -> ()
      %add3A_102 = arith.constant 4 : i32
      %add3A_103 = arith.addi %add3A_85, %add3A_102 : i32
      %lt3A_104 = arith.constant 160 : i32
      %lt3A_105 = arith.cmpi slt, %add3A_103, %lt3A_104 : i32
      %convert_element_type3A_106 = arith.extui %lt3A_105 : i1 to i32
      %cond3A_107 = arith.constant 0 : i32
      %cond3A_108 = arith.cmpi ne, %convert_element_type3A_106, %cond3A_107 : i32
      scf.if %cond3A_108 {
        %add3A_163 = arith.constant 4 : i32
        %add3A_164 = arith.addi %add3A_85, %add3A_163 : i32
        %dma_start3A_165 = arith.constant 1 : i32
        %dma_start3A_166 = arith.constant 0 : i32
        %dma_start3A_167 = arith.constant 0 : i32
        %dma_start3A_168 = tpu.memref_slice %arg9[%dma_start3A_165, %dma_start3A_166, %dma_start3A_167] : memref<4x128x64xbf16, #tpu.memory_space<vmem>> -> memref<1x128x64xbf16, #tpu.memory_space<vmem>>
        %dma_start3A_169 = tpu.memref_squeeze %dma_start3A_168 : memref<1x128x64xbf16, #tpu.memory_space<vmem>> -> memref<128x64xbf16, #tpu.memory_space<vmem>>
        %dma_start3A_170 = arith.constant 0 : i32
        %dma_start3A_171 = tpu.memref_slice %arg7[%add3A_164, %dma_start3A_170] : memref<160x128xi32, #tpu.memory_space<vmem>> -> memref<1x128xi32, #tpu.memory_space<vmem>>
        %dma_start3A_172 = tpu.memref_squeeze %dma_start3A_171 : memref<1x128xi32, #tpu.memory_space<vmem>> -> memref<128xi32, #tpu.memory_space<vmem>>
        %dma_start3A_173 = arith.constant 0 : i32
        %dma_start3A_174 = arith.constant 0 : i32
        %dma_start3A_175 = tpu.memref_slice %arg2[%dma_start3A_173, %dma_start3A_174] : memref<20000x64xbf16, #tpu.memory_space<hbm>> -> memref<20000x64xbf16, #tpu.memory_space<hbm>>
        tpu.enqueue_indirect_dma source(%dma_start3A_175 : memref<20000x64xbf16, #tpu.memory_space<hbm>>) target(%dma_start3A_169 : memref<128x64xbf16, #tpu.memory_space<vmem>>) offsets(%dma_start3A_172 : memref<128xi32, #tpu.memory_space<vmem>>) semaphore(%arg12 : memref<!tpu.dma_semaphore, #tpu.memory_space<semaphore_mem>>)
      } else {
      }
      %mul3A_109 = arith.constant 4 : i32
      %mul3A_110 = arith.muli %scan3A_60, %mul3A_109 : i32
      %add3A_111 = arith.constant 2 : i32
      %add3A_112 = arith.addi %mul3A_110, %add3A_111 : i32
      %dma_wait3A_113 = arith.constant 2 : i32
      %dma_wait3A_114 = arith.constant 0 : i32
      %dma_wait3A_115 = arith.constant 0 : i32
      %dma_wait3A_116 = tpu.memref_slice %arg9[%dma_wait3A_113, %dma_wait3A_114, %dma_wait3A_115] : memref<4x128x64xbf16, #tpu.memory_space<vmem>> -> memref<1x128x64xbf16, #tpu.memory_space<vmem>>
      %dma_wait3A_117 = tpu.memref_squeeze %dma_wait3A_116 : memref<1x128x64xbf16, #tpu.memory_space<vmem>> -> memref<128x64xbf16, #tpu.memory_space<vmem>>
      %dma_wait3A_118 = arith.constant 0 : i32
      %dma_wait3A_119 = arith.constant 0 : i32
      %dma_wait3A_120 = tpu.memref_slice %arg2[%dma_wait3A_118, %dma_wait3A_119] : memref<20000x64xbf16, #tpu.memory_space<hbm>> -> memref<128x64xbf16, #tpu.memory_space<hbm>>
      %dma_wait3A_121 = arith.constant 0 : i32
      %dma_wait3A_122 = arith.constant 0 : i32
      %dma_wait3A_123 = tpu.memref_slice %arg9[%dma_wait3A_113, %dma_wait3A_121, %dma_wait3A_122] : memref<4x128x64xbf16, #tpu.memory_space<vmem>> -> memref<1x128x64xbf16, #tpu.memory_space<vmem>>
      %dma_wait3A_124 = tpu.memref_squeeze %dma_wait3A_123 : memref<1x128x64xbf16, #tpu.memory_space<vmem>> -> memref<128x64xbf16, #tpu.memory_space<vmem>>
      %dma_wait3A_125 = arith.constant 0 : i32
      %dma_wait3A_126 = arith.constant 0 : i32
      %dma_wait3A_127 = tpu.memref_slice %arg2[%dma_wait3A_125, %dma_wait3A_126] : memref<20000x64xbf16, #tpu.memory_space<hbm>> -> memref<128x64xbf16, #tpu.memory_space<hbm>>
      tpu.wait_dma2 semaphore(%arg13 : memref<!tpu.dma_semaphore, #tpu.memory_space<semaphore_mem>>) src(%dma_wait3A_127 : memref<128x64xbf16, #tpu.memory_space<hbm>>) dst(%dma_wait3A_124 : memref<128x64xbf16, #tpu.memory_space<vmem>>)
      %run_scoped3A_128 = arith.constant 2 : i32
      "tpu.region"() ({
        %run_scoped3A_163 = tpu.sem_alloc : memref<!tpu.dma_semaphore, #tpu.memory_space<semaphore_mem>>
        %dma_start3A_164 = arith.constant 0 : i32
        %dma_start3A_165 = arith.constant 0 : i32
        %dma_start3A_166 = tpu.memref_slice %arg9[%run_scoped3A_128, %dma_start3A_164, %dma_start3A_165] : memref<4x128x64xbf16, #tpu.memory_space<vmem>> -> memref<1x128x64xbf16, #tpu.memory_space<vmem>>
        %dma_start3A_167 = tpu.memref_squeeze %dma_start3A_166 : memref<1x128x64xbf16, #tpu.memory_space<vmem>> -> memref<128x64xbf16, #tpu.memory_space<vmem>>
        %dma_start3A_168 = arith.constant 0 : i32
        %dma_start3A_169 = tpu.memref_slice %arg8[%add3A_112, %dma_start3A_168] : memref<160x128xi32, #tpu.memory_space<vmem>> -> memref<1x128xi32, #tpu.memory_space<vmem>>
        %dma_start3A_170 = tpu.memref_squeeze %dma_start3A_169 : memref<1x128xi32, #tpu.memory_space<vmem>> -> memref<128xi32, #tpu.memory_space<vmem>>
        %dma_start3A_171 = arith.constant 0 : i32
        %dma_start3A_172 = arith.constant 0 : i32
        %dma_start3A_173 = tpu.memref_slice %arg10[%dma_start3A_171, %dma_start3A_172] : memref<10112x64xbf16, #tpu.memory_space<vmem_shared>> -> memref<10112x64xbf16, #tpu.memory_space<vmem_shared>>
        tpu.enqueue_indirect_dma source(%dma_start3A_167 : memref<128x64xbf16, #tpu.memory_space<vmem>>) target(%dma_start3A_173 : memref<10112x64xbf16, #tpu.memory_space<vmem_shared>>) offsets(%dma_start3A_170 : memref<128xi32, #tpu.memory_space<vmem>>) semaphore(%run_scoped3A_163 : memref<!tpu.dma_semaphore, #tpu.memory_space<semaphore_mem>>) {add = true}
        %dma_wait3A_174 = arith.constant 0 : i32
        %dma_wait3A_175 = arith.constant 0 : i32
        %dma_wait3A_176 = tpu.memref_slice %arg9[%run_scoped3A_128, %dma_wait3A_174, %dma_wait3A_175] : memref<4x128x64xbf16, #tpu.memory_space<vmem>> -> memref<1x128x64xbf16, #tpu.memory_space<vmem>>
        %dma_wait3A_177 = tpu.memref_squeeze %dma_wait3A_176 : memref<1x128x64xbf16, #tpu.memory_space<vmem>> -> memref<128x64xbf16, #tpu.memory_space<vmem>>
        %dma_wait3A_178 = arith.constant 0 : i32
        %dma_wait3A_179 = tpu.memref_slice %arg8[%add3A_112, %dma_wait3A_178] : memref<160x128xi32, #tpu.memory_space<vmem>> -> memref<1x128xi32, #tpu.memory_space<vmem>>
        %dma_wait3A_180 = tpu.memref_squeeze %dma_wait3A_179 : memref<1x128xi32, #tpu.memory_space<vmem>> -> memref<128xi32, #tpu.memory_space<vmem>>
        %dma_wait3A_181 = arith.constant 0 : i32
        %dma_wait3A_182 = arith.constant 0 : i32
        %dma_wait3A_183 = tpu.memref_slice %arg10[%dma_wait3A_181, %dma_wait3A_182] : memref<10112x64xbf16, #tpu.memory_space<vmem_shared>> -> memref<10112x64xbf16, #tpu.memory_space<vmem_shared>>
        tpu.wait_indirect_dma semaphore(%run_scoped3A_163 : memref<!tpu.dma_semaphore, #tpu.memory_space<semaphore_mem>>) src(%dma_wait3A_177 : memref<128x64xbf16, #tpu.memory_space<vmem>>) dst(%dma_wait3A_183 : memref<10112x64xbf16, #tpu.memory_space<vmem_shared>>)
        tpu.yield
      }) : () -> ()
      %add3A_129 = arith.constant 4 : i32
      %add3A_130 = arith.addi %add3A_112, %add3A_129 : i32
      %lt3A_131 = arith.constant 160 : i32
      %lt3A_132 = arith.cmpi slt, %add3A_130, %lt3A_131 : i32
      %convert_element_type3A_133 = arith.extui %lt3A_132 : i1 to i32
      %cond3A_134 = arith.constant 0 : i32
      %cond3A_135 = arith.cmpi ne, %convert_element_type3A_133, %cond3A_134 : i32
      scf.if %cond3A_135 {
        %add3A_163 = arith.constant 4 : i32
        %add3A_164 = arith.addi %add3A_112, %add3A_163 : i32
        %dma_start3A_165 = arith.constant 2 : i32
        %dma_start3A_166 = arith.constant 0 : i32
        %dma_start3A_167 = arith.constant 0 : i32
        %dma_start3A_168 = tpu.memref_slice %arg9[%dma_start3A_165, %dma_start3A_166, %dma_start3A_167] : memref<4x128x64xbf16, #tpu.memory_space<vmem>> -> memref<1x128x64xbf16, #tpu.memory_space<vmem>>
        %dma_start3A_169 = tpu.memref_squeeze %dma_start3A_168 : memref<1x128x64xbf16, #tpu.memory_space<vmem>> -> memref<128x64xbf16, #tpu.memory_space<vmem>>
        %dma_start3A_170 = arith.constant 0 : i32
        %dma_start3A_171 = tpu.memref_slice %arg7[%add3A_164, %dma_start3A_170] : memref<160x128xi32, #tpu.memory_space<vmem>> -> memref<1x128xi32, #tpu.memory_space<vmem>>
        %dma_start3A_172 = tpu.memref_squeeze %dma_start3A_171 : memref<1x128xi32, #tpu.memory_space<vmem>> -> memref<128xi32, #tpu.memory_space<vmem>>
        %dma_start3A_173 = arith.constant 0 : i32
        %dma_start3A_174 = arith.constant 0 : i32
        %dma_start3A_175 = tpu.memref_slice %arg2[%dma_start3A_173, %dma_start3A_174] : memref<20000x64xbf16, #tpu.memory_space<hbm>> -> memref<20000x64xbf16, #tpu.memory_space<hbm>>
        tpu.enqueue_indirect_dma source(%dma_start3A_175 : memref<20000x64xbf16, #tpu.memory_space<hbm>>) target(%dma_start3A_169 : memref<128x64xbf16, #tpu.memory_space<vmem>>) offsets(%dma_start3A_172 : memref<128xi32, #tpu.memory_space<vmem>>) semaphore(%arg13 : memref<!tpu.dma_semaphore, #tpu.memory_space<semaphore_mem>>)
      } else {
      }
      %mul3A_136 = arith.constant 4 : i32
      %mul3A_137 = arith.muli %scan3A_60, %mul3A_136 : i32
      %add3A_138 = arith.constant 3 : i32
      %add3A_139 = arith.addi %mul3A_137, %add3A_138 : i32
      %dma_wait3A_140 = arith.constant 3 : i32
      %dma_wait3A_141 = arith.constant 0 : i32
      %dma_wait3A_142 = arith.constant 0 : i32
      %dma_wait3A_143 = tpu.memref_slice %arg9[%dma_wait3A_140, %dma_wait3A_141, %dma_wait3A_142] : memref<4x128x64xbf16, #tpu.memory_space<vmem>> -> memref<1x128x64xbf16, #tpu.memory_space<vmem>>
      %dma_wait3A_144 = tpu.memref_squeeze %dma_wait3A_143 : memref<1x128x64xbf16, #tpu.memory_space<vmem>> -> memref<128x64xbf16, #tpu.memory_space<vmem>>
      %dma_wait3A_145 = arith.constant 0 : i32
      %dma_wait3A_146 = arith.constant 0 : i32
      %dma_wait3A_147 = tpu.memref_slice %arg2[%dma_wait3A_145, %dma_wait3A_146] : memref<20000x64xbf16, #tpu.memory_space<hbm>> -> memref<128x64xbf16, #tpu.memory_space<hbm>>
      %dma_wait3A_148 = arith.constant 0 : i32
      %dma_wait3A_149 = arith.constant 0 : i32
      %dma_wait3A_150 = tpu.memref_slice %arg9[%dma_wait3A_140, %dma_wait3A_148, %dma_wait3A_149] : memref<4x128x64xbf16, #tpu.memory_space<vmem>> -> memref<1x128x64xbf16, #tpu.memory_space<vmem>>
      %dma_wait3A_151 = tpu.memref_squeeze %dma_wait3A_150 : memref<1x128x64xbf16, #tpu.memory_space<vmem>> -> memref<128x64xbf16, #tpu.memory_space<vmem>>
      %dma_wait3A_152 = arith.constant 0 : i32
      %dma_wait3A_153 = arith.constant 0 : i32
      %dma_wait3A_154 = tpu.memref_slice %arg2[%dma_wait3A_152, %dma_wait3A_153] : memref<20000x64xbf16, #tpu.memory_space<hbm>> -> memref<128x64xbf16, #tpu.memory_space<hbm>>
      tpu.wait_dma2 semaphore(%arg14 : memref<!tpu.dma_semaphore, #tpu.memory_space<semaphore_mem>>) src(%dma_wait3A_154 : memref<128x64xbf16, #tpu.memory_space<hbm>>) dst(%dma_wait3A_151 : memref<128x64xbf16, #tpu.memory_space<vmem>>)
      %run_scoped3A_155 = arith.constant 3 : i32
      "tpu.region"() ({
        %run_scoped3A_163 = tpu.sem_alloc : memref<!tpu.dma_semaphore, #tpu.memory_space<semaphore_mem>>
        %dma_start3A_164 = arith.constant 0 : i32
        %dma_start3A_165 = arith.constant 0 : i32
        %dma_start3A_166 = tpu.memref_slice %arg9[%run_scoped3A_155, %dma_start3A_164, %dma_start3A_165] : memref<4x128x64xbf16, #tpu.memory_space<vmem>> -> memref<1x128x64xbf16, #tpu.memory_space<vmem>>
        %dma_start3A_167 = tpu.memref_squeeze %dma_start3A_166 : memref<1x128x64xbf16, #tpu.memory_space<vmem>> -> memref<128x64xbf16, #tpu.memory_space<vmem>>
        %dma_start3A_168 = arith.constant 0 : i32
        %dma_start3A_169 = tpu.memref_slice %arg8[%add3A_139, %dma_start3A_168] : memref<160x128xi32, #tpu.memory_space<vmem>> -> memref<1x128xi32, #tpu.memory_space<vmem>>
        %dma_start3A_170 = tpu.memref_squeeze %dma_start3A_169 : memref<1x128xi32, #tpu.memory_space<vmem>> -> memref<128xi32, #tpu.memory_space<vmem>>
        %dma_start3A_171 = arith.constant 0 : i32
        %dma_start3A_172 = arith.constant 0 : i32
        %dma_start3A_173 = tpu.memref_slice %arg10[%dma_start3A_171, %dma_start3A_172] : memref<10112x64xbf16, #tpu.memory_space<vmem_shared>> -> memref<10112x64xbf16, #tpu.memory_space<vmem_shared>>
        tpu.enqueue_indirect_dma source(%dma_start3A_167 : memref<128x64xbf16, #tpu.memory_space<vmem>>) target(%dma_start3A_173 : memref<10112x64xbf16, #tpu.memory_space<vmem_shared>>) offsets(%dma_start3A_170 : memref<128xi32, #tpu.memory_space<vmem>>) semaphore(%run_scoped3A_163 : memref<!tpu.dma_semaphore, #tpu.memory_space<semaphore_mem>>) {add = true}
        %dma_wait3A_174 = arith.constant 0 : i32
        %dma_wait3A_175 = arith.constant 0 : i32
        %dma_wait3A_176 = tpu.memref_slice %arg9[%run_scoped3A_155, %dma_wait3A_174, %dma_wait3A_175] : memref<4x128x64xbf16, #tpu.memory_space<vmem>> -> memref<1x128x64xbf16, #tpu.memory_space<vmem>>
        %dma_wait3A_177 = tpu.memref_squeeze %dma_wait3A_176 : memref<1x128x64xbf16, #tpu.memory_space<vmem>> -> memref<128x64xbf16, #tpu.memory_space<vmem>>
        %dma_wait3A_178 = arith.constant 0 : i32
        %dma_wait3A_179 = tpu.memref_slice %arg8[%add3A_139, %dma_wait3A_178] : memref<160x128xi32, #tpu.memory_space<vmem>> -> memref<1x128xi32, #tpu.memory_space<vmem>>
        %dma_wait3A_180 = tpu.memref_squeeze %dma_wait3A_179 : memref<1x128xi32, #tpu.memory_space<vmem>> -> memref<128xi32, #tpu.memory_space<vmem>>
        %dma_wait3A_181 = arith.constant 0 : i32
        %dma_wait3A_182 = arith.constant 0 : i32
        %dma_wait3A_183 = tpu.memref_slice %arg10[%dma_wait3A_181, %dma_wait3A_182] : memref<10112x64xbf16, #tpu.memory_space<vmem_shared>> -> memref<10112x64xbf16, #tpu.memory_space<vmem_shared>>
        tpu.wait_indirect_dma semaphore(%run_scoped3A_163 : memref<!tpu.dma_semaphore, #tpu.memory_space<semaphore_mem>>) src(%dma_wait3A_177 : memref<128x64xbf16, #tpu.memory_space<vmem>>) dst(%dma_wait3A_183 : memref<10112x64xbf16, #tpu.memory_space<vmem_shared>>)
        tpu.yield
      }) : () -> ()
      %add3A_156 = arith.constant 4 : i32
      %add3A_157 = arith.addi %add3A_139, %add3A_156 : i32
      %lt3A_158 = arith.constant 160 : i32
      %lt3A_159 = arith.cmpi slt, %add3A_157, %lt3A_158 : i32
      %convert_element_type3A_160 = arith.extui %lt3A_159 : i1 to i32
      %cond3A_161 = arith.constant 0 : i32
      %cond3A_162 = arith.cmpi ne, %convert_element_type3A_160, %cond3A_161 : i32
      scf.if %cond3A_162 {
        %add3A_163 = arith.constant 4 : i32
        %add3A_164 = arith.addi %add3A_139, %add3A_163 : i32
        %dma_start3A_165 = arith.constant 3 : i32
        %dma_start3A_166 = arith.constant 0 : i32
        %dma_start3A_167 = arith.constant 0 : i32
        %dma_start3A_168 = tpu.memref_slice %arg9[%dma_start3A_165, %dma_start3A_166, %dma_start3A_167] : memref<4x128x64xbf16, #tpu.memory_space<vmem>> -> memref<1x128x64xbf16, #tpu.memory_space<vmem>>
        %dma_start3A_169 = tpu.memref_squeeze %dma_start3A_168 : memref<1x128x64xbf16, #tpu.memory_space<vmem>> -> memref<128x64xbf16, #tpu.memory_space<vmem>>
        %dma_start3A_170 = arith.constant 0 : i32
        %dma_start3A_171 = tpu.memref_slice %arg7[%add3A_164, %dma_start3A_170] : memref<160x128xi32, #tpu.memory_space<vmem>> -> memref<1x128xi32, #tpu.memory_space<vmem>>
        %dma_start3A_172 = tpu.memref_squeeze %dma_start3A_171 : memref<1x128xi32, #tpu.memory_space<vmem>> -> memref<128xi32, #tpu.memory_space<vmem>>
        %dma_start3A_173 = arith.constant 0 : i32
        %dma_start3A_174 = arith.constant 0 : i32
        %dma_start3A_175 = tpu.memref_slice %arg2[%dma_start3A_173, %dma_start3A_174] : memref<20000x64xbf16, #tpu.memory_space<hbm>> -> memref<20000x64xbf16, #tpu.memory_space<hbm>>
        tpu.enqueue_indirect_dma source(%dma_start3A_175 : memref<20000x64xbf16, #tpu.memory_space<hbm>>) target(%dma_start3A_169 : memref<128x64xbf16, #tpu.memory_space<vmem>>) offsets(%dma_start3A_172 : memref<128xi32, #tpu.memory_space<vmem>>) semaphore(%arg14 : memref<!tpu.dma_semaphore, #tpu.memory_space<semaphore_mem>>)
      } else {
      }
    }
    %scan3A_52 = arith.constant 40 : i32
    %barrier3A_53 = arith.constant 0 : index
    tpu.barrier barrier_id(%barrier3A_53)
    %mul3A_54 = arith.constant 632 : i32
    %mul3A_55 = arith.muli %arg1, %mul3A_54 : i32
    %mul3A_56 = arith.constant 632 : i32
    %mul3A_57 = arith.muli %arg1, %mul3A_56 : i32
    %mul3A_58 = arith.constant 64 : i32
    %mul3A_59 = arith.muli %arg0, %mul3A_58 : i32
    "tpu.region"() ({
      %run_scoped3A = tpu.sem_alloc : memref<!tpu.dma_semaphore, #tpu.memory_space<semaphore_mem>>
      %dma_start3A_60 = tpu.memref_slice %arg6[%mul3A_57, %mul3A_59] : memref<10112x128xbf16, #tpu.memory_space<hbm>> -> memref<632x64xbf16, #tpu.memory_space<hbm>>
      %dma_start3A_61 = arith.constant 0 : i32
      %dma_start3A_62 = tpu.memref_slice %arg10[%mul3A_55, %dma_start3A_61] : memref<10112x64xbf16, #tpu.memory_space<vmem_shared>> -> memref<632x64xbf16, #tpu.memory_space<vmem_shared>>
      tpu.enqueue_dma source(%dma_start3A_62 : memref<632x64xbf16, #tpu.memory_space<vmem_shared>>) target(%dma_start3A_60 : memref<632x64xbf16, #tpu.memory_space<hbm>>) target_semaphore(%run_scoped3A : memref<!tpu.dma_semaphore, #tpu.memory_space<semaphore_mem>>)
      %dma_wait3A = tpu.memref_slice %arg6[%mul3A_57, %mul3A_59] : memref<10112x128xbf16, #tpu.memory_space<hbm>> -> memref<632x64xbf16, #tpu.memory_space<hbm>>
      %dma_wait3A_63 = arith.constant 0 : i32
      %dma_wait3A_64 = tpu.memref_slice %arg10[%mul3A_55, %dma_wait3A_63] : memref<10112x64xbf16, #tpu.memory_space<vmem_shared>> -> memref<632x64xbf16, #tpu.memory_space<vmem_shared>>
      tpu.wait_dma2 semaphore(%run_scoped3A : memref<!tpu.dma_semaphore, #tpu.memory_space<semaphore_mem>>) src(%dma_wait3A_64 : memref<632x64xbf16, #tpu.memory_space<vmem_shared>>) dst(%dma_wait3A : memref<632x64xbf16, #tpu.memory_space<hbm>>)
      tpu.yield
    }) : () -> ()
    return
  }
}

#map = affine_map<(d0, d1) -> (0, 0)>
#map1 = affine_map<(d0, d1) -> (0, 0, 0, 0)>
#map2 = affine_map<(d0, d1) -> (0, 0, 0)>
module attributes {stable_mosaic.version = 14 : i64} {
  func.func @k(%arg0: i32, %arg1: i32, %arg2: memref<20000x64xbf16, #tpu.memory_space<hbm>>, %arg3: memref<2x16x160x128xi32, #tpu.memory_space<hbm>>, %arg4: memref<16x160x128xi32, #tpu.memory_space<hbm>>, %arg5: memref<632x64xbf16, #tpu.memory_space<hbm>>, %arg6: memref<10112x128xbf16, #tpu.memory_space<hbm>>, %arg7: memref<160x128xi32, #tpu.memory_space<vmem>>, %arg8: memref<160x128xi32, #tpu.memory_space<vmem>>, %arg9: memref<4x128x64xbf16, #tpu.memory_space<vmem>>, %arg10: memref<10112x64xbf16, #tpu.memory_space<vmem_shared>>, %arg11: memref<!tpu.dma_semaphore, #tpu.memory_space<semaphore_mem>>, %arg12: memref<!tpu.dma_semaphore, #tpu.memory_space<semaphore_mem>>, %arg13: memref<!tpu.dma_semaphore, #tpu.memory_space<semaphore_mem>>, %arg14: memref<!tpu.dma_semaphore, #tpu.memory_space<semaphore_mem>>) attributes {dimension_semantics = [#tpu.dimension_semantics<core_parallel>, #tpu.dimension_semantics<subcore_parallel>], iteration_bounds = array<i64: 2, 16>, scalar_prefetch = 0 : i64, scratch_operands = 8 : i64, tpu.core_type = #tpu.core_type<sc_vector_subcore>, window_params = [{transform_indices = #map}, {transform_indices = #map1}, {transform_indices = #map2}, {transform_indices = #map}, {transform_indices = #map}]} {
    "tpu.region"() ({
      %run_scoped3A = tpu.sem_alloc : memref<!tpu.dma_semaphore, #tpu.memory_space<semaphore_mem>>
      %dma_start3A_60 = arith.constant 0 : i32
      %dma_start3A_61 = arith.constant 0 : i32
      %dma_start3A_62 = tpu.memref_slice %arg3[%arg0, %arg1, %dma_start3A_60, %dma_start3A_61] : memref<2x16x160x128xi32, #tpu.memory_space<hbm>> -> memref<1x1x160x128xi32, #tpu.memory_space<hbm>>
      %dma_start3A_63 = tpu.memref_squeeze %dma_start3A_62 : memref<1x1x160x128xi32, #tpu.memory_space<hbm>> -> memref<160x128xi32, #tpu.memory_space<hbm>>
      %dma_start3A_64 = arith.constant 0 : i32
      %dma_start3A_65 = arith.constant 0 : i32
      %dma_start3A_66 = tpu.memref_slice %arg3[%arg0, %arg1, %dma_start3A_64, %dma_start3A_65] : memref<2x16x160x128xi32, #tpu.memory_space<hbm>> -> memref<1x1x160x128xi32, #tpu.memory_space<hbm>>
      %dma_start3A_67 = tpu.memref_squeeze %dma_start3A_66 : memref<1x1x160x128xi32, #tpu.memory_space<hbm>> -> memref<160x128xi32, #tpu.memory_space<hbm>>
      tpu.enqueue_dma source(%dma_start3A_67 : memref<160x128xi32, #tpu.memory_space<hbm>>) target(%arg7 : memref<160x128xi32, #tpu.memory_space<vmem>>) target_semaphore(%run_scoped3A : memref<!tpu.dma_semaphore, #tpu.memory_space<semaphore_mem>>)
      %dma_wait3A = arith.constant 0 : i32
      %dma_wait3A_68 = arith.constant 0 : i32
      %dma_wait3A_69 = tpu.memref_slice %arg3[%arg0, %arg1, %dma_wait3A, %dma_wait3A_68] : memref<2x16x160x128xi32, #tpu.memory_space<hbm>> -> memref<1x1x160x128xi32, #tpu.memory_space<hbm>>
      %dma_wait3A_70 = tpu.memref_squeeze %dma_wait3A_69 : memref<1x1x160x128xi32, #tpu.memory_space<hbm>> -> memref<160x128xi32, #tpu.memory_space<hbm>>
      %dma_wait3A_71 = arith.constant 0 : i32
      %dma_wait3A_72 = arith.constant 0 : i32
      %dma_wait3A_73 = tpu.memref_slice %arg3[%arg0, %arg1, %dma_wait3A_71, %dma_wait3A_72] : memref<2x16x160x128xi32, #tpu.memory_space<hbm>> -> memref<1x1x160x128xi32, #tpu.memory_space<hbm>>
      %dma_wait3A_74 = tpu.memref_squeeze %dma_wait3A_73 : memref<1x1x160x128xi32, #tpu.memory_space<hbm>> -> memref<160x128xi32, #tpu.memory_space<hbm>>
      tpu.wait_dma2 semaphore(%run_scoped3A : memref<!tpu.dma_semaphore, #tpu.memory_space<semaphore_mem>>) src(%dma_wait3A_74 : memref<160x128xi32, #tpu.memory_space<hbm>>) dst(%arg7 : memref<160x128xi32, #tpu.memory_space<vmem>>)
      tpu.yield
    }) : () -> ()
    "tpu.region"() ({
      %run_scoped3A = tpu.sem_alloc : memref<!tpu.dma_semaphore, #tpu.memory_space<semaphore_mem>>
      %dma_start3A_60 = arith.constant 0 : i32
      %dma_start3A_61 = arith.constant 0 : i32
      %dma_start3A_62 = tpu.memref_slice %arg4[%arg1, %dma_start3A_60, %dma_start3A_61] : memref<16x160x128xi32, #tpu.memory_space<hbm>> -> memref<1x160x128xi32, #tpu.memory_space<hbm>>
      %dma_start3A_63 = tpu.memref_squeeze %dma_start3A_62 : memref<1x160x128xi32, #tpu.memory_space<hbm>> -> memref<160x128xi32, #tpu.memory_space<hbm>>
      %dma_start3A_64 = arith.constant 0 : i32
      %dma_start3A_65 = arith.constant 0 : i32
      %dma_start3A_66 = tpu.memref_slice %arg4[%arg1, %dma_start3A_64, %dma_start3A_65] : memref<16x160x128xi32, #tpu.memory_space<hbm>> -> memref<1x160x128xi32, #tpu.memory_space<hbm>>
      %dma_start3A_67 = tpu.memref_squeeze %dma_start3A_66 : memref<1x160x128xi32, #tpu.memory_space<hbm>> -> memref<160x128xi32, #tpu.memory_space<hbm>>
      tpu.enqueue_dma source(%dma_start3A_67 : memref<160x128xi32, #tpu.memory_space<hbm>>) target(%arg8 : memref<160x128xi32, #tpu.memory_space<vmem>>) target_semaphore(%run_scoped3A : memref<!tpu.dma_semaphore, #tpu.memory_space<semaphore_mem>>)
      %dma_wait3A = arith.constant 0 : i32
      %dma_wait3A_68 = arith.constant 0 : i32
      %dma_wait3A_69 = tpu.memref_slice %arg4[%arg1, %dma_wait3A, %dma_wait3A_68] : memref<16x160x128xi32, #tpu.memory_space<hbm>> -> memref<1x160x128xi32, #tpu.memory_space<hbm>>
      %dma_wait3A_70 = tpu.memref_squeeze %dma_wait3A_69 : memref<1x160x128xi32, #tpu.memory_space<hbm>> -> memref<160x128xi32, #tpu.memory_space<hbm>>
      %dma_wait3A_71 = arith.constant 0 : i32
      %dma_wait3A_72 = arith.constant 0 : i32
      %dma_wait3A_73 = tpu.memref_slice %arg4[%arg1, %dma_wait3A_71, %dma_wait3A_72] : memref<16x160x128xi32, #tpu.memory_space<hbm>> -> memref<1x160x128xi32, #tpu.memory_space<hbm>>
      %dma_wait3A_74 = tpu.memref_squeeze %dma_wait3A_73 : memref<1x160x128xi32, #tpu.memory_space<hbm>> -> memref<160x128xi32, #tpu.memory_space<hbm>>
      tpu.wait_dma2 semaphore(%run_scoped3A : memref<!tpu.dma_semaphore, #tpu.memory_space<semaphore_mem>>) src(%dma_wait3A_74 : memref<160x128xi32, #tpu.memory_space<hbm>>) dst(%arg8 : memref<160x128xi32, #tpu.memory_space<vmem>>)
      tpu.yield
    }) : () -> ()
    %mul3A = arith.constant 632 : i32
    %mul3A_0 = arith.muli %arg1, %mul3A : i32
    "tpu.region"() ({
      %run_scoped3A = tpu.sem_alloc : memref<!tpu.dma_semaphore, #tpu.memory_space<semaphore_mem>>
      %dma_start3A_60 = arith.constant 0 : i32
      %dma_start3A_61 = tpu.memref_slice %arg10[%mul3A_0, %dma_start3A_60] : memref<10112x64xbf16, #tpu.memory_space<vmem_shared>> -> memref<632x64xbf16, #tpu.memory_space<vmem_shared>>
      tpu.enqueue_dma source(%arg5 : memref<632x64xbf16, #tpu.memory_space<hbm>>) target(%dma_start3A_61 : memref<632x64xbf16, #tpu.memory_space<vmem_shared>>) target_semaphore(%run_scoped3A : memref<!tpu.dma_semaphore, #tpu.memory_space<semaphore_mem>>)
      %dma_wait3A = arith.constant 0 : i32
      %dma_wait3A_62 = tpu.memref_slice %arg10[%mul3A_0, %dma_wait3A] : memref<10112x64xbf16, #tpu.memory_space<vmem_shared>> -> memref<632x64xbf16, #tpu.memory_space<vmem_shared>>
      tpu.wait_dma2 semaphore(%run_scoped3A : memref<!tpu.dma_semaphore, #tpu.memory_space<semaphore_mem>>) src(%arg5 : memref<632x64xbf16, #tpu.memory_space<hbm>>) dst(%dma_wait3A_62 : memref<632x64xbf16, #tpu.memory_space<vmem_shared>>)
      tpu.yield
    }) : () -> ()
    %dma_start3A = arith.constant 0 : i32
    %dma_start3A_1 = arith.constant 0 : i32
    %dma_start3A_2 = arith.constant 0 : i32
    %dma_start3A_3 = arith.constant 0 : i32
    %dma_start3A_4 = tpu.memref_slice %arg9[%dma_start3A_1, %dma_start3A_2, %dma_start3A_3] : memref<4x128x64xbf16, #tpu.memory_space<vmem>> -> memref<1x128x64xbf16, #tpu.memory_space<vmem>>
    %dma_start3A_5 = tpu.memref_squeeze %dma_start3A_4 : memref<1x128x64xbf16, #tpu.memory_space<vmem>> -> memref<128x64xbf16, #tpu.memory_space<vmem>>
    %dma_start3A_6 = arith.constant 0 : i32
    %dma_start3A_7 = tpu.memref_slice %arg7[%dma_start3A, %dma_start3A_6] : memref<160x128xi32, #tpu.memory_space<vmem>> -> memref<1x128xi32, #tpu.memory_space<vmem>>
    %dma_start3A_8 = tpu.memref_squeeze %dma_start3A_7 : memref<1x128xi32, #tpu.memory_space<vmem>> -> memref<128xi32, #tpu.memory_space<vmem>>
    %dma_start3A_9 = arith.constant 0 : i32
    %dma_start3A_10 = arith.constant 0 : i32
    %dma_start3A_11 = tpu.memref_slice %arg2[%dma_start3A_9, %dma_start3A_10] : memref<20000x64xbf16, #tpu.memory_space<hbm>> -> memref<20000x64xbf16, #tpu.memory_space<hbm>>
    tpu.enqueue_indirect_dma source(%dma_start3A_11 : memref<20000x64xbf16, #tpu.memory_space<hbm>>) target(%dma_start3A_5 : memref<128x64xbf16, #tpu.memory_space<vmem>>) offsets(%dma_start3A_8 : memref<128xi32, #tpu.memory_space<vmem>>) semaphore(%arg11 : memref<!tpu.dma_semaphore, #tpu.memory_space<semaphore_mem>>)
    %dma_start3A_12 = arith.constant 1 : i32
    %dma_start3A_13 = arith.constant 1 : i32
    %dma_start3A_14 = arith.constant 0 : i32
    %dma_start3A_15 = arith.constant 0 : i32
    %dma_start3A_16 = tpu.memref_slice %arg9[%dma_start3A_13, %dma_start3A_14, %dma_start3A_15] : memref<4x128x64xbf16, #tpu.memory_space<vmem>> -> memref<1x128x64xbf16, #tpu.memory_space<vmem>>
    %dma_start3A_17 = tpu.memref_squeeze %dma_start3A_16 : memref<1x128x64xbf16, #tpu.memory_space<vmem>> -> memref<128x64xbf16, #tpu.memory_space<vmem>>
    %dma_start3A_18 = arith.constant 0 : i32
    %dma_start3A_19 = tpu.memref_slice %arg7[%dma_start3A_12, %dma_start3A_18] : memref<160x128xi32, #tpu.memory_space<vmem>> -> memref<1x128xi32, #tpu.memory_space<vmem>>
    %dma_start3A_20 = tpu.memref_squeeze %dma_start3A_19 : memref<1x128xi32, #tpu.memory_space<vmem>> -> memref<128xi32, #tpu.memory_space<vmem>>
    %dma_start3A_21 = arith.constant 0 : i32
    %dma_start3A_22 = arith.constant 0 : i32
    %dma_start3A_23 = tpu.memref_slice %arg2[%dma_start3A_21, %dma_start3A_22] : memref<20000x64xbf16, #tpu.memory_space<hbm>> -> memref<20000x64xbf16, #tpu.memory_space<hbm>>
    tpu.enqueue_indirect_dma source(%dma_start3A_23 : memref<20000x64xbf16, #tpu.memory_space<hbm>>) target(%dma_start3A_17 : memref<128x64xbf16, #tpu.memory_space<vmem>>) offsets(%dma_start3A_20 : memref<128xi32, #tpu.memory_space<vmem>>) semaphore(%arg12 : memref<!tpu.dma_semaphore, #tpu.memory_space<semaphore_mem>>)
    %dma_start3A_24 = arith.constant 2 : i32
    %dma_start3A_25 = arith.constant 2 : i32
    %dma_start3A_26 = arith.constant 0 : i32
    %dma_start3A_27 = arith.constant 0 : i32
    %dma_start3A_28 = tpu.memref_slice %arg9[%dma_start3A_25, %dma_start3A_26, %dma_start3A_27] : memref<4x128x64xbf16, #tpu.memory_space<vmem>> -> memref<1x128x64xbf16, #tpu.memory_space<vmem>>
    %dma_start3A_29 = tpu.memref_squeeze %dma_start3A_28 : memref<1x128x64xbf16, #tpu.memory_space<vmem>> -> memref<128x64xbf16, #tpu.memory_space<vmem>>
    %dma_start3A_30 = arith.constant 0 : i32
    %dma_start3A_31 = tpu.memref_slice %arg7[%dma_start3A_24, %dma_start3A_30] : memref<160x128xi32, #tpu.memory_space<vmem>> -> memref<1x128xi32, #tpu.memory_space<vmem>>
    %dma_start3A_32 = tpu.memref_squeeze %dma_start3A_31 : memref<1x128xi32, #tpu.memory_space<vmem>> -> memref<128xi32, #tpu.memory_space<vmem>>
    %dma_start3A_33 = arith.constant 0 : i32
    %dma_start3A_34 = arith.constant 0 : i32
    %dma_start3A_35 = tpu.memref_slice %arg2[%dma_start3A_33, %dma_start3A_34] : memref<20000x64xbf16, #tpu.memory_space<hbm>> -> memref<20000x64xbf16, #tpu.memory_space<hbm>>
    tpu.enqueue_indirect_dma source(%dma_start3A_35 : memref<20000x64xbf16, #tpu.memory_space<hbm>>) target(%dma_start3A_29 : memref<128x64xbf16, #tpu.memory_space<vmem>>) offsets(%dma_start3A_32 : memref<128xi32, #tpu.memory_space<vmem>>) semaphore(%arg13 : memref<!tpu.dma_semaphore, #tpu.memory_space<semaphore_mem>>)
    %dma_start3A_36 = arith.constant 3 : i32
    %dma_start3A_37 = arith.constant 3 : i32
    %dma_start3A_38 = arith.constant 0 : i32
    %dma_start3A_39 = arith.constant 0 : i32
    %dma_start3A_40 = tpu.memref_slice %arg9[%dma_start3A_37, %dma_start3A_38, %dma_start3A_39] : memref<4x128x64xbf16, #tpu.memory_space<vmem>> -> memref<1x128x64xbf16, #tpu.memory_space<vmem>>
    %dma_start3A_41 = tpu.memref_squeeze %dma_start3A_40 : memref<1x128x64xbf16, #tpu.memory_space<vmem>> -> memref<128x64xbf16, #tpu.memory_space<vmem>>
    %dma_start3A_42 = arith.constant 0 : i32
    %dma_start3A_43 = tpu.memref_slice %arg7[%dma_start3A_36, %dma_start3A_42] : memref<160x128xi32, #tpu.memory_space<vmem>> -> memref<1x128xi32, #tpu.memory_space<vmem>>
    %dma_start3A_44 = tpu.memref_squeeze %dma_start3A_43 : memref<1x128xi32, #tpu.memory_space<vmem>> -> memref<128xi32, #tpu.memory_space<vmem>>
    %dma_start3A_45 = arith.constant 0 : i32
    %dma_start3A_46 = arith.constant 0 : i32
    %dma_start3A_47 = tpu.memref_slice %arg2[%dma_start3A_45, %dma_start3A_46] : memref<20000x64xbf16, #tpu.memory_space<hbm>> -> memref<20000x64xbf16, #tpu.memory_space<hbm>>
    tpu.enqueue_indirect_dma source(%dma_start3A_47 : memref<20000x64xbf16, #tpu.memory_space<hbm>>) target(%dma_start3A_41 : memref<128x64xbf16, #tpu.memory_space<vmem>>) offsets(%dma_start3A_44 : memref<128xi32, #tpu.memory_space<vmem>>) semaphore(%arg14 : memref<!tpu.dma_semaphore, #tpu.memory_space<semaphore_mem>>)
    %barrier3A = arith.constant 0 : index
    tpu.barrier barrier_id(%barrier3A)
    %scan3A = arith.constant 0 : i32
    %scan3A_48 = arith.constant 0 : i32
    %scan3A_49 = arith.constant 40 : i32
    %scan3A_50 = arith.addi %scan3A_48, %scan3A_49 : i32
    %scan3A_51 = arith.constant 1 : i32
    scf.for %scan3A_60 = %scan3A_48 to %scan3A_50 step %scan3A_51  : i32 {
      %mul3A_61 = arith.constant 4 : i32
      %mul3A_62 = arith.muli %scan3A_60, %mul3A_61 : i32
      %add3A = arith.constant 0 : i32
      %add3A_63 = arith.addi %mul3A_62, %add3A : i32
      %dma_wait3A = arith.constant 0 : i32
      %dma_wait3A_64 = arith.constant 0 : i32
      %dma_wait3A_65 = arith.constant 0 : i32
      %dma_wait3A_66 = tpu.memref_slice %arg9[%dma_wait3A, %dma_wait3A_64, %dma_wait3A_65] : memref<4x128x64xbf16, #tpu.memory_space<vmem>> -> memref<1x128x64xbf16, #tpu.memory_space<vmem>>
      %dma_wait3A_67 = tpu.memref_squeeze %dma_wait3A_66 : memref<1x128x64xbf16, #tpu.memory_space<vmem>> -> memref<128x64xbf16, #tpu.memory_space<vmem>>
      %dma_wait3A_68 = arith.constant 0 : i32
      %dma_wait3A_69 = arith.constant 0 : i32
      %dma_wait3A_70 = tpu.memref_slice %arg2[%dma_wait3A_68, %dma_wait3A_69] : memref<20000x64xbf16, #tpu.memory_space<hbm>> -> memref<128x64xbf16, #tpu.memory_space<hbm>>
      %dma_wait3A_71 = arith.constant 0 : i32
      %dma_wait3A_72 = arith.constant 0 : i32
      %dma_wait3A_73 = tpu.memref_slice %arg9[%dma_wait3A, %dma_wait3A_71, %dma_wait3A_72] : memref<4x128x64xbf16, #tpu.memory_space<vmem>> -> memref<1x128x64xbf16, #tpu.memory_space<vmem>>
      %dma_wait3A_74 = tpu.memref_squeeze %dma_wait3A_73 : memref<1x128x64xbf16, #tpu.memory_space<vmem>> -> memref<128x64xbf16, #tpu.memory_space<vmem>>
      %dma_wait3A_75 = arith.constant 0 : i32
      %dma_wait3A_76 = arith.constant 0 : i32
      %dma_wait3A_77 = tpu.memref_slice %arg2[%dma_wait3A_75, %dma_wait3A_76] : memref<20000x64xbf16, #tpu.memory_space<hbm>> -> memref<128x64xbf16, #tpu.memory_space<hbm>>
      tpu.wait_dma2 semaphore(%arg11 : memref<!tpu.dma_semaphore, #tpu.memory_space<semaphore_mem>>) src(%dma_wait3A_77 : memref<128x64xbf16, #tpu.memory_space<hbm>>) dst(%dma_wait3A_74 : memref<128x64xbf16, #tpu.memory_space<vmem>>)
      %run_scoped3A = arith.constant 0 : i32
      "tpu.region"() ({
        %run_scoped3A_163 = tpu.sem_alloc : memref<!tpu.dma_semaphore, #tpu.memory_space<semaphore_mem>>
        %dma_start3A_164 = arith.constant 0 : i32
        %dma_start3A_165 = arith.constant 0 : i32
        %dma_start3A_166 = tpu.memref_slice %arg9[%run_scoped3A, %dma_start3A_164, %dma_start3A_165] : memref<4x128x64xbf16, #tpu.memory_space<vmem>> -> memref<1x128x64xbf16, #tpu.memory_space<vmem>>
        %dma_start3A_167 = tpu.memref_squeeze %dma_start3A_166 : memref<1x128x64xbf16, #tpu.memory_space<vmem>> -> memref<128x64xbf16, #tpu.memory_space<vmem>>
        %dma_start3A_168 = arith.constant 0 : i32
        %dma_start3A_169 = tpu.memref_slice %arg8[%add3A_63, %dma_start3A_168] : memref<160x128xi32, #tpu.memory_space<vmem>> -> memref<1x128xi32, #tpu.memory_space<vmem>>
        %dma_start3A_170 = tpu.memref_squeeze %dma_start3A_169 : memref<1x128xi32, #tpu.memory_space<vmem>> -> memref<128xi32, #tpu.memory_space<vmem>>
        %dma_start3A_171 = arith.constant 0 : i32
        %dma_start3A_172 = arith.constant 0 : i32
        %dma_start3A_173 = tpu.memref_slice %arg10[%dma_start3A_171, %dma_start3A_172] : memref<10112x64xbf16, #tpu.memory_space<vmem_shared>> -> memref<10112x64xbf16, #tpu.memory_space<vmem_shared>>
        tpu.enqueue_indirect_dma source(%dma_start3A_167 : memref<128x64xbf16, #tpu.memory_space<vmem>>) target(%dma_start3A_173 : memref<10112x64xbf16, #tpu.memory_space<vmem_shared>>) offsets(%dma_start3A_170 : memref<128xi32, #tpu.memory_space<vmem>>) semaphore(%run_scoped3A_163 : memref<!tpu.dma_semaphore, #tpu.memory_space<semaphore_mem>>) {add = true}
        %dma_wait3A_174 = arith.constant 0 : i32
        %dma_wait3A_175 = arith.constant 0 : i32
        %dma_wait3A_176 = tpu.memref_slice %arg9[%run_scoped3A, %dma_wait3A_174, %dma_wait3A_175] : memref<4x128x64xbf16, #tpu.memory_space<vmem>> -> memref<1x128x64xbf16, #tpu.memory_space<vmem>>
        %dma_wait3A_177 = tpu.memref_squeeze %dma_wait3A_176 : memref<1x128x64xbf16, #tpu.memory_space<vmem>> -> memref<128x64xbf16, #tpu.memory_space<vmem>>
        %dma_wait3A_178 = arith.constant 0 : i32
        %dma_wait3A_179 = tpu.memref_slice %arg8[%add3A_63, %dma_wait3A_178] : memref<160x128xi32, #tpu.memory_space<vmem>> -> memref<1x128xi32, #tpu.memory_space<vmem>>
        %dma_wait3A_180 = tpu.memref_squeeze %dma_wait3A_179 : memref<1x128xi32, #tpu.memory_space<vmem>> -> memref<128xi32, #tpu.memory_space<vmem>>
        %dma_wait3A_181 = arith.constant 0 : i32
        %dma_wait3A_182 = arith.constant 0 : i32
        %dma_wait3A_183 = tpu.memref_slice %arg10[%dma_wait3A_181, %dma_wait3A_182] : memref<10112x64xbf16, #tpu.memory_space<vmem_shared>> -> memref<10112x64xbf16, #tpu.memory_space<vmem_shared>>
        tpu.wait_indirect_dma semaphore(%run_scoped3A_163 : memref<!tpu.dma_semaphore, #tpu.memory_space<semaphore_mem>>) src(%dma_wait3A_177 : memref<128x64xbf16, #tpu.memory_space<vmem>>) dst(%dma_wait3A_183 : memref<10112x64xbf16, #tpu.memory_space<vmem_shared>>)
        tpu.yield
      }) : () -> ()
      %add3A_78 = arith.constant 4 : i32
      %add3A_79 = arith.addi %add3A_63, %add3A_78 : i32
      %lt3A = arith.constant 160 : i32
      %lt3A_80 = arith.cmpi slt, %add3A_79, %lt3A : i32
      %convert_element_type3A = arith.extui %lt3A_80 : i1 to i32
      %cond3A = arith.constant 0 : i32
      %cond3A_81 = arith.cmpi ne, %convert_element_type3A, %cond3A : i32
      scf.if %cond3A_81 {
        %add3A_163 = arith.constant 4 : i32
        %add3A_164 = arith.addi %add3A_63, %add3A_163 : i32
        %dma_start3A_165 = arith.constant 0 : i32
        %dma_start3A_166 = arith.constant 0 : i32
        %dma_start3A_167 = arith.constant 0 : i32
        %dma_start3A_168 = tpu.memref_slice %arg9[%dma_start3A_165, %dma_start3A_166, %dma_start3A_167] : memref<4x128x64xbf16, #tpu.memory_space<vmem>> -> memref<1x128x64xbf16, #tpu.memory_space<vmem>>
        %dma_start3A_169 = tpu.memref_squeeze %dma_start3A_168 : memref<1x128x64xbf16, #tpu.memory_space<vmem>> -> memref<128x64xbf16, #tpu.memory_space<vmem>>
        %dma_start3A_170 = arith.constant 0 : i32
        %dma_start3A_171 = tpu.memref_slice %arg7[%add3A_164, %dma_start3A_170] : memref<160x128xi32, #tpu.memory_space<vmem>> -> memref<1x128xi32, #tpu.memory_space<vmem>>
        %dma_start3A_172 = tpu.memref_squeeze %dma_start3A_171 : memref<1x128xi32, #tpu.memory_space<vmem>> -> memref<128xi32, #tpu.memory_space<vmem>>
        %dma_start3A_173 = arith.constant 0 : i32
        %dma_start3A_174 = arith.constant 0 : i32
        %dma_start3A_175 = tpu.memref_slice %arg2[%dma_start3A_173, %dma_start3A_174] : memref<20000x64xbf16, #tpu.memory_space<hbm>> -> memref<20000x64xbf16, #tpu.memory_space<hbm>>
        tpu.enqueue_indirect_dma source(%dma_start3A_175 : memref<20000x64xbf16, #tpu.memory_space<hbm>>) target(%dma_start3A_169 : memref<128x64xbf16, #tpu.memory_space<vmem>>) offsets(%dma_start3A_172 : memref<128xi32, #tpu.memory_space<vmem>>) semaphore(%arg11 : memref<!tpu.dma_semaphore, #tpu.memory_space<semaphore_mem>>)
      } else {
      }
      %mul3A_82 = arith.constant 4 : i32
      %mul3A_83 = arith.muli %scan3A_60, %mul3A_82 : i32
      %add3A_84 = arith.constant 1 : i32
      %add3A_85 = arith.addi %mul3A_83, %add3A_84 : i32
      %dma_wait3A_86 = arith.constant 1 : i32
      %dma_wait3A_87 = arith.constant 0 : i32
      %dma_wait3A_88 = arith.constant 0 : i32
      %dma_wait3A_89 = tpu.memref_slice %arg9[%dma_wait3A_86, %dma_wait3A_87, %dma_wait3A_88] : memref<4x128x64xbf16, #tpu.memory_space<vmem>> -> memref<1x128x64xbf16, #tpu.memory_space<vmem>>
      %dma_wait3A_90 = tpu.memref_squeeze %dma_wait3A_89 : memref<1x128x64xbf16, #tpu.memory_space<vmem>> -> memref<128x64xbf16, #tpu.memory_space<vmem>>
      %dma_wait3A_91 = arith.constant 0 : i32
      %dma_wait3A_92 = arith.constant 0 : i32
      %dma_wait3A_93 = tpu.memref_slice %arg2[%dma_wait3A_91, %dma_wait3A_92] : memref<20000x64xbf16, #tpu.memory_space<hbm>> -> memref<128x64xbf16, #tpu.memory_space<hbm>>
      %dma_wait3A_94 = arith.constant 0 : i32
      %dma_wait3A_95 = arith.constant 0 : i32
      %dma_wait3A_96 = tpu.memref_slice %arg9[%dma_wait3A_86, %dma_wait3A_94, %dma_wait3A_95] : memref<4x128x64xbf16, #tpu.memory_space<vmem>> -> memref<1x128x64xbf16, #tpu.memory_space<vmem>>
      %dma_wait3A_97 = tpu.memref_squeeze %dma_wait3A_96 : memref<1x128x64xbf16, #tpu.memory_space<vmem>> -> memref<128x64xbf16, #tpu.memory_space<vmem>>
      %dma_wait3A_98 = arith.constant 0 : i32
      %dma_wait3A_99 = arith.constant 0 : i32
      %dma_wait3A_100 = tpu.memref_slice %arg2[%dma_wait3A_98, %dma_wait3A_99] : memref<20000x64xbf16, #tpu.memory_space<hbm>> -> memref<128x64xbf16, #tpu.memory_space<hbm>>
      tpu.wait_dma2 semaphore(%arg12 : memref<!tpu.dma_semaphore, #tpu.memory_space<semaphore_mem>>) src(%dma_wait3A_100 : memref<128x64xbf16, #tpu.memory_space<hbm>>) dst(%dma_wait3A_97 : memref<128x64xbf16, #tpu.memory_space<vmem>>)
      %run_scoped3A_101 = arith.constant 1 : i32
      "tpu.region"() ({
        %run_scoped3A_163 = tpu.sem_alloc : memref<!tpu.dma_semaphore, #tpu.memory_space<semaphore_mem>>
        %dma_start3A_164 = arith.constant 0 : i32
        %dma_start3A_165 = arith.constant 0 : i32
        %dma_start3A_166 = tpu.memref_slice %arg9[%run_scoped3A_101, %dma_start3A_164, %dma_start3A_165] : memref<4x128x64xbf16, #tpu.memory_space<vmem>> -> memref<1x128x64xbf16, #tpu.memory_space<vmem>>
        %dma_start3A_167 = tpu.memref_squeeze %dma_start3A_166 : memref<1x128x64xbf16, #tpu.memory_space<vmem>> -> memref<128x64xbf16, #tpu.memory_space<vmem>>
        %dma_start3A_168 = arith.constant 0 : i32
        %dma_start3A_169 = tpu.memref_slice %arg8[%add3A_85, %dma_start3A_168] : memref<160x128xi32, #tpu.memory_space<vmem>> -> memref<1x128xi32, #tpu.memory_space<vmem>>
        %dma_start3A_170 = tpu.memref_squeeze %dma_start3A_169 : memref<1x128xi32, #tpu.memory_space<vmem>> -> memref<128xi32, #tpu.memory_space<vmem>>
        %dma_start3A_171 = arith.constant 0 : i32
        %dma_start3A_172 = arith.constant 0 : i32
        %dma_start3A_173 = tpu.memref_slice %arg10[%dma_start3A_171, %dma_start3A_172] : memref<10112x64xbf16, #tpu.memory_space<vmem_shared>> -> memref<10112x64xbf16, #tpu.memory_space<vmem_shared>>
        tpu.enqueue_indirect_dma source(%dma_start3A_167 : memref<128x64xbf16, #tpu.memory_space<vmem>>) target(%dma_start3A_173 : memref<10112x64xbf16, #tpu.memory_space<vmem_shared>>) offsets(%dma_start3A_170 : memref<128xi32, #tpu.memory_space<vmem>>) semaphore(%run_scoped3A_163 : memref<!tpu.dma_semaphore, #tpu.memory_space<semaphore_mem>>) {add = true}
        %dma_wait3A_174 = arith.constant 0 : i32
        %dma_wait3A_175 = arith.constant 0 : i32
        %dma_wait3A_176 = tpu.memref_slice %arg9[%run_scoped3A_101, %dma_wait3A_174, %dma_wait3A_175] : memref<4x128x64xbf16, #tpu.memory_space<vmem>> -> memref<1x128x64xbf16, #tpu.memory_space<vmem>>
        %dma_wait3A_177 = tpu.memref_squeeze %dma_wait3A_176 : memref<1x128x64xbf16, #tpu.memory_space<vmem>> -> memref<128x64xbf16, #tpu.memory_space<vmem>>
        %dma_wait3A_178 = arith.constant 0 : i32
        %dma_wait3A_179 = tpu.memref_slice %arg8[%add3A_85, %dma_wait3A_178] : memref<160x128xi32, #tpu.memory_space<vmem>> -> memref<1x128xi32, #tpu.memory_space<vmem>>
        %dma_wait3A_180 = tpu.memref_squeeze %dma_wait3A_179 : memref<1x128xi32, #tpu.memory_space<vmem>> -> memref<128xi32, #tpu.memory_space<vmem>>
        %dma_wait3A_181 = arith.constant 0 : i32
        %dma_wait3A_182 = arith.constant 0 : i32
        %dma_wait3A_183 = tpu.memref_slice %arg10[%dma_wait3A_181, %dma_wait3A_182] : memref<10112x64xbf16, #tpu.memory_space<vmem_shared>> -> memref<10112x64xbf16, #tpu.memory_space<vmem_shared>>
        tpu.wait_indirect_dma semaphore(%run_scoped3A_163 : memref<!tpu.dma_semaphore, #tpu.memory_space<semaphore_mem>>) src(%dma_wait3A_177 : memref<128x64xbf16, #tpu.memory_space<vmem>>) dst(%dma_wait3A_183 : memref<10112x64xbf16, #tpu.memory_space<vmem_shared>>)
        tpu.yield
      }) : () -> ()
      %add3A_102 = arith.constant 4 : i32
      %add3A_103 = arith.addi %add3A_85, %add3A_102 : i32
      %lt3A_104 = arith.constant 160 : i32
      %lt3A_105 = arith.cmpi slt, %add3A_103, %lt3A_104 : i32
      %convert_element_type3A_106 = arith.extui %lt3A_105 : i1 to i32
      %cond3A_107 = arith.constant 0 : i32
      %cond3A_108 = arith.cmpi ne, %convert_element_type3A_106, %cond3A_107 : i32
      scf.if %cond3A_108 {
        %add3A_163 = arith.constant 4 : i32
        %add3A_164 = arith.addi %add3A_85, %add3A_163 : i32
        %dma_start3A_165 = arith.constant 1 : i32
        %dma_start3A_166 = arith.constant 0 : i32
        %dma_start3A_167 = arith.constant 0 : i32
        %dma_start3A_168 = tpu.memref_slice %arg9[%dma_start3A_165, %dma_start3A_166, %dma_start3A_167] : memref<4x128x64xbf16, #tpu.memory_space<vmem>> -> memref<1x128x64xbf16, #tpu.memory_space<vmem>>
        %dma_start3A_169 = tpu.memref_squeeze %dma_start3A_168 : memref<1x128x64xbf16, #tpu.memory_space<vmem>> -> memref<128x64xbf16, #tpu.memory_space<vmem>>
        %dma_start3A_170 = arith.constant 0 : i32
        %dma_start3A_171 = tpu.memref_slice %arg7[%add3A_164, %dma_start3A_170] : memref<160x128xi32, #tpu.memory_space<vmem>> -> memref<1x128xi32, #tpu.memory_space<vmem>>
        %dma_start3A_172 = tpu.memref_squeeze %dma_start3A_171 : memref<1x128xi32, #tpu.memory_space<vmem>> -> memref<128xi32, #tpu.memory_space<vmem>>
        %dma_start3A_173 = arith.constant 0 : i32
        %dma_start3A_174 = arith.constant 0 : i32
        %dma_start3A_175 = tpu.memref_slice %arg2[%dma_start3A_173, %dma_start3A_174] : memref<20000x64xbf16, #tpu.memory_space<hbm>> -> memref<20000x64xbf16, #tpu.memory_space<hbm>>
        tpu.enqueue_indirect_dma source(%dma_start3A_175 : memref<20000x64xbf16, #tpu.memory_space<hbm>>) target(%dma_start3A_169 : memref<128x64xbf16, #tpu.memory_space<vmem>>) offsets(%dma_start3A_172 : memref<128xi32, #tpu.memory_space<vmem>>) semaphore(%arg12 : memref<!tpu.dma_semaphore, #tpu.memory_space<semaphore_mem>>)
      } else {
      }
      %mul3A_109 = arith.constant 4 : i32
      %mul3A_110 = arith.muli %scan3A_60, %mul3A_109 : i32
      %add3A_111 = arith.constant 2 : i32
      %add3A_112 = arith.addi %mul3A_110, %add3A_111 : i32
      %dma_wait3A_113 = arith.constant 2 : i32
      %dma_wait3A_114 = arith.constant 0 : i32
      %dma_wait3A_115 = arith.constant 0 : i32
      %dma_wait3A_116 = tpu.memref_slice %arg9[%dma_wait3A_113, %dma_wait3A_114, %dma_wait3A_115] : memref<4x128x64xbf16, #tpu.memory_space<vmem>> -> memref<1x128x64xbf16, #tpu.memory_space<vmem>>
      %dma_wait3A_117 = tpu.memref_squeeze %dma_wait3A_116 : memref<1x128x64xbf16, #tpu.memory_space<vmem>> -> memref<128x64xbf16, #tpu.memory_space<vmem>>
      %dma_wait3A_118 = arith.constant 0 : i32
      %dma_wait3A_119 = arith.constant 0 : i32
      %dma_wait3A_120 = tpu.memref_slice %arg2[%dma_wait3A_118, %dma_wait3A_119] : memref<20000x64xbf16, #tpu.memory_space<hbm>> -> memref<128x64xbf16, #tpu.memory_space<hbm>>
      %dma_wait3A_121 = arith.constant 0 : i32
      %dma_wait3A_122 = arith.constant 0 : i32
      %dma_wait3A_123 = tpu.memref_slice %arg9[%dma_wait3A_113, %dma_wait3A_121, %dma_wait3A_122] : memref<4x128x64xbf16, #tpu.memory_space<vmem>> -> memref<1x128x64xbf16, #tpu.memory_space<vmem>>
      %dma_wait3A_124 = tpu.memref_squeeze %dma_wait3A_123 : memref<1x128x64xbf16, #tpu.memory_space<vmem>> -> memref<128x64xbf16, #tpu.memory_space<vmem>>
      %dma_wait3A_125 = arith.constant 0 : i32
      %dma_wait3A_126 = arith.constant 0 : i32
      %dma_wait3A_127 = tpu.memref_slice %arg2[%dma_wait3A_125, %dma_wait3A_126] : memref<20000x64xbf16, #tpu.memory_space<hbm>> -> memref<128x64xbf16, #tpu.memory_space<hbm>>
      tpu.wait_dma2 semaphore(%arg13 : memref<!tpu.dma_semaphore, #tpu.memory_space<semaphore_mem>>) src(%dma_wait3A_127 : memref<128x64xbf16, #tpu.memory_space<hbm>>) dst(%dma_wait3A_124 : memref<128x64xbf16, #tpu.memory_space<vmem>>)
      %run_scoped3A_128 = arith.constant 2 : i32
      "tpu.region"() ({
        %run_scoped3A_163 = tpu.sem_alloc : memref<!tpu.dma_semaphore, #tpu.memory_space<semaphore_mem>>
        %dma_start3A_164 = arith.constant 0 : i32
        %dma_start3A_165 = arith.constant 0 : i32
        %dma_start3A_166 = tpu.memref_slice %arg9[%run_scoped3A_128, %dma_start3A_164, %dma_start3A_165] : memref<4x128x64xbf16, #tpu.memory_space<vmem>> -> memref<1x128x64xbf16, #tpu.memory_space<vmem>>
        %dma_start3A_167 = tpu.memref_squeeze %dma_start3A_166 : memref<1x128x64xbf16, #tpu.memory_space<vmem>> -> memref<128x64xbf16, #tpu.memory_space<vmem>>
        %dma_start3A_168 = arith.constant 0 : i32
        %dma_start3A_169 = tpu.memref_slice %arg8[%add3A_112, %dma_start3A_168] : memref<160x128xi32, #tpu.memory_space<vmem>> -> memref<1x128xi32, #tpu.memory_space<vmem>>
        %dma_start3A_170 = tpu.memref_squeeze %dma_start3A_169 : memref<1x128xi32, #tpu.memory_space<vmem>> -> memref<128xi32, #tpu.memory_space<vmem>>
        %dma_start3A_171 = arith.constant 0 : i32
        %dma_start3A_172 = arith.constant 0 : i32
        %dma_start3A_173 = tpu.memref_slice %arg10[%dma_start3A_171, %dma_start3A_172] : memref<10112x64xbf16, #tpu.memory_space<vmem_shared>> -> memref<10112x64xbf16, #tpu.memory_space<vmem_shared>>
        tpu.enqueue_indirect_dma source(%dma_start3A_167 : memref<128x64xbf16, #tpu.memory_space<vmem>>) target(%dma_start3A_173 : memref<10112x64xbf16, #tpu.memory_space<vmem_shared>>) offsets(%dma_start3A_170 : memref<128xi32, #tpu.memory_space<vmem>>) semaphore(%run_scoped3A_163 : memref<!tpu.dma_semaphore, #tpu.memory_space<semaphore_mem>>) {add = true}
        %dma_wait3A_174 = arith.constant 0 : i32
        %dma_wait3A_175 = arith.constant 0 : i32
        %dma_wait3A_176 = tpu.memref_slice %arg9[%run_scoped3A_128, %dma_wait3A_174, %dma_wait3A_175] : memref<4x128x64xbf16, #tpu.memory_space<vmem>> -> memref<1x128x64xbf16, #tpu.memory_space<vmem>>
        %dma_wait3A_177 = tpu.memref_squeeze %dma_wait3A_176 : memref<1x128x64xbf16, #tpu.memory_space<vmem>> -> memref<128x64xbf16, #tpu.memory_space<vmem>>
        %dma_wait3A_178 = arith.constant 0 : i32
        %dma_wait3A_179 = tpu.memref_slice %arg8[%add3A_112, %dma_wait3A_178] : memref<160x128xi32, #tpu.memory_space<vmem>> -> memref<1x128xi32, #tpu.memory_space<vmem>>
        %dma_wait3A_180 = tpu.memref_squeeze %dma_wait3A_179 : memref<1x128xi32, #tpu.memory_space<vmem>> -> memref<128xi32, #tpu.memory_space<vmem>>
        %dma_wait3A_181 = arith.constant 0 : i32
        %dma_wait3A_182 = arith.constant 0 : i32
        %dma_wait3A_183 = tpu.memref_slice %arg10[%dma_wait3A_181, %dma_wait3A_182] : memref<10112x64xbf16, #tpu.memory_space<vmem_shared>> -> memref<10112x64xbf16, #tpu.memory_space<vmem_shared>>
        tpu.wait_indirect_dma semaphore(%run_scoped3A_163 : memref<!tpu.dma_semaphore, #tpu.memory_space<semaphore_mem>>) src(%dma_wait3A_177 : memref<128x64xbf16, #tpu.memory_space<vmem>>) dst(%dma_wait3A_183 : memref<10112x64xbf16, #tpu.memory_space<vmem_shared>>)
        tpu.yield
      }) : () -> ()
      %add3A_129 = arith.constant 4 : i32
      %add3A_130 = arith.addi %add3A_112, %add3A_129 : i32
      %lt3A_131 = arith.constant 160 : i32
      %lt3A_132 = arith.cmpi slt, %add3A_130, %lt3A_131 : i32
      %convert_element_type3A_133 = arith.extui %lt3A_132 : i1 to i32
      %cond3A_134 = arith.constant 0 : i32
      %cond3A_135 = arith.cmpi ne, %convert_element_type3A_133, %cond3A_134 : i32
      scf.if %cond3A_135 {
        %add3A_163 = arith.constant 4 : i32
        %add3A_164 = arith.addi %add3A_112, %add3A_163 : i32
        %dma_start3A_165 = arith.constant 2 : i32
        %dma_start3A_166 = arith.constant 0 : i32
        %dma_start3A_167 = arith.constant 0 : i32
        %dma_start3A_168 = tpu.memref_slice %arg9[%dma_start3A_165, %dma_start3A_166, %dma_start3A_167] : memref<4x128x64xbf16, #tpu.memory_space<vmem>> -> memref<1x128x64xbf16, #tpu.memory_space<vmem>>
        %dma_start3A_169 = tpu.memref_squeeze %dma_start3A_168 : memref<1x128x64xbf16, #tpu.memory_space<vmem>> -> memref<128x64xbf16, #tpu.memory_space<vmem>>
        %dma_start3A_170 = arith.constant 0 : i32
        %dma_start3A_171 = tpu.memref_slice %arg7[%add3A_164, %dma_start3A_170] : memref<160x128xi32, #tpu.memory_space<vmem>> -> memref<1x128xi32, #tpu.memory_space<vmem>>
        %dma_start3A_172 = tpu.memref_squeeze %dma_start3A_171 : memref<1x128xi32, #tpu.memory_space<vmem>> -> memref<128xi32, #tpu.memory_space<vmem>>
        %dma_start3A_173 = arith.constant 0 : i32
        %dma_start3A_174 = arith.constant 0 : i32
        %dma_start3A_175 = tpu.memref_slice %arg2[%dma_start3A_173, %dma_start3A_174] : memref<20000x64xbf16, #tpu.memory_space<hbm>> -> memref<20000x64xbf16, #tpu.memory_space<hbm>>
        tpu.enqueue_indirect_dma source(%dma_start3A_175 : memref<20000x64xbf16, #tpu.memory_space<hbm>>) target(%dma_start3A_169 : memref<128x64xbf16, #tpu.memory_space<vmem>>) offsets(%dma_start3A_172 : memref<128xi32, #tpu.memory_space<vmem>>) semaphore(%arg13 : memref<!tpu.dma_semaphore, #tpu.memory_space<semaphore_mem>>)
      } else {
      }
      %mul3A_136 = arith.constant 4 : i32
      %mul3A_137 = arith.muli %scan3A_60, %mul3A_136 : i32
      %add3A_138 = arith.constant 3 : i32
      %add3A_139 = arith.addi %mul3A_137, %add3A_138 : i32
      %dma_wait3A_140 = arith.constant 3 : i32
      %dma_wait3A_141 = arith.constant 0 : i32
      %dma_wait3A_142 = arith.constant 0 : i32
      %dma_wait3A_143 = tpu.memref_slice %arg9[%dma_wait3A_140, %dma_wait3A_141, %dma_wait3A_142] : memref<4x128x64xbf16, #tpu.memory_space<vmem>> -> memref<1x128x64xbf16, #tpu.memory_space<vmem>>
      %dma_wait3A_144 = tpu.memref_squeeze %dma_wait3A_143 : memref<1x128x64xbf16, #tpu.memory_space<vmem>> -> memref<128x64xbf16, #tpu.memory_space<vmem>>
      %dma_wait3A_145 = arith.constant 0 : i32
      %dma_wait3A_146 = arith.constant 0 : i32
      %dma_wait3A_147 = tpu.memref_slice %arg2[%dma_wait3A_145, %dma_wait3A_146] : memref<20000x64xbf16, #tpu.memory_space<hbm>> -> memref<128x64xbf16, #tpu.memory_space<hbm>>
      %dma_wait3A_148 = arith.constant 0 : i32
      %dma_wait3A_149 = arith.constant 0 : i32
      %dma_wait3A_150 = tpu.memref_slice %arg9[%dma_wait3A_140, %dma_wait3A_148, %dma_wait3A_149] : memref<4x128x64xbf16, #tpu.memory_space<vmem>> -> memref<1x128x64xbf16, #tpu.memory_space<vmem>>
      %dma_wait3A_151 = tpu.memref_squeeze %dma_wait3A_150 : memref<1x128x64xbf16, #tpu.memory_space<vmem>> -> memref<128x64xbf16, #tpu.memory_space<vmem>>
      %dma_wait3A_152 = arith.constant 0 : i32
      %dma_wait3A_153 = arith.constant 0 : i32
      %dma_wait3A_154 = tpu.memref_slice %arg2[%dma_wait3A_152, %dma_wait3A_153] : memref<20000x64xbf16, #tpu.memory_space<hbm>> -> memref<128x64xbf16, #tpu.memory_space<hbm>>
      tpu.wait_dma2 semaphore(%arg14 : memref<!tpu.dma_semaphore, #tpu.memory_space<semaphore_mem>>) src(%dma_wait3A_154 : memref<128x64xbf16, #tpu.memory_space<hbm>>) dst(%dma_wait3A_151 : memref<128x64xbf16, #tpu.memory_space<vmem>>)
      %run_scoped3A_155 = arith.constant 3 : i32
      "tpu.region"() ({
        %run_scoped3A_163 = tpu.sem_alloc : memref<!tpu.dma_semaphore, #tpu.memory_space<semaphore_mem>>
        %dma_start3A_164 = arith.constant 0 : i32
        %dma_start3A_165 = arith.constant 0 : i32
        %dma_start3A_166 = tpu.memref_slice %arg9[%run_scoped3A_155, %dma_start3A_164, %dma_start3A_165] : memref<4x128x64xbf16, #tpu.memory_space<vmem>> -> memref<1x128x64xbf16, #tpu.memory_space<vmem>>
        %dma_start3A_167 = tpu.memref_squeeze %dma_start3A_166 : memref<1x128x64xbf16, #tpu.memory_space<vmem>> -> memref<128x64xbf16, #tpu.memory_space<vmem>>
        %dma_start3A_168 = arith.constant 0 : i32
        %dma_start3A_169 = tpu.memref_slice %arg8[%add3A_139, %dma_start3A_168] : memref<160x128xi32, #tpu.memory_space<vmem>> -> memref<1x128xi32, #tpu.memory_space<vmem>>
        %dma_start3A_170 = tpu.memref_squeeze %dma_start3A_169 : memref<1x128xi32, #tpu.memory_space<vmem>> -> memref<128xi32, #tpu.memory_space<vmem>>
        %dma_start3A_171 = arith.constant 0 : i32
        %dma_start3A_172 = arith.constant 0 : i32
        %dma_start3A_173 = tpu.memref_slice %arg10[%dma_start3A_171, %dma_start3A_172] : memref<10112x64xbf16, #tpu.memory_space<vmem_shared>> -> memref<10112x64xbf16, #tpu.memory_space<vmem_shared>>
        tpu.enqueue_indirect_dma source(%dma_start3A_167 : memref<128x64xbf16, #tpu.memory_space<vmem>>) target(%dma_start3A_173 : memref<10112x64xbf16, #tpu.memory_space<vmem_shared>>) offsets(%dma_start3A_170 : memref<128xi32, #tpu.memory_space<vmem>>) semaphore(%run_scoped3A_163 : memref<!tpu.dma_semaphore, #tpu.memory_space<semaphore_mem>>) {add = true}
        %dma_wait3A_174 = arith.constant 0 : i32
        %dma_wait3A_175 = arith.constant 0 : i32
        %dma_wait3A_176 = tpu.memref_slice %arg9[%run_scoped3A_155, %dma_wait3A_174, %dma_wait3A_175] : memref<4x128x64xbf16, #tpu.memory_space<vmem>> -> memref<1x128x64xbf16, #tpu.memory_space<vmem>>
        %dma_wait3A_177 = tpu.memref_squeeze %dma_wait3A_176 : memref<1x128x64xbf16, #tpu.memory_space<vmem>> -> memref<128x64xbf16, #tpu.memory_space<vmem>>
        %dma_wait3A_178 = arith.constant 0 : i32
        %dma_wait3A_179 = tpu.memref_slice %arg8[%add3A_139, %dma_wait3A_178] : memref<160x128xi32, #tpu.memory_space<vmem>> -> memref<1x128xi32, #tpu.memory_space<vmem>>
        %dma_wait3A_180 = tpu.memref_squeeze %dma_wait3A_179 : memref<1x128xi32, #tpu.memory_space<vmem>> -> memref<128xi32, #tpu.memory_space<vmem>>
        %dma_wait3A_181 = arith.constant 0 : i32
        %dma_wait3A_182 = arith.constant 0 : i32
        %dma_wait3A_183 = tpu.memref_slice %arg10[%dma_wait3A_181, %dma_wait3A_182] : memref<10112x64xbf16, #tpu.memory_space<vmem_shared>> -> memref<10112x64xbf16, #tpu.memory_space<vmem_shared>>
        tpu.wait_indirect_dma semaphore(%run_scoped3A_163 : memref<!tpu.dma_semaphore, #tpu.memory_space<semaphore_mem>>) src(%dma_wait3A_177 : memref<128x64xbf16, #tpu.memory_space<vmem>>) dst(%dma_wait3A_183 : memref<10112x64xbf16, #tpu.memory_space<vmem_shared>>)
        tpu.yield
      }) : () -> ()
      %add3A_156 = arith.constant 4 : i32
      %add3A_157 = arith.addi %add3A_139, %add3A_156 : i32
      %lt3A_158 = arith.constant 160 : i32
      %lt3A_159 = arith.cmpi slt, %add3A_157, %lt3A_158 : i32
      %convert_element_type3A_160 = arith.extui %lt3A_159 : i1 to i32
      %cond3A_161 = arith.constant 0 : i32
      %cond3A_162 = arith.cmpi ne, %convert_element_type3A_160, %cond3A_161 : i32
      scf.if %cond3A_162 {
        %add3A_163 = arith.constant 4 : i32
        %add3A_164 = arith.addi %add3A_139, %add3A_163 : i32
        %dma_start3A_165 = arith.constant 3 : i32
        %dma_start3A_166 = arith.constant 0 : i32
        %dma_start3A_167 = arith.constant 0 : i32
        %dma_start3A_168 = tpu.memref_slice %arg9[%dma_start3A_165, %dma_start3A_166, %dma_start3A_167] : memref<4x128x64xbf16, #tpu.memory_space<vmem>> -> memref<1x128x64xbf16, #tpu.memory_space<vmem>>
        %dma_start3A_169 = tpu.memref_squeeze %dma_start3A_168 : memref<1x128x64xbf16, #tpu.memory_space<vmem>> -> memref<128x64xbf16, #tpu.memory_space<vmem>>
        %dma_start3A_170 = arith.constant 0 : i32
        %dma_start3A_171 = tpu.memref_slice %arg7[%add3A_164, %dma_start3A_170] : memref<160x128xi32, #tpu.memory_space<vmem>> -> memref<1x128xi32, #tpu.memory_space<vmem>>
        %dma_start3A_172 = tpu.memref_squeeze %dma_start3A_171 : memref<1x128xi32, #tpu.memory_space<vmem>> -> memref<128xi32, #tpu.memory_space<vmem>>
        %dma_start3A_173 = arith.constant 0 : i32
        %dma_start3A_174 = arith.constant 0 : i32
        %dma_start3A_175 = tpu.memref_slice %arg2[%dma_start3A_173, %dma_start3A_174] : memref<20000x64xbf16, #tpu.memory_space<hbm>> -> memref<20000x64xbf16, #tpu.memory_space<hbm>>
        tpu.enqueue_indirect_dma source(%dma_start3A_175 : memref<20000x64xbf16, #tpu.memory_space<hbm>>) target(%dma_start3A_169 : memref<128x64xbf16, #tpu.memory_space<vmem>>) offsets(%dma_start3A_172 : memref<128xi32, #tpu.memory_space<vmem>>) semaphore(%arg14 : memref<!tpu.dma_semaphore, #tpu.memory_space<semaphore_mem>>)
      } else {
      }
    }
    %scan3A_52 = arith.constant 40 : i32
    %barrier3A_53 = arith.constant 0 : index
    tpu.barrier barrier_id(%barrier3A_53)
    %mul3A_54 = arith.constant 632 : i32
    %mul3A_55 = arith.muli %arg1, %mul3A_54 : i32
    %mul3A_56 = arith.constant 632 : i32
    %mul3A_57 = arith.muli %arg1, %mul3A_56 : i32
    %mul3A_58 = arith.constant 64 : i32
    %mul3A_59 = arith.muli %arg0, %mul3A_58 : i32
    "tpu.region"() ({
      %run_scoped3A = tpu.sem_alloc : memref<!tpu.dma_semaphore, #tpu.memory_space<semaphore_mem>>
      %dma_start3A_60 = tpu.memref_slice %arg6[%mul3A_57, %mul3A_59] : memref<10112x128xbf16, #tpu.memory_space<hbm>> -> memref<632x64xbf16, #tpu.memory_space<hbm>>
      %dma_start3A_61 = arith.constant 0 : i32
      %dma_start3A_62 = tpu.memref_slice %arg10[%mul3A_55, %dma_start3A_61] : memref<10112x64xbf16, #tpu.memory_space<vmem_shared>> -> memref<632x64xbf16, #tpu.memory_space<vmem_shared>>
      tpu.enqueue_dma source(%dma_start3A_62 : memref<632x64xbf16, #tpu.memory_space<vmem_shared>>) target(%dma_start3A_60 : memref<632x64xbf16, #tpu.memory_space<hbm>>) target_semaphore(%run_scoped3A : memref<!tpu.dma_semaphore, #tpu.memory_space<semaphore_mem>>)
      %dma_wait3A = tpu.memref_slice %arg6[%mul3A_57, %mul3A_59] : memref<10112x128xbf16, #tpu.memory_space<hbm>> -> memref<632x64xbf16, #tpu.memory_space<hbm>>
      %dma_wait3A_63 = arith.constant 0 : i32
      %dma_wait3A_64 = tpu.memref_slice %arg10[%mul3A_55, %dma_wait3A_63] : memref<10112x64xbf16, #tpu.memory_space<vmem_shared>> -> memref<632x64xbf16, #tpu.memory_space<vmem_shared>>
      tpu.wait_dma2 semaphore(%run_scoped3A : memref<!tpu.dma_semaphore, #tpu.memory_space<semaphore_mem>>) src(%dma_wait3A_64 : memref<632x64xbf16, #tpu.memory_space<vmem_shared>>) dst(%dma_wait3A : memref<632x64xbf16, #tpu.memory_space<hbm>>)
      tpu.yield
    }) : () -> ()
    return
  }
}

#map = affine_map<(d0, d1) -> (0, 0)>
#map1 = affine_map<(d0, d1) -> (0, 0, 0, 0)>
#map2 = affine_map<(d0, d1) -> (0, 0, 0)>
module attributes {stable_mosaic.version = 14 : i64} {
  func.func @k(%arg0: i32, %arg1: i32, %arg2: memref<20000x64xbf16, #tpu.memory_space<hbm>>, %arg3: memref<2x16x160x128xi32, #tpu.memory_space<hbm>>, %arg4: memref<16x160x128xi32, #tpu.memory_space<hbm>>, %arg5: memref<632x64xbf16, #tpu.memory_space<hbm>>, %arg6: memref<10112x128xbf16, #tpu.memory_space<hbm>>, %arg7: memref<160x128xi32, #tpu.memory_space<vmem>>, %arg8: memref<160x128xi32, #tpu.memory_space<vmem>>, %arg9: memref<4x128x64xbf16, #tpu.memory_space<vmem>>, %arg10: memref<10112x64xbf16, #tpu.memory_space<vmem_shared>>, %arg11: memref<!tpu.dma_semaphore, #tpu.memory_space<semaphore_mem>>, %arg12: memref<!tpu.dma_semaphore, #tpu.memory_space<semaphore_mem>>, %arg13: memref<!tpu.dma_semaphore, #tpu.memory_space<semaphore_mem>>, %arg14: memref<!tpu.dma_semaphore, #tpu.memory_space<semaphore_mem>>) attributes {dimension_semantics = [#tpu.dimension_semantics<core_parallel>, #tpu.dimension_semantics<subcore_parallel>], iteration_bounds = array<i64: 2, 16>, scalar_prefetch = 0 : i64, scratch_operands = 8 : i64, tpu.core_type = #tpu.core_type<sc_vector_subcore>, window_params = [{transform_indices = #map}, {transform_indices = #map1}, {transform_indices = #map2}, {transform_indices = #map}, {transform_indices = #map}]} {
    "tpu.region"() ({
      %run_scoped3A = tpu.sem_alloc : memref<!tpu.dma_semaphore, #tpu.memory_space<semaphore_mem>>
      %dma_start3A_60 = arith.constant 0 : i32
      %dma_start3A_61 = arith.constant 0 : i32
      %dma_start3A_62 = tpu.memref_slice %arg3[%arg0, %arg1, %dma_start3A_60, %dma_start3A_61] : memref<2x16x160x128xi32, #tpu.memory_space<hbm>> -> memref<1x1x160x128xi32, #tpu.memory_space<hbm>>
      %dma_start3A_63 = tpu.memref_squeeze %dma_start3A_62 : memref<1x1x160x128xi32, #tpu.memory_space<hbm>> -> memref<160x128xi32, #tpu.memory_space<hbm>>
      %dma_start3A_64 = arith.constant 0 : i32
      %dma_start3A_65 = arith.constant 0 : i32
      %dma_start3A_66 = tpu.memref_slice %arg3[%arg0, %arg1, %dma_start3A_64, %dma_start3A_65] : memref<2x16x160x128xi32, #tpu.memory_space<hbm>> -> memref<1x1x160x128xi32, #tpu.memory_space<hbm>>
      %dma_start3A_67 = tpu.memref_squeeze %dma_start3A_66 : memref<1x1x160x128xi32, #tpu.memory_space<hbm>> -> memref<160x128xi32, #tpu.memory_space<hbm>>
      tpu.enqueue_dma source(%dma_start3A_67 : memref<160x128xi32, #tpu.memory_space<hbm>>) target(%arg7 : memref<160x128xi32, #tpu.memory_space<vmem>>) target_semaphore(%run_scoped3A : memref<!tpu.dma_semaphore, #tpu.memory_space<semaphore_mem>>)
      %dma_wait3A = arith.constant 0 : i32
      %dma_wait3A_68 = arith.constant 0 : i32
      %dma_wait3A_69 = tpu.memref_slice %arg3[%arg0, %arg1, %dma_wait3A, %dma_wait3A_68] : memref<2x16x160x128xi32, #tpu.memory_space<hbm>> -> memref<1x1x160x128xi32, #tpu.memory_space<hbm>>
      %dma_wait3A_70 = tpu.memref_squeeze %dma_wait3A_69 : memref<1x1x160x128xi32, #tpu.memory_space<hbm>> -> memref<160x128xi32, #tpu.memory_space<hbm>>
      %dma_wait3A_71 = arith.constant 0 : i32
      %dma_wait3A_72 = arith.constant 0 : i32
      %dma_wait3A_73 = tpu.memref_slice %arg3[%arg0, %arg1, %dma_wait3A_71, %dma_wait3A_72] : memref<2x16x160x128xi32, #tpu.memory_space<hbm>> -> memref<1x1x160x128xi32, #tpu.memory_space<hbm>>
      %dma_wait3A_74 = tpu.memref_squeeze %dma_wait3A_73 : memref<1x1x160x128xi32, #tpu.memory_space<hbm>> -> memref<160x128xi32, #tpu.memory_space<hbm>>
      tpu.wait_dma2 semaphore(%run_scoped3A : memref<!tpu.dma_semaphore, #tpu.memory_space<semaphore_mem>>) src(%dma_wait3A_74 : memref<160x128xi32, #tpu.memory_space<hbm>>) dst(%arg7 : memref<160x128xi32, #tpu.memory_space<vmem>>)
      tpu.yield
    }) : () -> ()
    "tpu.region"() ({
      %run_scoped3A = tpu.sem_alloc : memref<!tpu.dma_semaphore, #tpu.memory_space<semaphore_mem>>
      %dma_start3A_60 = arith.constant 0 : i32
      %dma_start3A_61 = arith.constant 0 : i32
      %dma_start3A_62 = tpu.memref_slice %arg4[%arg1, %dma_start3A_60, %dma_start3A_61] : memref<16x160x128xi32, #tpu.memory_space<hbm>> -> memref<1x160x128xi32, #tpu.memory_space<hbm>>
      %dma_start3A_63 = tpu.memref_squeeze %dma_start3A_62 : memref<1x160x128xi32, #tpu.memory_space<hbm>> -> memref<160x128xi32, #tpu.memory_space<hbm>>
      %dma_start3A_64 = arith.constant 0 : i32
      %dma_start3A_65 = arith.constant 0 : i32
      %dma_start3A_66 = tpu.memref_slice %arg4[%arg1, %dma_start3A_64, %dma_start3A_65] : memref<16x160x128xi32, #tpu.memory_space<hbm>> -> memref<1x160x128xi32, #tpu.memory_space<hbm>>
      %dma_start3A_67 = tpu.memref_squeeze %dma_start3A_66 : memref<1x160x128xi32, #tpu.memory_space<hbm>> -> memref<160x128xi32, #tpu.memory_space<hbm>>
      tpu.enqueue_dma source(%dma_start3A_67 : memref<160x128xi32, #tpu.memory_space<hbm>>) target(%arg8 : memref<160x128xi32, #tpu.memory_space<vmem>>) target_semaphore(%run_scoped3A : memref<!tpu.dma_semaphore, #tpu.memory_space<semaphore_mem>>)
      %dma_wait3A = arith.constant 0 : i32
      %dma_wait3A_68 = arith.constant 0 : i32
      %dma_wait3A_69 = tpu.memref_slice %arg4[%arg1, %dma_wait3A, %dma_wait3A_68] : memref<16x160x128xi32, #tpu.memory_space<hbm>> -> memref<1x160x128xi32, #tpu.memory_space<hbm>>
      %dma_wait3A_70 = tpu.memref_squeeze %dma_wait3A_69 : memref<1x160x128xi32, #tpu.memory_space<hbm>> -> memref<160x128xi32, #tpu.memory_space<hbm>>
      %dma_wait3A_71 = arith.constant 0 : i32
      %dma_wait3A_72 = arith.constant 0 : i32
      %dma_wait3A_73 = tpu.memref_slice %arg4[%arg1, %dma_wait3A_71, %dma_wait3A_72] : memref<16x160x128xi32, #tpu.memory_space<hbm>> -> memref<1x160x128xi32, #tpu.memory_space<hbm>>
      %dma_wait3A_74 = tpu.memref_squeeze %dma_wait3A_73 : memref<1x160x128xi32, #tpu.memory_space<hbm>> -> memref<160x128xi32, #tpu.memory_space<hbm>>
      tpu.wait_dma2 semaphore(%run_scoped3A : memref<!tpu.dma_semaphore, #tpu.memory_space<semaphore_mem>>) src(%dma_wait3A_74 : memref<160x128xi32, #tpu.memory_space<hbm>>) dst(%arg8 : memref<160x128xi32, #tpu.memory_space<vmem>>)
      tpu.yield
    }) : () -> ()
    %mul3A = arith.constant 632 : i32
    %mul3A_0 = arith.muli %arg1, %mul3A : i32
    "tpu.region"() ({
      %run_scoped3A = tpu.sem_alloc : memref<!tpu.dma_semaphore, #tpu.memory_space<semaphore_mem>>
      %dma_start3A_60 = arith.constant 0 : i32
      %dma_start3A_61 = tpu.memref_slice %arg10[%mul3A_0, %dma_start3A_60] : memref<10112x64xbf16, #tpu.memory_space<vmem_shared>> -> memref<632x64xbf16, #tpu.memory_space<vmem_shared>>
      tpu.enqueue_dma source(%arg5 : memref<632x64xbf16, #tpu.memory_space<hbm>>) target(%dma_start3A_61 : memref<632x64xbf16, #tpu.memory_space<vmem_shared>>) target_semaphore(%run_scoped3A : memref<!tpu.dma_semaphore, #tpu.memory_space<semaphore_mem>>)
      %dma_wait3A = arith.constant 0 : i32
      %dma_wait3A_62 = tpu.memref_slice %arg10[%mul3A_0, %dma_wait3A] : memref<10112x64xbf16, #tpu.memory_space<vmem_shared>> -> memref<632x64xbf16, #tpu.memory_space<vmem_shared>>
      tpu.wait_dma2 semaphore(%run_scoped3A : memref<!tpu.dma_semaphore, #tpu.memory_space<semaphore_mem>>) src(%arg5 : memref<632x64xbf16, #tpu.memory_space<hbm>>) dst(%dma_wait3A_62 : memref<632x64xbf16, #tpu.memory_space<vmem_shared>>)
      tpu.yield
    }) : () -> ()
    %dma_start3A = arith.constant 0 : i32
    %dma_start3A_1 = arith.constant 0 : i32
    %dma_start3A_2 = arith.constant 0 : i32
    %dma_start3A_3 = arith.constant 0 : i32
    %dma_start3A_4 = tpu.memref_slice %arg9[%dma_start3A_1, %dma_start3A_2, %dma_start3A_3] : memref<4x128x64xbf16, #tpu.memory_space<vmem>> -> memref<1x128x64xbf16, #tpu.memory_space<vmem>>
    %dma_start3A_5 = tpu.memref_squeeze %dma_start3A_4 : memref<1x128x64xbf16, #tpu.memory_space<vmem>> -> memref<128x64xbf16, #tpu.memory_space<vmem>>
    %dma_start3A_6 = arith.constant 0 : i32
    %dma_start3A_7 = tpu.memref_slice %arg7[%dma_start3A, %dma_start3A_6] : memref<160x128xi32, #tpu.memory_space<vmem>> -> memref<1x128xi32, #tpu.memory_space<vmem>>
    %dma_start3A_8 = tpu.memref_squeeze %dma_start3A_7 : memref<1x128xi32, #tpu.memory_space<vmem>> -> memref<128xi32, #tpu.memory_space<vmem>>
    %dma_start3A_9 = arith.constant 0 : i32
    %dma_start3A_10 = arith.constant 0 : i32
    %dma_start3A_11 = tpu.memref_slice %arg2[%dma_start3A_9, %dma_start3A_10] : memref<20000x64xbf16, #tpu.memory_space<hbm>> -> memref<20000x64xbf16, #tpu.memory_space<hbm>>
    tpu.enqueue_indirect_dma source(%dma_start3A_11 : memref<20000x64xbf16, #tpu.memory_space<hbm>>) target(%dma_start3A_5 : memref<128x64xbf16, #tpu.memory_space<vmem>>) offsets(%dma_start3A_8 : memref<128xi32, #tpu.memory_space<vmem>>) semaphore(%arg11 : memref<!tpu.dma_semaphore, #tpu.memory_space<semaphore_mem>>)
    %dma_start3A_12 = arith.constant 1 : i32
    %dma_start3A_13 = arith.constant 1 : i32
    %dma_start3A_14 = arith.constant 0 : i32
    %dma_start3A_15 = arith.constant 0 : i32
    %dma_start3A_16 = tpu.memref_slice %arg9[%dma_start3A_13, %dma_start3A_14, %dma_start3A_15] : memref<4x128x64xbf16, #tpu.memory_space<vmem>> -> memref<1x128x64xbf16, #tpu.memory_space<vmem>>
    %dma_start3A_17 = tpu.memref_squeeze %dma_start3A_16 : memref<1x128x64xbf16, #tpu.memory_space<vmem>> -> memref<128x64xbf16, #tpu.memory_space<vmem>>
    %dma_start3A_18 = arith.constant 0 : i32
    %dma_start3A_19 = tpu.memref_slice %arg7[%dma_start3A_12, %dma_start3A_18] : memref<160x128xi32, #tpu.memory_space<vmem>> -> memref<1x128xi32, #tpu.memory_space<vmem>>
    %dma_start3A_20 = tpu.memref_squeeze %dma_start3A_19 : memref<1x128xi32, #tpu.memory_space<vmem>> -> memref<128xi32, #tpu.memory_space<vmem>>
    %dma_start3A_21 = arith.constant 0 : i32
    %dma_start3A_22 = arith.constant 0 : i32
    %dma_start3A_23 = tpu.memref_slice %arg2[%dma_start3A_21, %dma_start3A_22] : memref<20000x64xbf16, #tpu.memory_space<hbm>> -> memref<20000x64xbf16, #tpu.memory_space<hbm>>
    tpu.enqueue_indirect_dma source(%dma_start3A_23 : memref<20000x64xbf16, #tpu.memory_space<hbm>>) target(%dma_start3A_17 : memref<128x64xbf16, #tpu.memory_space<vmem>>) offsets(%dma_start3A_20 : memref<128xi32, #tpu.memory_space<vmem>>) semaphore(%arg12 : memref<!tpu.dma_semaphore, #tpu.memory_space<semaphore_mem>>)
    %dma_start3A_24 = arith.constant 2 : i32
    %dma_start3A_25 = arith.constant 2 : i32
    %dma_start3A_26 = arith.constant 0 : i32
    %dma_start3A_27 = arith.constant 0 : i32
    %dma_start3A_28 = tpu.memref_slice %arg9[%dma_start3A_25, %dma_start3A_26, %dma_start3A_27] : memref<4x128x64xbf16, #tpu.memory_space<vmem>> -> memref<1x128x64xbf16, #tpu.memory_space<vmem>>
    %dma_start3A_29 = tpu.memref_squeeze %dma_start3A_28 : memref<1x128x64xbf16, #tpu.memory_space<vmem>> -> memref<128x64xbf16, #tpu.memory_space<vmem>>
    %dma_start3A_30 = arith.constant 0 : i32
    %dma_start3A_31 = tpu.memref_slice %arg7[%dma_start3A_24, %dma_start3A_30] : memref<160x128xi32, #tpu.memory_space<vmem>> -> memref<1x128xi32, #tpu.memory_space<vmem>>
    %dma_start3A_32 = tpu.memref_squeeze %dma_start3A_31 : memref<1x128xi32, #tpu.memory_space<vmem>> -> memref<128xi32, #tpu.memory_space<vmem>>
    %dma_start3A_33 = arith.constant 0 : i32
    %dma_start3A_34 = arith.constant 0 : i32
    %dma_start3A_35 = tpu.memref_slice %arg2[%dma_start3A_33, %dma_start3A_34] : memref<20000x64xbf16, #tpu.memory_space<hbm>> -> memref<20000x64xbf16, #tpu.memory_space<hbm>>
    tpu.enqueue_indirect_dma source(%dma_start3A_35 : memref<20000x64xbf16, #tpu.memory_space<hbm>>) target(%dma_start3A_29 : memref<128x64xbf16, #tpu.memory_space<vmem>>) offsets(%dma_start3A_32 : memref<128xi32, #tpu.memory_space<vmem>>) semaphore(%arg13 : memref<!tpu.dma_semaphore, #tpu.memory_space<semaphore_mem>>)
    %dma_start3A_36 = arith.constant 3 : i32
    %dma_start3A_37 = arith.constant 3 : i32
    %dma_start3A_38 = arith.constant 0 : i32
    %dma_start3A_39 = arith.constant 0 : i32
    %dma_start3A_40 = tpu.memref_slice %arg9[%dma_start3A_37, %dma_start3A_38, %dma_start3A_39] : memref<4x128x64xbf16, #tpu.memory_space<vmem>> -> memref<1x128x64xbf16, #tpu.memory_space<vmem>>
    %dma_start3A_41 = tpu.memref_squeeze %dma_start3A_40 : memref<1x128x64xbf16, #tpu.memory_space<vmem>> -> memref<128x64xbf16, #tpu.memory_space<vmem>>
    %dma_start3A_42 = arith.constant 0 : i32
    %dma_start3A_43 = tpu.memref_slice %arg7[%dma_start3A_36, %dma_start3A_42] : memref<160x128xi32, #tpu.memory_space<vmem>> -> memref<1x128xi32, #tpu.memory_space<vmem>>
    %dma_start3A_44 = tpu.memref_squeeze %dma_start3A_43 : memref<1x128xi32, #tpu.memory_space<vmem>> -> memref<128xi32, #tpu.memory_space<vmem>>
    %dma_start3A_45 = arith.constant 0 : i32
    %dma_start3A_46 = arith.constant 0 : i32
    %dma_start3A_47 = tpu.memref_slice %arg2[%dma_start3A_45, %dma_start3A_46] : memref<20000x64xbf16, #tpu.memory_space<hbm>> -> memref<20000x64xbf16, #tpu.memory_space<hbm>>
    tpu.enqueue_indirect_dma source(%dma_start3A_47 : memref<20000x64xbf16, #tpu.memory_space<hbm>>) target(%dma_start3A_41 : memref<128x64xbf16, #tpu.memory_space<vmem>>) offsets(%dma_start3A_44 : memref<128xi32, #tpu.memory_space<vmem>>) semaphore(%arg14 : memref<!tpu.dma_semaphore, #tpu.memory_space<semaphore_mem>>)
    %barrier3A = arith.constant 0 : index
    tpu.barrier barrier_id(%barrier3A)
    %scan3A = arith.constant 0 : i32
    %scan3A_48 = arith.constant 0 : i32
    %scan3A_49 = arith.constant 40 : i32
    %scan3A_50 = arith.addi %scan3A_48, %scan3A_49 : i32
    %scan3A_51 = arith.constant 1 : i32
    scf.for %scan3A_60 = %scan3A_48 to %scan3A_50 step %scan3A_51  : i32 {
      %mul3A_61 = arith.constant 4 : i32
      %mul3A_62 = arith.muli %scan3A_60, %mul3A_61 : i32
      %add3A = arith.constant 0 : i32
      %add3A_63 = arith.addi %mul3A_62, %add3A : i32
      %dma_wait3A = arith.constant 0 : i32
      %dma_wait3A_64 = arith.constant 0 : i32
      %dma_wait3A_65 = arith.constant 0 : i32
      %dma_wait3A_66 = tpu.memref_slice %arg9[%dma_wait3A, %dma_wait3A_64, %dma_wait3A_65] : memref<4x128x64xbf16, #tpu.memory_space<vmem>> -> memref<1x128x64xbf16, #tpu.memory_space<vmem>>
      %dma_wait3A_67 = tpu.memref_squeeze %dma_wait3A_66 : memref<1x128x64xbf16, #tpu.memory_space<vmem>> -> memref<128x64xbf16, #tpu.memory_space<vmem>>
      %dma_wait3A_68 = arith.constant 0 : i32
      %dma_wait3A_69 = arith.constant 0 : i32
      %dma_wait3A_70 = tpu.memref_slice %arg2[%dma_wait3A_68, %dma_wait3A_69] : memref<20000x64xbf16, #tpu.memory_space<hbm>> -> memref<128x64xbf16, #tpu.memory_space<hbm>>
      %dma_wait3A_71 = arith.constant 0 : i32
      %dma_wait3A_72 = arith.constant 0 : i32
      %dma_wait3A_73 = tpu.memref_slice %arg9[%dma_wait3A, %dma_wait3A_71, %dma_wait3A_72] : memref<4x128x64xbf16, #tpu.memory_space<vmem>> -> memref<1x128x64xbf16, #tpu.memory_space<vmem>>
      %dma_wait3A_74 = tpu.memref_squeeze %dma_wait3A_73 : memref<1x128x64xbf16, #tpu.memory_space<vmem>> -> memref<128x64xbf16, #tpu.memory_space<vmem>>
      %dma_wait3A_75 = arith.constant 0 : i32
      %dma_wait3A_76 = arith.constant 0 : i32
      %dma_wait3A_77 = tpu.memref_slice %arg2[%dma_wait3A_75, %dma_wait3A_76] : memref<20000x64xbf16, #tpu.memory_space<hbm>> -> memref<128x64xbf16, #tpu.memory_space<hbm>>
      tpu.wait_dma2 semaphore(%arg11 : memref<!tpu.dma_semaphore, #tpu.memory_space<semaphore_mem>>) src(%dma_wait3A_77 : memref<128x64xbf16, #tpu.memory_space<hbm>>) dst(%dma_wait3A_74 : memref<128x64xbf16, #tpu.memory_space<vmem>>)
      %run_scoped3A = arith.constant 0 : i32
      "tpu.region"() ({
        %run_scoped3A_163 = tpu.sem_alloc : memref<!tpu.dma_semaphore, #tpu.memory_space<semaphore_mem>>
        %dma_start3A_164 = arith.constant 0 : i32
        %dma_start3A_165 = arith.constant 0 : i32
        %dma_start3A_166 = tpu.memref_slice %arg9[%run_scoped3A, %dma_start3A_164, %dma_start3A_165] : memref<4x128x64xbf16, #tpu.memory_space<vmem>> -> memref<1x128x64xbf16, #tpu.memory_space<vmem>>
        %dma_start3A_167 = tpu.memref_squeeze %dma_start3A_166 : memref<1x128x64xbf16, #tpu.memory_space<vmem>> -> memref<128x64xbf16, #tpu.memory_space<vmem>>
        %dma_start3A_168 = arith.constant 0 : i32
        %dma_start3A_169 = tpu.memref_slice %arg8[%add3A_63, %dma_start3A_168] : memref<160x128xi32, #tpu.memory_space<vmem>> -> memref<1x128xi32, #tpu.memory_space<vmem>>
        %dma_start3A_170 = tpu.memref_squeeze %dma_start3A_169 : memref<1x128xi32, #tpu.memory_space<vmem>> -> memref<128xi32, #tpu.memory_space<vmem>>
        %dma_start3A_171 = arith.constant 0 : i32
        %dma_start3A_172 = arith.constant 0 : i32
        %dma_start3A_173 = tpu.memref_slice %arg10[%dma_start3A_171, %dma_start3A_172] : memref<10112x64xbf16, #tpu.memory_space<vmem_shared>> -> memref<10112x64xbf16, #tpu.memory_space<vmem_shared>>
        tpu.enqueue_indirect_dma source(%dma_start3A_167 : memref<128x64xbf16, #tpu.memory_space<vmem>>) target(%dma_start3A_173 : memref<10112x64xbf16, #tpu.memory_space<vmem_shared>>) offsets(%dma_start3A_170 : memref<128xi32, #tpu.memory_space<vmem>>) semaphore(%run_scoped3A_163 : memref<!tpu.dma_semaphore, #tpu.memory_space<semaphore_mem>>) {add = true}
        %dma_wait3A_174 = arith.constant 0 : i32
        %dma_wait3A_175 = arith.constant 0 : i32
        %dma_wait3A_176 = tpu.memref_slice %arg9[%run_scoped3A, %dma_wait3A_174, %dma_wait3A_175] : memref<4x128x64xbf16, #tpu.memory_space<vmem>> -> memref<1x128x64xbf16, #tpu.memory_space<vmem>>
        %dma_wait3A_177 = tpu.memref_squeeze %dma_wait3A_176 : memref<1x128x64xbf16, #tpu.memory_space<vmem>> -> memref<128x64xbf16, #tpu.memory_space<vmem>>
        %dma_wait3A_178 = arith.constant 0 : i32
        %dma_wait3A_179 = tpu.memref_slice %arg8[%add3A_63, %dma_wait3A_178] : memref<160x128xi32, #tpu.memory_space<vmem>> -> memref<1x128xi32, #tpu.memory_space<vmem>>
        %dma_wait3A_180 = tpu.memref_squeeze %dma_wait3A_179 : memref<1x128xi32, #tpu.memory_space<vmem>> -> memref<128xi32, #tpu.memory_space<vmem>>
        %dma_wait3A_181 = arith.constant 0 : i32
        %dma_wait3A_182 = arith.constant 0 : i32
        %dma_wait3A_183 = tpu.memref_slice %arg10[%dma_wait3A_181, %dma_wait3A_182] : memref<10112x64xbf16, #tpu.memory_space<vmem_shared>> -> memref<10112x64xbf16, #tpu.memory_space<vmem_shared>>
        tpu.wait_indirect_dma semaphore(%run_scoped3A_163 : memref<!tpu.dma_semaphore, #tpu.memory_space<semaphore_mem>>) src(%dma_wait3A_177 : memref<128x64xbf16, #tpu.memory_space<vmem>>) dst(%dma_wait3A_183 : memref<10112x64xbf16, #tpu.memory_space<vmem_shared>>)
        tpu.yield
      }) : () -> ()
      %add3A_78 = arith.constant 4 : i32
      %add3A_79 = arith.addi %add3A_63, %add3A_78 : i32
      %lt3A = arith.constant 160 : i32
      %lt3A_80 = arith.cmpi slt, %add3A_79, %lt3A : i32
      %convert_element_type3A = arith.extui %lt3A_80 : i1 to i32
      %cond3A = arith.constant 0 : i32
      %cond3A_81 = arith.cmpi ne, %convert_element_type3A, %cond3A : i32
      scf.if %cond3A_81 {
        %add3A_163 = arith.constant 4 : i32
        %add3A_164 = arith.addi %add3A_63, %add3A_163 : i32
        %dma_start3A_165 = arith.constant 0 : i32
        %dma_start3A_166 = arith.constant 0 : i32
        %dma_start3A_167 = arith.constant 0 : i32
        %dma_start3A_168 = tpu.memref_slice %arg9[%dma_start3A_165, %dma_start3A_166, %dma_start3A_167] : memref<4x128x64xbf16, #tpu.memory_space<vmem>> -> memref<1x128x64xbf16, #tpu.memory_space<vmem>>
        %dma_start3A_169 = tpu.memref_squeeze %dma_start3A_168 : memref<1x128x64xbf16, #tpu.memory_space<vmem>> -> memref<128x64xbf16, #tpu.memory_space<vmem>>
        %dma_start3A_170 = arith.constant 0 : i32
        %dma_start3A_171 = tpu.memref_slice %arg7[%add3A_164, %dma_start3A_170] : memref<160x128xi32, #tpu.memory_space<vmem>> -> memref<1x128xi32, #tpu.memory_space<vmem>>
        %dma_start3A_172 = tpu.memref_squeeze %dma_start3A_171 : memref<1x128xi32, #tpu.memory_space<vmem>> -> memref<128xi32, #tpu.memory_space<vmem>>
        %dma_start3A_173 = arith.constant 0 : i32
        %dma_start3A_174 = arith.constant 0 : i32
        %dma_start3A_175 = tpu.memref_slice %arg2[%dma_start3A_173, %dma_start3A_174] : memref<20000x64xbf16, #tpu.memory_space<hbm>> -> memref<20000x64xbf16, #tpu.memory_space<hbm>>
        tpu.enqueue_indirect_dma source(%dma_start3A_175 : memref<20000x64xbf16, #tpu.memory_space<hbm>>) target(%dma_start3A_169 : memref<128x64xbf16, #tpu.memory_space<vmem>>) offsets(%dma_start3A_172 : memref<128xi32, #tpu.memory_space<vmem>>) semaphore(%arg11 : memref<!tpu.dma_semaphore, #tpu.memory_space<semaphore_mem>>)
      } else {
      }
      %mul3A_82 = arith.constant 4 : i32
      %mul3A_83 = arith.muli %scan3A_60, %mul3A_82 : i32
      %add3A_84 = arith.constant 1 : i32
      %add3A_85 = arith.addi %mul3A_83, %add3A_84 : i32
      %dma_wait3A_86 = arith.constant 1 : i32
      %dma_wait3A_87 = arith.constant 0 : i32
      %dma_wait3A_88 = arith.constant 0 : i32
      %dma_wait3A_89 = tpu.memref_slice %arg9[%dma_wait3A_86, %dma_wait3A_87, %dma_wait3A_88] : memref<4x128x64xbf16, #tpu.memory_space<vmem>> -> memref<1x128x64xbf16, #tpu.memory_space<vmem>>
      %dma_wait3A_90 = tpu.memref_squeeze %dma_wait3A_89 : memref<1x128x64xbf16, #tpu.memory_space<vmem>> -> memref<128x64xbf16, #tpu.memory_space<vmem>>
      %dma_wait3A_91 = arith.constant 0 : i32
      %dma_wait3A_92 = arith.constant 0 : i32
      %dma_wait3A_93 = tpu.memref_slice %arg2[%dma_wait3A_91, %dma_wait3A_92] : memref<20000x64xbf16, #tpu.memory_space<hbm>> -> memref<128x64xbf16, #tpu.memory_space<hbm>>
      %dma_wait3A_94 = arith.constant 0 : i32
      %dma_wait3A_95 = arith.constant 0 : i32
      %dma_wait3A_96 = tpu.memref_slice %arg9[%dma_wait3A_86, %dma_wait3A_94, %dma_wait3A_95] : memref<4x128x64xbf16, #tpu.memory_space<vmem>> -> memref<1x128x64xbf16, #tpu.memory_space<vmem>>
      %dma_wait3A_97 = tpu.memref_squeeze %dma_wait3A_96 : memref<1x128x64xbf16, #tpu.memory_space<vmem>> -> memref<128x64xbf16, #tpu.memory_space<vmem>>
      %dma_wait3A_98 = arith.constant 0 : i32
      %dma_wait3A_99 = arith.constant 0 : i32
      %dma_wait3A_100 = tpu.memref_slice %arg2[%dma_wait3A_98, %dma_wait3A_99] : memref<20000x64xbf16, #tpu.memory_space<hbm>> -> memref<128x64xbf16, #tpu.memory_space<hbm>>
      tpu.wait_dma2 semaphore(%arg12 : memref<!tpu.dma_semaphore, #tpu.memory_space<semaphore_mem>>) src(%dma_wait3A_100 : memref<128x64xbf16, #tpu.memory_space<hbm>>) dst(%dma_wait3A_97 : memref<128x64xbf16, #tpu.memory_space<vmem>>)
      %run_scoped3A_101 = arith.constant 1 : i32
      "tpu.region"() ({
        %run_scoped3A_163 = tpu.sem_alloc : memref<!tpu.dma_semaphore, #tpu.memory_space<semaphore_mem>>
        %dma_start3A_164 = arith.constant 0 : i32
        %dma_start3A_165 = arith.constant 0 : i32
        %dma_start3A_166 = tpu.memref_slice %arg9[%run_scoped3A_101, %dma_start3A_164, %dma_start3A_165] : memref<4x128x64xbf16, #tpu.memory_space<vmem>> -> memref<1x128x64xbf16, #tpu.memory_space<vmem>>
        %dma_start3A_167 = tpu.memref_squeeze %dma_start3A_166 : memref<1x128x64xbf16, #tpu.memory_space<vmem>> -> memref<128x64xbf16, #tpu.memory_space<vmem>>
        %dma_start3A_168 = arith.constant 0 : i32
        %dma_start3A_169 = tpu.memref_slice %arg8[%add3A_85, %dma_start3A_168] : memref<160x128xi32, #tpu.memory_space<vmem>> -> memref<1x128xi32, #tpu.memory_space<vmem>>
        %dma_start3A_170 = tpu.memref_squeeze %dma_start3A_169 : memref<1x128xi32, #tpu.memory_space<vmem>> -> memref<128xi32, #tpu.memory_space<vmem>>
        %dma_start3A_171 = arith.constant 0 : i32
        %dma_start3A_172 = arith.constant 0 : i32
        %dma_start3A_173 = tpu.memref_slice %arg10[%dma_start3A_171, %dma_start3A_172] : memref<10112x64xbf16, #tpu.memory_space<vmem_shared>> -> memref<10112x64xbf16, #tpu.memory_space<vmem_shared>>
        tpu.enqueue_indirect_dma source(%dma_start3A_167 : memref<128x64xbf16, #tpu.memory_space<vmem>>) target(%dma_start3A_173 : memref<10112x64xbf16, #tpu.memory_space<vmem_shared>>) offsets(%dma_start3A_170 : memref<128xi32, #tpu.memory_space<vmem>>) semaphore(%run_scoped3A_163 : memref<!tpu.dma_semaphore, #tpu.memory_space<semaphore_mem>>) {add = true}
        %dma_wait3A_174 = arith.constant 0 : i32
        %dma_wait3A_175 = arith.constant 0 : i32
        %dma_wait3A_176 = tpu.memref_slice %arg9[%run_scoped3A_101, %dma_wait3A_174, %dma_wait3A_175] : memref<4x128x64xbf16, #tpu.memory_space<vmem>> -> memref<1x128x64xbf16, #tpu.memory_space<vmem>>
        %dma_wait3A_177 = tpu.memref_squeeze %dma_wait3A_176 : memref<1x128x64xbf16, #tpu.memory_space<vmem>> -> memref<128x64xbf16, #tpu.memory_space<vmem>>
        %dma_wait3A_178 = arith.constant 0 : i32
        %dma_wait3A_179 = tpu.memref_slice %arg8[%add3A_85, %dma_wait3A_178] : memref<160x128xi32, #tpu.memory_space<vmem>> -> memref<1x128xi32, #tpu.memory_space<vmem>>
        %dma_wait3A_180 = tpu.memref_squeeze %dma_wait3A_179 : memref<1x128xi32, #tpu.memory_space<vmem>> -> memref<128xi32, #tpu.memory_space<vmem>>
        %dma_wait3A_181 = arith.constant 0 : i32
        %dma_wait3A_182 = arith.constant 0 : i32
        %dma_wait3A_183 = tpu.memref_slice %arg10[%dma_wait3A_181, %dma_wait3A_182] : memref<10112x64xbf16, #tpu.memory_space<vmem_shared>> -> memref<10112x64xbf16, #tpu.memory_space<vmem_shared>>
        tpu.wait_indirect_dma semaphore(%run_scoped3A_163 : memref<!tpu.dma_semaphore, #tpu.memory_space<semaphore_mem>>) src(%dma_wait3A_177 : memref<128x64xbf16, #tpu.memory_space<vmem>>) dst(%dma_wait3A_183 : memref<10112x64xbf16, #tpu.memory_space<vmem_shared>>)
        tpu.yield
      }) : () -> ()
      %add3A_102 = arith.constant 4 : i32
      %add3A_103 = arith.addi %add3A_85, %add3A_102 : i32
      %lt3A_104 = arith.constant 160 : i32
      %lt3A_105 = arith.cmpi slt, %add3A_103, %lt3A_104 : i32
      %convert_element_type3A_106 = arith.extui %lt3A_105 : i1 to i32
      %cond3A_107 = arith.constant 0 : i32
      %cond3A_108 = arith.cmpi ne, %convert_element_type3A_106, %cond3A_107 : i32
      scf.if %cond3A_108 {
        %add3A_163 = arith.constant 4 : i32
        %add3A_164 = arith.addi %add3A_85, %add3A_163 : i32
        %dma_start3A_165 = arith.constant 1 : i32
        %dma_start3A_166 = arith.constant 0 : i32
        %dma_start3A_167 = arith.constant 0 : i32
        %dma_start3A_168 = tpu.memref_slice %arg9[%dma_start3A_165, %dma_start3A_166, %dma_start3A_167] : memref<4x128x64xbf16, #tpu.memory_space<vmem>> -> memref<1x128x64xbf16, #tpu.memory_space<vmem>>
        %dma_start3A_169 = tpu.memref_squeeze %dma_start3A_168 : memref<1x128x64xbf16, #tpu.memory_space<vmem>> -> memref<128x64xbf16, #tpu.memory_space<vmem>>
        %dma_start3A_170 = arith.constant 0 : i32
        %dma_start3A_171 = tpu.memref_slice %arg7[%add3A_164, %dma_start3A_170] : memref<160x128xi32, #tpu.memory_space<vmem>> -> memref<1x128xi32, #tpu.memory_space<vmem>>
        %dma_start3A_172 = tpu.memref_squeeze %dma_start3A_171 : memref<1x128xi32, #tpu.memory_space<vmem>> -> memref<128xi32, #tpu.memory_space<vmem>>
        %dma_start3A_173 = arith.constant 0 : i32
        %dma_start3A_174 = arith.constant 0 : i32
        %dma_start3A_175 = tpu.memref_slice %arg2[%dma_start3A_173, %dma_start3A_174] : memref<20000x64xbf16, #tpu.memory_space<hbm>> -> memref<20000x64xbf16, #tpu.memory_space<hbm>>
        tpu.enqueue_indirect_dma source(%dma_start3A_175 : memref<20000x64xbf16, #tpu.memory_space<hbm>>) target(%dma_start3A_169 : memref<128x64xbf16, #tpu.memory_space<vmem>>) offsets(%dma_start3A_172 : memref<128xi32, #tpu.memory_space<vmem>>) semaphore(%arg12 : memref<!tpu.dma_semaphore, #tpu.memory_space<semaphore_mem>>)
      } else {
      }
      %mul3A_109 = arith.constant 4 : i32
      %mul3A_110 = arith.muli %scan3A_60, %mul3A_109 : i32
      %add3A_111 = arith.constant 2 : i32
      %add3A_112 = arith.addi %mul3A_110, %add3A_111 : i32
      %dma_wait3A_113 = arith.constant 2 : i32
      %dma_wait3A_114 = arith.constant 0 : i32
      %dma_wait3A_115 = arith.constant 0 : i32
      %dma_wait3A_116 = tpu.memref_slice %arg9[%dma_wait3A_113, %dma_wait3A_114, %dma_wait3A_115] : memref<4x128x64xbf16, #tpu.memory_space<vmem>> -> memref<1x128x64xbf16, #tpu.memory_space<vmem>>
      %dma_wait3A_117 = tpu.memref_squeeze %dma_wait3A_116 : memref<1x128x64xbf16, #tpu.memory_space<vmem>> -> memref<128x64xbf16, #tpu.memory_space<vmem>>
      %dma_wait3A_118 = arith.constant 0 : i32
      %dma_wait3A_119 = arith.constant 0 : i32
      %dma_wait3A_120 = tpu.memref_slice %arg2[%dma_wait3A_118, %dma_wait3A_119] : memref<20000x64xbf16, #tpu.memory_space<hbm>> -> memref<128x64xbf16, #tpu.memory_space<hbm>>
      %dma_wait3A_121 = arith.constant 0 : i32
      %dma_wait3A_122 = arith.constant 0 : i32
      %dma_wait3A_123 = tpu.memref_slice %arg9[%dma_wait3A_113, %dma_wait3A_121, %dma_wait3A_122] : memref<4x128x64xbf16, #tpu.memory_space<vmem>> -> memref<1x128x64xbf16, #tpu.memory_space<vmem>>
      %dma_wait3A_124 = tpu.memref_squeeze %dma_wait3A_123 : memref<1x128x64xbf16, #tpu.memory_space<vmem>> -> memref<128x64xbf16, #tpu.memory_space<vmem>>
      %dma_wait3A_125 = arith.constant 0 : i32
      %dma_wait3A_126 = arith.constant 0 : i32
      %dma_wait3A_127 = tpu.memref_slice %arg2[%dma_wait3A_125, %dma_wait3A_126] : memref<20000x64xbf16, #tpu.memory_space<hbm>> -> memref<128x64xbf16, #tpu.memory_space<hbm>>
      tpu.wait_dma2 semaphore(%arg13 : memref<!tpu.dma_semaphore, #tpu.memory_space<semaphore_mem>>) src(%dma_wait3A_127 : memref<128x64xbf16, #tpu.memory_space<hbm>>) dst(%dma_wait3A_124 : memref<128x64xbf16, #tpu.memory_space<vmem>>)
      %run_scoped3A_128 = arith.constant 2 : i32
      "tpu.region"() ({
        %run_scoped3A_163 = tpu.sem_alloc : memref<!tpu.dma_semaphore, #tpu.memory_space<semaphore_mem>>
        %dma_start3A_164 = arith.constant 0 : i32
        %dma_start3A_165 = arith.constant 0 : i32
        %dma_start3A_166 = tpu.memref_slice %arg9[%run_scoped3A_128, %dma_start3A_164, %dma_start3A_165] : memref<4x128x64xbf16, #tpu.memory_space<vmem>> -> memref<1x128x64xbf16, #tpu.memory_space<vmem>>
        %dma_start3A_167 = tpu.memref_squeeze %dma_start3A_166 : memref<1x128x64xbf16, #tpu.memory_space<vmem>> -> memref<128x64xbf16, #tpu.memory_space<vmem>>
        %dma_start3A_168 = arith.constant 0 : i32
        %dma_start3A_169 = tpu.memref_slice %arg8[%add3A_112, %dma_start3A_168] : memref<160x128xi32, #tpu.memory_space<vmem>> -> memref<1x128xi32, #tpu.memory_space<vmem>>
        %dma_start3A_170 = tpu.memref_squeeze %dma_start3A_169 : memref<1x128xi32, #tpu.memory_space<vmem>> -> memref<128xi32, #tpu.memory_space<vmem>>
        %dma_start3A_171 = arith.constant 0 : i32
        %dma_start3A_172 = arith.constant 0 : i32
        %dma_start3A_173 = tpu.memref_slice %arg10[%dma_start3A_171, %dma_start3A_172] : memref<10112x64xbf16, #tpu.memory_space<vmem_shared>> -> memref<10112x64xbf16, #tpu.memory_space<vmem_shared>>
        tpu.enqueue_indirect_dma source(%dma_start3A_167 : memref<128x64xbf16, #tpu.memory_space<vmem>>) target(%dma_start3A_173 : memref<10112x64xbf16, #tpu.memory_space<vmem_shared>>) offsets(%dma_start3A_170 : memref<128xi32, #tpu.memory_space<vmem>>) semaphore(%run_scoped3A_163 : memref<!tpu.dma_semaphore, #tpu.memory_space<semaphore_mem>>) {add = true}
        %dma_wait3A_174 = arith.constant 0 : i32
        %dma_wait3A_175 = arith.constant 0 : i32
        %dma_wait3A_176 = tpu.memref_slice %arg9[%run_scoped3A_128, %dma_wait3A_174, %dma_wait3A_175] : memref<4x128x64xbf16, #tpu.memory_space<vmem>> -> memref<1x128x64xbf16, #tpu.memory_space<vmem>>
        %dma_wait3A_177 = tpu.memref_squeeze %dma_wait3A_176 : memref<1x128x64xbf16, #tpu.memory_space<vmem>> -> memref<128x64xbf16, #tpu.memory_space<vmem>>
        %dma_wait3A_178 = arith.constant 0 : i32
        %dma_wait3A_179 = tpu.memref_slice %arg8[%add3A_112, %dma_wait3A_178] : memref<160x128xi32, #tpu.memory_space<vmem>> -> memref<1x128xi32, #tpu.memory_space<vmem>>
        %dma_wait3A_180 = tpu.memref_squeeze %dma_wait3A_179 : memref<1x128xi32, #tpu.memory_space<vmem>> -> memref<128xi32, #tpu.memory_space<vmem>>
        %dma_wait3A_181 = arith.constant 0 : i32
        %dma_wait3A_182 = arith.constant 0 : i32
        %dma_wait3A_183 = tpu.memref_slice %arg10[%dma_wait3A_181, %dma_wait3A_182] : memref<10112x64xbf16, #tpu.memory_space<vmem_shared>> -> memref<10112x64xbf16, #tpu.memory_space<vmem_shared>>
        tpu.wait_indirect_dma semaphore(%run_scoped3A_163 : memref<!tpu.dma_semaphore, #tpu.memory_space<semaphore_mem>>) src(%dma_wait3A_177 : memref<128x64xbf16, #tpu.memory_space<vmem>>) dst(%dma_wait3A_183 : memref<10112x64xbf16, #tpu.memory_space<vmem_shared>>)
        tpu.yield
      }) : () -> ()
      %add3A_129 = arith.constant 4 : i32
      %add3A_130 = arith.addi %add3A_112, %add3A_129 : i32
      %lt3A_131 = arith.constant 160 : i32
      %lt3A_132 = arith.cmpi slt, %add3A_130, %lt3A_131 : i32
      %convert_element_type3A_133 = arith.extui %lt3A_132 : i1 to i32
      %cond3A_134 = arith.constant 0 : i32
      %cond3A_135 = arith.cmpi ne, %convert_element_type3A_133, %cond3A_134 : i32
      scf.if %cond3A_135 {
        %add3A_163 = arith.constant 4 : i32
        %add3A_164 = arith.addi %add3A_112, %add3A_163 : i32
        %dma_start3A_165 = arith.constant 2 : i32
        %dma_start3A_166 = arith.constant 0 : i32
        %dma_start3A_167 = arith.constant 0 : i32
        %dma_start3A_168 = tpu.memref_slice %arg9[%dma_start3A_165, %dma_start3A_166, %dma_start3A_167] : memref<4x128x64xbf16, #tpu.memory_space<vmem>> -> memref<1x128x64xbf16, #tpu.memory_space<vmem>>
        %dma_start3A_169 = tpu.memref_squeeze %dma_start3A_168 : memref<1x128x64xbf16, #tpu.memory_space<vmem>> -> memref<128x64xbf16, #tpu.memory_space<vmem>>
        %dma_start3A_170 = arith.constant 0 : i32
        %dma_start3A_171 = tpu.memref_slice %arg7[%add3A_164, %dma_start3A_170] : memref<160x128xi32, #tpu.memory_space<vmem>> -> memref<1x128xi32, #tpu.memory_space<vmem>>
        %dma_start3A_172 = tpu.memref_squeeze %dma_start3A_171 : memref<1x128xi32, #tpu.memory_space<vmem>> -> memref<128xi32, #tpu.memory_space<vmem>>
        %dma_start3A_173 = arith.constant 0 : i32
        %dma_start3A_174 = arith.constant 0 : i32
        %dma_start3A_175 = tpu.memref_slice %arg2[%dma_start3A_173, %dma_start3A_174] : memref<20000x64xbf16, #tpu.memory_space<hbm>> -> memref<20000x64xbf16, #tpu.memory_space<hbm>>
        tpu.enqueue_indirect_dma source(%dma_start3A_175 : memref<20000x64xbf16, #tpu.memory_space<hbm>>) target(%dma_start3A_169 : memref<128x64xbf16, #tpu.memory_space<vmem>>) offsets(%dma_start3A_172 : memref<128xi32, #tpu.memory_space<vmem>>) semaphore(%arg13 : memref<!tpu.dma_semaphore, #tpu.memory_space<semaphore_mem>>)
      } else {
      }
      %mul3A_136 = arith.constant 4 : i32
      %mul3A_137 = arith.muli %scan3A_60, %mul3A_136 : i32
      %add3A_138 = arith.constant 3 : i32
      %add3A_139 = arith.addi %mul3A_137, %add3A_138 : i32
      %dma_wait3A_140 = arith.constant 3 : i32
      %dma_wait3A_141 = arith.constant 0 : i32
      %dma_wait3A_142 = arith.constant 0 : i32
      %dma_wait3A_143 = tpu.memref_slice %arg9[%dma_wait3A_140, %dma_wait3A_141, %dma_wait3A_142] : memref<4x128x64xbf16, #tpu.memory_space<vmem>> -> memref<1x128x64xbf16, #tpu.memory_space<vmem>>
      %dma_wait3A_144 = tpu.memref_squeeze %dma_wait3A_143 : memref<1x128x64xbf16, #tpu.memory_space<vmem>> -> memref<128x64xbf16, #tpu.memory_space<vmem>>
      %dma_wait3A_145 = arith.constant 0 : i32
      %dma_wait3A_146 = arith.constant 0 : i32
      %dma_wait3A_147 = tpu.memref_slice %arg2[%dma_wait3A_145, %dma_wait3A_146] : memref<20000x64xbf16, #tpu.memory_space<hbm>> -> memref<128x64xbf16, #tpu.memory_space<hbm>>
      %dma_wait3A_148 = arith.constant 0 : i32
      %dma_wait3A_149 = arith.constant 0 : i32
      %dma_wait3A_150 = tpu.memref_slice %arg9[%dma_wait3A_140, %dma_wait3A_148, %dma_wait3A_149] : memref<4x128x64xbf16, #tpu.memory_space<vmem>> -> memref<1x128x64xbf16, #tpu.memory_space<vmem>>
      %dma_wait3A_151 = tpu.memref_squeeze %dma_wait3A_150 : memref<1x128x64xbf16, #tpu.memory_space<vmem>> -> memref<128x64xbf16, #tpu.memory_space<vmem>>
      %dma_wait3A_152 = arith.constant 0 : i32
      %dma_wait3A_153 = arith.constant 0 : i32
      %dma_wait3A_154 = tpu.memref_slice %arg2[%dma_wait3A_152, %dma_wait3A_153] : memref<20000x64xbf16, #tpu.memory_space<hbm>> -> memref<128x64xbf16, #tpu.memory_space<hbm>>
      tpu.wait_dma2 semaphore(%arg14 : memref<!tpu.dma_semaphore, #tpu.memory_space<semaphore_mem>>) src(%dma_wait3A_154 : memref<128x64xbf16, #tpu.memory_space<hbm>>) dst(%dma_wait3A_151 : memref<128x64xbf16, #tpu.memory_space<vmem>>)
      %run_scoped3A_155 = arith.constant 3 : i32
      "tpu.region"() ({
        %run_scoped3A_163 = tpu.sem_alloc : memref<!tpu.dma_semaphore, #tpu.memory_space<semaphore_mem>>
        %dma_start3A_164 = arith.constant 0 : i32
        %dma_start3A_165 = arith.constant 0 : i32
        %dma_start3A_166 = tpu.memref_slice %arg9[%run_scoped3A_155, %dma_start3A_164, %dma_start3A_165] : memref<4x128x64xbf16, #tpu.memory_space<vmem>> -> memref<1x128x64xbf16, #tpu.memory_space<vmem>>
        %dma_start3A_167 = tpu.memref_squeeze %dma_start3A_166 : memref<1x128x64xbf16, #tpu.memory_space<vmem>> -> memref<128x64xbf16, #tpu.memory_space<vmem>>
        %dma_start3A_168 = arith.constant 0 : i32
        %dma_start3A_169 = tpu.memref_slice %arg8[%add3A_139, %dma_start3A_168] : memref<160x128xi32, #tpu.memory_space<vmem>> -> memref<1x128xi32, #tpu.memory_space<vmem>>
        %dma_start3A_170 = tpu.memref_squeeze %dma_start3A_169 : memref<1x128xi32, #tpu.memory_space<vmem>> -> memref<128xi32, #tpu.memory_space<vmem>>
        %dma_start3A_171 = arith.constant 0 : i32
        %dma_start3A_172 = arith.constant 0 : i32
        %dma_start3A_173 = tpu.memref_slice %arg10[%dma_start3A_171, %dma_start3A_172] : memref<10112x64xbf16, #tpu.memory_space<vmem_shared>> -> memref<10112x64xbf16, #tpu.memory_space<vmem_shared>>
        tpu.enqueue_indirect_dma source(%dma_start3A_167 : memref<128x64xbf16, #tpu.memory_space<vmem>>) target(%dma_start3A_173 : memref<10112x64xbf16, #tpu.memory_space<vmem_shared>>) offsets(%dma_start3A_170 : memref<128xi32, #tpu.memory_space<vmem>>) semaphore(%run_scoped3A_163 : memref<!tpu.dma_semaphore, #tpu.memory_space<semaphore_mem>>) {add = true}
        %dma_wait3A_174 = arith.constant 0 : i32
        %dma_wait3A_175 = arith.constant 0 : i32
        %dma_wait3A_176 = tpu.memref_slice %arg9[%run_scoped3A_155, %dma_wait3A_174, %dma_wait3A_175] : memref<4x128x64xbf16, #tpu.memory_space<vmem>> -> memref<1x128x64xbf16, #tpu.memory_space<vmem>>
        %dma_wait3A_177 = tpu.memref_squeeze %dma_wait3A_176 : memref<1x128x64xbf16, #tpu.memory_space<vmem>> -> memref<128x64xbf16, #tpu.memory_space<vmem>>
        %dma_wait3A_178 = arith.constant 0 : i32
        %dma_wait3A_179 = tpu.memref_slice %arg8[%add3A_139, %dma_wait3A_178] : memref<160x128xi32, #tpu.memory_space<vmem>> -> memref<1x128xi32, #tpu.memory_space<vmem>>
        %dma_wait3A_180 = tpu.memref_squeeze %dma_wait3A_179 : memref<1x128xi32, #tpu.memory_space<vmem>> -> memref<128xi32, #tpu.memory_space<vmem>>
        %dma_wait3A_181 = arith.constant 0 : i32
        %dma_wait3A_182 = arith.constant 0 : i32
        %dma_wait3A_183 = tpu.memref_slice %arg10[%dma_wait3A_181, %dma_wait3A_182] : memref<10112x64xbf16, #tpu.memory_space<vmem_shared>> -> memref<10112x64xbf16, #tpu.memory_space<vmem_shared>>
        tpu.wait_indirect_dma semaphore(%run_scoped3A_163 : memref<!tpu.dma_semaphore, #tpu.memory_space<semaphore_mem>>) src(%dma_wait3A_177 : memref<128x64xbf16, #tpu.memory_space<vmem>>) dst(%dma_wait3A_183 : memref<10112x64xbf16, #tpu.memory_space<vmem_shared>>)
        tpu.yield
      }) : () -> ()
      %add3A_156 = arith.constant 4 : i32
      %add3A_157 = arith.addi %add3A_139, %add3A_156 : i32
      %lt3A_158 = arith.constant 160 : i32
      %lt3A_159 = arith.cmpi slt, %add3A_157, %lt3A_158 : i32
      %convert_element_type3A_160 = arith.extui %lt3A_159 : i1 to i32
      %cond3A_161 = arith.constant 0 : i32
      %cond3A_162 = arith.cmpi ne, %convert_element_type3A_160, %cond3A_161 : i32
      scf.if %cond3A_162 {
        %add3A_163 = arith.constant 4 : i32
        %add3A_164 = arith.addi %add3A_139, %add3A_163 : i32
        %dma_start3A_165 = arith.constant 3 : i32
        %dma_start3A_166 = arith.constant 0 : i32
        %dma_start3A_167 = arith.constant 0 : i32
        %dma_start3A_168 = tpu.memref_slice %arg9[%dma_start3A_165, %dma_start3A_166, %dma_start3A_167] : memref<4x128x64xbf16, #tpu.memory_space<vmem>> -> memref<1x128x64xbf16, #tpu.memory_space<vmem>>
        %dma_start3A_169 = tpu.memref_squeeze %dma_start3A_168 : memref<1x128x64xbf16, #tpu.memory_space<vmem>> -> memref<128x64xbf16, #tpu.memory_space<vmem>>
        %dma_start3A_170 = arith.constant 0 : i32
        %dma_start3A_171 = tpu.memref_slice %arg7[%add3A_164, %dma_start3A_170] : memref<160x128xi32, #tpu.memory_space<vmem>> -> memref<1x128xi32, #tpu.memory_space<vmem>>
        %dma_start3A_172 = tpu.memref_squeeze %dma_start3A_171 : memref<1x128xi32, #tpu.memory_space<vmem>> -> memref<128xi32, #tpu.memory_space<vmem>>
        %dma_start3A_173 = arith.constant 0 : i32
        %dma_start3A_174 = arith.constant 0 : i32
        %dma_start3A_175 = tpu.memref_slice %arg2[%dma_start3A_173, %dma_start3A_174] : memref<20000x64xbf16, #tpu.memory_space<hbm>> -> memref<20000x64xbf16, #tpu.memory_space<hbm>>
        tpu.enqueue_indirect_dma source(%dma_start3A_175 : memref<20000x64xbf16, #tpu.memory_space<hbm>>) target(%dma_start3A_169 : memref<128x64xbf16, #tpu.memory_space<vmem>>) offsets(%dma_start3A_172 : memref<128xi32, #tpu.memory_space<vmem>>) semaphore(%arg14 : memref<!tpu.dma_semaphore, #tpu.memory_space<semaphore_mem>>)
      } else {
      }
    }
    %scan3A_52 = arith.constant 40 : i32
    %barrier3A_53 = arith.constant 0 : index
    tpu.barrier barrier_id(%barrier3A_53)
    %mul3A_54 = arith.constant 632 : i32
    %mul3A_55 = arith.muli %arg1, %mul3A_54 : i32
    %mul3A_56 = arith.constant 632 : i32
    %mul3A_57 = arith.muli %arg1, %mul3A_56 : i32
    %mul3A_58 = arith.constant 64 : i32
    %mul3A_59 = arith.muli %arg0, %mul3A_58 : i32
    "tpu.region"() ({
      %run_scoped3A = tpu.sem_alloc : memref<!tpu.dma_semaphore, #tpu.memory_space<semaphore_mem>>
      %dma_start3A_60 = tpu.memref_slice %arg6[%mul3A_57, %mul3A_59] : memref<10112x128xbf16, #tpu.memory_space<hbm>> -> memref<632x64xbf16, #tpu.memory_space<hbm>>
      %dma_start3A_61 = arith.constant 0 : i32
      %dma_start3A_62 = tpu.memref_slice %arg10[%mul3A_55, %dma_start3A_61] : memref<10112x64xbf16, #tpu.memory_space<vmem_shared>> -> memref<632x64xbf16, #tpu.memory_space<vmem_shared>>
      tpu.enqueue_dma source(%dma_start3A_62 : memref<632x64xbf16, #tpu.memory_space<vmem_shared>>) target(%dma_start3A_60 : memref<632x64xbf16, #tpu.memory_space<hbm>>) target_semaphore(%run_scoped3A : memref<!tpu.dma_semaphore, #tpu.memory_space<semaphore_mem>>)
      %dma_wait3A = tpu.memref_slice %arg6[%mul3A_57, %mul3A_59] : memref<10112x128xbf16, #tpu.memory_space<hbm>> -> memref<632x64xbf16, #tpu.memory_space<hbm>>
      %dma_wait3A_63 = arith.constant 0 : i32
      %dma_wait3A_64 = tpu.memref_slice %arg10[%mul3A_55, %dma_wait3A_63] : memref<10112x64xbf16, #tpu.memory_space<vmem_shared>> -> memref<632x64xbf16, #tpu.memory_space<vmem_shared>>
      tpu.wait_dma2 semaphore(%run_scoped3A : memref<!tpu.dma_semaphore, #tpu.memory_space<semaphore_mem>>) src(%dma_wait3A_64 : memref<632x64xbf16, #tpu.memory_space<vmem_shared>>) dst(%dma_wait3A : memref<632x64xbf16, #tpu.memory_space<hbm>>)
      tpu.yield
    }) : () -> ()
    return
  }
}

module attributes {stable_mosaic.version = 14 : i64} {
  func.func @body(%arg0: i32, %arg1: memref<5000x128xf32, #tpu.memory_space<vmem>>, %arg2: memref<128x128xf32, #tpu.memory_space<vmem>>, %arg3: memref<128x128xf32, #tpu.memory_space<vmem>>, %arg4: memref<5000x128xf32, #tpu.memory_space<vmem>>, %arg5: memref<5000x128xbf16, #tpu.memory_space<vmem>>) attributes {dimension_semantics = [#tpu.dimension_semantics<arbitrary>], iteration_bounds = array<i64: 2>, scalar_prefetch = 0 : i64, scratch_operands = 0 : i64, tpu.core_type = #tpu.core_type<tc>, window_params = [{transform_indices = @transform_0, window_bounds = array<i64: 5000, 128>}, {pipeline_mode = #tpu.pipeline_mode<synchronous>, transform_indices = @transform_1, window_bounds = array<i64: 128, 128>}, {pipeline_mode = #tpu.pipeline_mode<synchronous>, transform_indices = @transform_2, window_bounds = array<i64: 128, 128>}, {transform_indices = @transform_3, window_bounds = array<i64: 5000, 128>}, {transform_indices = @transform_4, window_bounds = array<i64: 5000, 128>}]} {
    %get3A = arith.constant 0 : index
    %get3A_0 = arith.constant 0 : index
    %get3A_1 = vector.load %arg1[%get3A, %get3A_0] : memref<5000x128xf32, #tpu.memory_space<vmem>>, vector<5000x128xf32>
    %get3A_2 = arith.constant 0 : index
    %get3A_3 = arith.constant 0 : index
    %get3A_4 = vector.load %arg2[%get3A_2, %get3A_3] : memref<128x128xf32, #tpu.memory_space<vmem>>, vector<128x128xf32>
    %dot_general3A = arith.constant dense<0.000000e+00> : vector<5000x128xf32>
    %dot_general3A_5 = tpu.matmul %get3A_1, %get3A_4, %dot_general3A {dimension_numbers = #tpu.dot_dimension_numbers<[1], [0], [0], [1], [0, 0, 1, 1], [], []>, transpose_lhs_hint = false} : vector<5000x128xf32>, vector<128x128xf32>, vector<5000x128xf32> -> vector<5000x128xf32>
    %swap3A = arith.constant 0 : index
    %swap3A_6 = arith.constant 0 : index
    %swap3A_7 = vector.load %arg4[%swap3A, %swap3A_6] : memref<5000x128xf32, #tpu.memory_space<vmem>>, vector<5000x128xf32>
    tpu.vector_store %arg4[%swap3A, %swap3A_6], %dot_general3A_5 {strides = array<i32>} : memref<5000x128xf32, #tpu.memory_space<vmem>>, vector<5000x128xf32>,
    %get3A_8 = arith.constant 0 : index
    %get3A_9 = arith.constant 0 : index
    %get3A_10 = vector.load %arg3[%get3A_8, %get3A_9] : memref<128x128xf32, #tpu.memory_space<vmem>>, vector<128x128xf32>
    %dot_general3A_11 = arith.constant dense<0.000000e+00> : vector<5000x128xf32>
    %dot_general3A_12 = tpu.matmul %dot_general3A_5, %get3A_10, %dot_general3A_11 {dimension_numbers = #tpu.dot_dimension_numbers<[1], [0], [0], [1], [0, 0, 1, 1], [], []>, transpose_lhs_hint = false} : vector<5000x128xf32>, vector<128x128xf32>, vector<5000x128xf32> -> vector<5000x128xf32>
    %convert_element_type3A = arith.truncf %dot_general3A_12 : vector<5000x128xf32> to vector<5000x128xbf16>
    %swap3A_13 = arith.constant 0 : index
    %swap3A_14 = arith.constant 0 : index
    %swap3A_15 = vector.load %arg5[%swap3A_13, %swap3A_14] : memref<5000x128xbf16, #tpu.memory_space<vmem>>, vector<5000x128xbf16>
    tpu.vector_store %arg5[%swap3A_13, %swap3A_14], %convert_element_type3A {strides = array<i32>} : memref<5000x128xbf16, #tpu.memory_space<vmem>>, vector<5000x128xbf16>,
    return
  }
  func.func @transform_0(%arg0: i32) -> (i32, i32) {
    %c0_i32 = arith.constant 0 : i32
    %c0_i32_0 = arith.constant 0 : i32
    return %arg0, %c0_i32 : i32, i32
  }
  func.func @transform_1(%arg0: i32) -> (i32, i32) {
    %c0_i32 = arith.constant 0 : i32
    %c0_i32_0 = arith.constant 0 : i32
    %c0_i32_1 = arith.constant 0 : i32
    return %c0_i32, %c0_i32_0 : i32, i32
  }
  func.func @transform_2(%arg0: i32) -> (i32, i32) {
    %c0_i32 = arith.constant 0 : i32
    %c0_i32_0 = arith.constant 0 : i32
    %c0_i32_1 = arith.constant 0 : i32
    return %c0_i32, %c0_i32_0 : i32, i32
  }
  func.func @transform_3(%arg0: i32) -> (i32, i32) {
    %c0_i32 = arith.constant 0 : i32
    %c0_i32_0 = arith.constant 0 : i32
    return %arg0, %c0_i32 : i32, i32
  }
  func.func @transform_4(%arg0: i32) -> (i32, i32) {
    %c0_i32 = arith.constant 0 : i32
    %c0_i32_0 = arith.constant 0 : i32
    return %arg0, %c0_i32 : i32, i32
  }
}

module attributes {stable_mosaic.version = 14 : i64} {
  func.func @body(%arg0: memref<2x320000xi32, #tpu.memory_space<vmem>>, %arg1: memref<2x327680xi32, #tpu.memory_space<vmem>>, %arg2: memref<1x327680xi32, #tpu.memory_space<vmem>>) attributes {dimension_semantics = [], scalar_prefetch = 0 : i64, scratch_operands = 0 : i64, tpu.core_type = #tpu.core_type<tc>} {
    %get3A = arith.constant 0 : index
    %get3A_0 = arith.constant 0 : index
    %get3A_1 = vector.load %arg0[%get3A, %get3A_0] : memref<2x320000xi32, #tpu.memory_space<vmem>>, vector<2x320000xi32>
    %slice3A = vector.extract_strided_slice %get3A_1 {offsets = [0, 0], sizes = [1, 320000], strides = [1, 1]} : vector<2x320000xi32> to vector<1x320000xi32>
    %mul3A = arith.constant 2 : i32
    %mul3A_2 = vector.broadcast %mul3A : i32 to vector<1x320000xi32>
    %mul3A_3 = arith.muli %slice3A, %mul3A_2 : vector<1x320000xi32>
    %swap3A = arith.constant 0 : index
    %swap3A_4 = arith.constant 0 : index
    %swap3A_5 = vector.load %arg1[%swap3A, %swap3A_4] : memref<2x327680xi32, #tpu.memory_space<vmem>>, vector<1x320000xi32>
    tpu.vector_store %arg1[%swap3A, %swap3A_4], %mul3A_3 {strides = array<i32>} : memref<2x327680xi32, #tpu.memory_space<vmem>>, vector<1x320000xi32>,
    %add3A = arith.constant 1 : i32
    %add3A_6 = vector.broadcast %add3A : i32 to vector<1x320000xi32>
    %add3A_7 = arith.addi %mul3A_3, %add3A_6 : vector<1x320000xi32>
    %swap3A_8 = arith.constant 1 : index
    %swap3A_9 = arith.constant 0 : index
    %swap3A_10 = vector.load %arg1[%swap3A_8, %swap3A_9] : memref<2x327680xi32, #tpu.memory_space<vmem>>, vector<1x320000xi32>
    tpu.vector_store %arg1[%swap3A_8, %swap3A_9], %add3A_7 {strides = array<i32>} : memref<2x327680xi32, #tpu.memory_space<vmem>>, vector<1x320000xi32>,
    %slice3A_11 = vector.extract_strided_slice %get3A_1 {offsets = [1, 0], sizes = [1, 320000], strides = [1, 1]} : vector<2x320000xi32> to vector<1x320000xi32>
    %swap3A_12 = arith.constant 0 : index
    %swap3A_13 = arith.constant 0 : index
    %swap3A_14 = vector.load %arg2[%swap3A_12, %swap3A_13] : memref<1x327680xi32, #tpu.memory_space<vmem>>, vector<1x320000xi32>
    tpu.vector_store %arg2[%swap3A_12, %swap3A_13], %slice3A_11 {strides = array<i32>} : memref<1x327680xi32, #tpu.memory_space<vmem>>, vector<1x320000xi32>,
    %iota3A = tpu.iota {dimensions = array<i32: 1>} : vector<1x7680xi32>
    %and3A = arith.constant 4095 : i32
    %and3A_15 = vector.broadcast %and3A : i32 to vector<1x7680xi32>
    %and3A_16 = arith.andi %iota3A, %and3A_15 : vector<1x7680xi32>
    %mul3A_17 = arith.constant 2 : i32
    %mul3A_18 = vector.broadcast %mul3A_17 : i32 to vector<1x7680xi32>
    %mul3A_19 = arith.muli %and3A_16, %mul3A_18 : vector<1x7680xi32>
    %swap3A_20 = arith.constant 0 : index
    %swap3A_21 = arith.constant 320000 : index
    %swap3A_22 = vector.load %arg1[%swap3A_20, %swap3A_21] : memref<2x327680xi32, #tpu.memory_space<vmem>>, vector<1x7680xi32>
    tpu.vector_store %arg1[%swap3A_20, %swap3A_21], %mul3A_19 {strides = array<i32>} : memref<2x327680xi32, #tpu.memory_space<vmem>>, vector<1x7680xi32>,
    %add3A_23 = arith.constant 1 : i32
    %add3A_24 = vector.broadcast %add3A_23 : i32 to vector<1x7680xi32>
    %add3A_25 = arith.addi %mul3A_19, %add3A_24 : vector<1x7680xi32>
    %swap3A_26 = arith.constant 1 : index
    %swap3A_27 = arith.constant 320000 : index
    %swap3A_28 = vector.load %arg1[%swap3A_26, %swap3A_27] : memref<2x327680xi32, #tpu.memory_space<vmem>>, vector<1x7680xi32>
    tpu.vector_store %arg1[%swap3A_26, %swap3A_27], %add3A_25 {strides = array<i32>} : memref<2x327680xi32, #tpu.memory_space<vmem>>, vector<1x7680xi32>,
    %and3A_29 = arith.constant 63 : i32
    %and3A_30 = vector.broadcast %and3A_29 : i32 to vector<1x7680xi32>
    %and3A_31 = arith.andi %iota3A, %and3A_30 : vector<1x7680xi32>
    %add3A_32 = arith.constant 10000 : i32
    %add3A_33 = vector.broadcast %add3A_32 : i32 to vector<1x7680xi32>
    %add3A_34 = arith.addi %add3A_33, %and3A_31 : vector<1x7680xi32>
    %swap3A_35 = arith.constant 0 : index
    %swap3A_36 = arith.constant 320000 : index
    %swap3A_37 = vector.load %arg2[%swap3A_35, %swap3A_36] : memref<1x327680xi32, #tpu.memory_space<vmem>>, vector<1x7680xi32>
    tpu.vector_store %arg2[%swap3A_35, %swap3A_36], %add3A_34 {strides = array<i32>} : memref<1x327680xi32, #tpu.memory_space<vmem>>, vector<1x7680xi32>,
    return
  }
}

module attributes {stable_mosaic.version = 14 : i64} {
  func.func @body(%arg0: i32, %arg1: memref<5000x128xf32, #tpu.memory_space<vmem>>, %arg2: memref<5000x128xbf16, #tpu.memory_space<vmem>>, %arg3: memref<128x128xf32, #tpu.memory_space<vmem>>, %arg4: memref<128x128xf32, #tpu.memory_space<vmem>>, %arg5: memref<5000x128xf32, #tpu.memory_space<vmem>>, %arg6: memref<5000x128xbf16, #tpu.memory_space<vmem>>) attributes {dimension_semantics = [#tpu.dimension_semantics<arbitrary>], iteration_bounds = array<i64: 2>, scalar_prefetch = 0 : i64, scratch_operands = 0 : i64, tpu.core_type = #tpu.core_type<tc>, window_params = [{transform_indices = @transform_0, window_bounds = array<i64: 5000, 128>}, {transform_indices = @transform_1, window_bounds = array<i64: 5000, 128>}, {pipeline_mode = #tpu.pipeline_mode<synchronous>, transform_indices = @transform_2, window_bounds = array<i64: 128, 128>}, {pipeline_mode = #tpu.pipeline_mode<synchronous>, transform_indices = @transform_3, window_bounds = array<i64: 128, 128>}, {transform_indices = @transform_4, window_bounds = array<i64: 5000, 128>}, {transform_indices = @transform_5, window_bounds = array<i64: 5000, 128>}]} {
    %get3A = arith.constant 0 : index
    %get3A_0 = arith.constant 0 : index
    %get3A_1 = vector.load %arg1[%get3A, %get3A_0] : memref<5000x128xf32, #tpu.memory_space<vmem>>, vector<5000x128xf32>
    %get3A_2 = arith.constant 0 : index
    %get3A_3 = arith.constant 0 : index
    %get3A_4 = vector.load %arg2[%get3A_2, %get3A_3] : memref<5000x128xbf16, #tpu.memory_space<vmem>>, vector<5000x128xbf16>
    %convert_element_type3A = arith.extf %get3A_4 : vector<5000x128xbf16> to vector<5000x128xf32>
    %get3A_5 = arith.constant 0 : index
    %get3A_6 = arith.constant 0 : index
    %get3A_7 = vector.load %arg3[%get3A_5, %get3A_6] : memref<128x128xf32, #tpu.memory_space<vmem>>, vector<128x128xf32>
    %dot_general3A = arith.constant dense<0.000000e+00> : vector<5000x128xf32>
    %dot_general3A_8 = tpu.matmul %get3A_1, %get3A_7, %dot_general3A {dimension_numbers = #tpu.dot_dimension_numbers<[1], [0], [0], [1], [0, 0, 1, 1], [], []>, transpose_lhs_hint = false} : vector<5000x128xf32>, vector<128x128xf32>, vector<5000x128xf32> -> vector<5000x128xf32>
    %add3A = arith.addf %convert_element_type3A, %dot_general3A_8 : vector<5000x128xf32>
    %max3A = arith.constant 0.000000e+00 : f32
    %max3A_9 = vector.broadcast %max3A : f32 to vector<5000x128xf32>
    %max3A_10 = arith.maximumf %add3A, %max3A_9 : vector<5000x128xf32>
    %add3A_11 = arith.addf %max3A_10, %get3A_1 : vector<5000x128xf32>
    %swap3A = arith.constant 0 : index
    %swap3A_12 = arith.constant 0 : index
    %swap3A_13 = vector.load %arg5[%swap3A, %swap3A_12] : memref<5000x128xf32, #tpu.memory_space<vmem>>, vector<5000x128xf32>
    tpu.vector_store %arg5[%swap3A, %swap3A_12], %add3A_11 {strides = array<i32>} : memref<5000x128xf32, #tpu.memory_space<vmem>>, vector<5000x128xf32>,
    %get3A_14 = arith.constant 0 : index
    %get3A_15 = arith.constant 0 : index
    %get3A_16 = vector.load %arg4[%get3A_14, %get3A_15] : memref<128x128xf32, #tpu.memory_space<vmem>>, vector<128x128xf32>
    %dot_general3A_17 = arith.constant dense<0.000000e+00> : vector<5000x128xf32>
    %dot_general3A_18 = tpu.matmul %add3A_11, %get3A_16, %dot_general3A_17 {dimension_numbers = #tpu.dot_dimension_numbers<[1], [0], [0], [1], [0, 0, 1, 1], [], []>, transpose_lhs_hint = false} : vector<5000x128xf32>, vector<128x128xf32>, vector<5000x128xf32> -> vector<5000x128xf32>
    %convert_element_type3A_19 = arith.truncf %dot_general3A_18 : vector<5000x128xf32> to vector<5000x128xbf16>
    %swap3A_20 = arith.constant 0 : index
    %swap3A_21 = arith.constant 0 : index
    %swap3A_22 = vector.load %arg6[%swap3A_20, %swap3A_21] : memref<5000x128xbf16, #tpu.memory_space<vmem>>, vector<5000x128xbf16>
    tpu.vector_store %arg6[%swap3A_20, %swap3A_21], %convert_element_type3A_19 {strides = array<i32>} : memref<5000x128xbf16, #tpu.memory_space<vmem>>, vector<5000x128xbf16>,
    return
  }
  func.func @transform_0(%arg0: i32) -> (i32, i32) {
    %c0_i32 = arith.constant 0 : i32
    %c0_i32_0 = arith.constant 0 : i32
    return %arg0, %c0_i32 : i32, i32
  }
  func.func @transform_1(%arg0: i32) -> (i32, i32) {
    %c0_i32 = arith.constant 0 : i32
    %c0_i32_0 = arith.constant 0 : i32
    return %arg0, %c0_i32 : i32, i32
  }
  func.func @transform_2(%arg0: i32) -> (i32, i32) {
    %c0_i32 = arith.constant 0 : i32
    %c0_i32_0 = arith.constant 0 : i32
    %c0_i32_1 = arith.constant 0 : i32
    return %c0_i32, %c0_i32_0 : i32, i32
  }
  func.func @transform_3(%arg0: i32) -> (i32, i32) {
    %c0_i32 = arith.constant 0 : i32
    %c0_i32_0 = arith.constant 0 : i32
    %c0_i32_1 = arith.constant 0 : i32
    return %c0_i32, %c0_i32_0 : i32, i32
  }
  func.func @transform_4(%arg0: i32) -> (i32, i32) {
    %c0_i32 = arith.constant 0 : i32
    %c0_i32_0 = arith.constant 0 : i32
    return %arg0, %c0_i32 : i32, i32
  }
  func.func @transform_5(%arg0: i32) -> (i32, i32) {
    %c0_i32 = arith.constant 0 : i32
    %c0_i32_0 = arith.constant 0 : i32
    return %arg0, %c0_i32 : i32, i32
  }
}

module attributes {stable_mosaic.version = 14 : i64} {
  func.func @body(%arg0: i32, %arg1: memref<1x1x5000xi32, #tpu.memory_space<vmem>>, %arg2: memref<5000x128xf32, #tpu.memory_space<vmem>>, %arg3: memref<256x128xf32, #tpu.memory_space<vmem>>, %arg4: memref<256x128xf32, #tpu.memory_space<vmem>>) attributes {dimension_semantics = [#tpu.dimension_semantics<arbitrary>], iteration_bounds = array<i64: 2>, scalar_prefetch = 0 : i64, scratch_operands = 0 : i64, tpu.core_type = #tpu.core_type<tc>, window_params = [{transform_indices = @transform_0, window_bounds = array<i64: 1, 1, 5000>}, {transform_indices = @transform_1, window_bounds = array<i64: 5000, 128>}, {pipeline_mode = #tpu.pipeline_mode<synchronous>, transform_indices = @transform_2, window_bounds = array<i64: 256, 128>}, {pipeline_mode = #tpu.pipeline_mode<synchronous>, transform_indices = @transform_3, window_bounds = array<i64: 256, 128>}]} {
    %get3A = arith.constant 0 : index
    %get3A_0 = arith.constant 0 : index
    %get3A_1 = arith.constant 0 : index
    %get3A_2 = vector.load %arg1[%get3A, %get3A_0, %get3A_1] : memref<1x1x5000xi32, #tpu.memory_space<vmem>>, vector<1x1x5000xi32>
    %get3A_3 = vector.shape_cast %get3A_2 : vector<1x1x5000xi32> to vector<1x5000xi32>
    %iota3A = tpu.iota {dimensions = array<i32: 0>} : vector<256x5000xi32>
    %eq3A = vector.broadcast %get3A_3 : vector<1x5000xi32> to vector<256x5000xi32>
    %eq3A_4 = arith.cmpi eq, %eq3A, %iota3A : vector<256x5000xi32>
    %convert_element_type3A = arith.extui %eq3A_4 : vector<256x5000xi1> to vector<256x5000xi32>
    %convert_element_type3A_5 = arith.sitofp %convert_element_type3A : vector<256x5000xi32> to vector<256x5000xf32>
    %get3A_6 = arith.constant 0 : index
    %get3A_7 = arith.constant 0 : index
    %get3A_8 = vector.load %arg2[%get3A_6, %get3A_7] : memref<5000x128xf32, #tpu.memory_space<vmem>>, vector<5000x128xf32>
    %dot_general3A = arith.constant dense<0.000000e+00> : vector<256x128xf32>
    %dot_general3A_9 = tpu.matmul %convert_element_type3A_5, %get3A_8, %dot_general3A {dimension_numbers = #tpu.dot_dimension_numbers<[1], [0], [0], [1], [0, 0, 1, 1], [], []>, transpose_lhs_hint = false} : vector<256x5000xf32>, vector<5000x128xf32>, vector<256x128xf32> -> vector<256x128xf32>
    %eq3A_10 = arith.constant 0 : i32
    %eq3A_11 = arith.cmpi eq, %arg0, %eq3A_10 : i32
    %convert_element_type3A_12 = arith.extui %eq3A_11 : i1 to i32
    %cond3A = arith.constant 0 : i32
    %cond3A_13 = arith.cmpi ne, %convert_element_type3A_12, %cond3A : i32
    scf.if %cond3A_13 {
      %broadcast_in_dim3A_29 = arith.constant 0.000000e+00 : f32
      %broadcast_in_dim3A_30 = vector.broadcast %broadcast_in_dim3A_29 : f32 to vector<256x128xf32>
      %swap3A_31 = arith.constant 0 : index
      %swap3A_32 = arith.constant 0 : index
      %swap3A_33 = vector.load %arg3[%swap3A_31, %swap3A_32] : memref<256x128xf32, #tpu.memory_space<vmem>>, vector<256x128xf32>
      tpu.vector_store %arg3[%swap3A_31, %swap3A_32], %broadcast_in_dim3A_30 {strides = array<i32>} : memref<256x128xf32, #tpu.memory_space<vmem>>, vector<256x128xf32>,
      %broadcast_in_dim3A_34 = arith.constant 0.000000e+00 : f32
      %broadcast_in_dim3A_35 = vector.broadcast %broadcast_in_dim3A_34 : f32 to vector<256x128xf32>
      %swap3A_36 = arith.constant 0 : index
      %swap3A_37 = arith.constant 0 : index
      %swap3A_38 = vector.load %arg4[%swap3A_36, %swap3A_37] : memref<256x128xf32, #tpu.memory_space<vmem>>, vector<256x128xf32>
      tpu.vector_store %arg4[%swap3A_36, %swap3A_37], %broadcast_in_dim3A_35 {strides = array<i32>} : memref<256x128xf32, #tpu.memory_space<vmem>>, vector<256x128xf32>,
    } else {
    }
    %get3A_14 = arith.constant 0 : index
    %get3A_15 = arith.constant 0 : index
    %get3A_16 = vector.load %arg3[%get3A_14, %get3A_15] : memref<256x128xf32, #tpu.memory_space<vmem>>, vector<256x128xf32>
    %add3A = arith.addf %get3A_16, %dot_general3A_9 : vector<256x128xf32>
    %swap3A = arith.constant 0 : index
    %swap3A_17 = arith.constant 0 : index
    %swap3A_18 = vector.load %arg3[%swap3A, %swap3A_17] : memref<256x128xf32, #tpu.memory_space<vmem>>, vector<256x128xf32>
    tpu.vector_store %arg3[%swap3A, %swap3A_17], %add3A {strides = array<i32>} : memref<256x128xf32, #tpu.memory_space<vmem>>, vector<256x128xf32>,
    %reduce_sum3A = arith.constant dense<0.000000e+00> : vector<256xf32>
    %reduce_sum3A_19 = vector.multi_reduction <add>, %convert_element_type3A_5, %reduce_sum3A [1] : vector<256x5000xf32> to vector<256xf32>
    %broadcast_in_dim3A = vector.shape_cast %reduce_sum3A_19 : vector<256xf32> to vector<256x1xf32>
    %get3A_20 = arith.constant 0 : index
    %get3A_21 = arith.constant 0 : index
    %get3A_22 = vector.load %arg4[%get3A_20, %get3A_21] : memref<256x128xf32, #tpu.memory_space<vmem>>, vector<256x128xf32>
    %broadcast_in_dim3A_23 = vector.shape_cast %broadcast_in_dim3A : vector<256x1xf32> to vector<256x1xf32>
    %broadcast_in_dim3A_24 = vector.broadcast %broadcast_in_dim3A_23 : vector<256x1xf32> to vector<256x128xf32>
    %add3A_25 = arith.addf %get3A_22, %broadcast_in_dim3A_24 : vector<256x128xf32>
    %swap3A_26 = arith.constant 0 : index
    %swap3A_27 = arith.constant 0 : index
    %swap3A_28 = vector.load %arg4[%swap3A_26, %swap3A_27] : memref<256x128xf32, #tpu.memory_space<vmem>>, vector<256x128xf32>
    tpu.vector_store %arg4[%swap3A_26, %swap3A_27], %add3A_25 {strides = array<i32>} : memref<256x128xf32, #tpu.memory_space<vmem>>, vector<256x128xf32>,
    return
  }
  func.func @transform_0(%arg0: i32) -> (i32, i32, i32) {
    %c0_i32 = arith.constant 0 : i32
    %c0_i32_0 = arith.constant 0 : i32
    %c0_i32_1 = arith.constant 0 : i32
    return %arg0, %c0_i32, %c0_i32_0 : i32, i32, i32
  }
  func.func @transform_1(%arg0: i32) -> (i32, i32) {
    %c0_i32 = arith.constant 0 : i32
    %c0_i32_0 = arith.constant 0 : i32
    return %arg0, %c0_i32 : i32, i32
  }
  func.func @transform_2(%arg0: i32) -> (i32, i32) {
    %c0_i32 = arith.constant 0 : i32
    %c0_i32_0 = arith.constant 0 : i32
    %c0_i32_1 = arith.constant 0 : i32
    return %c0_i32, %c0_i32_0 : i32, i32
  }
  func.func @transform_3(%arg0: i32) -> (i32, i32) {
    %c0_i32 = arith.constant 0 : i32
    %c0_i32_0 = arith.constant 0 : i32
    %c0_i32_1 = arith.constant 0 : i32
    return %c0_i32, %c0_i32_0 : i32, i32
  }
}

module attributes {stable_mosaic.version = 14 : i64} {
  func.func @body(%arg0: i32, %arg1: memref<1x1x5000xi32, #tpu.memory_space<vmem>>, %arg2: memref<5000x128xf32, #tpu.memory_space<vmem>>, %arg3: memref<256x128xf32, #tpu.memory_space<vmem>>) attributes {dimension_semantics = [#tpu.dimension_semantics<arbitrary>], iteration_bounds = array<i64: 2>, scalar_prefetch = 0 : i64, scratch_operands = 0 : i64, tpu.core_type = #tpu.core_type<tc>, window_params = [{transform_indices = @transform_0, window_bounds = array<i64: 1, 1, 5000>}, {transform_indices = @transform_1, window_bounds = array<i64: 5000, 128>}, {pipeline_mode = #tpu.pipeline_mode<synchronous>, transform_indices = @transform_2, window_bounds = array<i64: 256, 128>}]} {
    %get3A = arith.constant 0 : index
    %get3A_0 = arith.constant 0 : index
    %get3A_1 = arith.constant 0 : index
    %get3A_2 = vector.load %arg1[%get3A, %get3A_0, %get3A_1] : memref<1x1x5000xi32, #tpu.memory_space<vmem>>, vector<1x1x5000xi32>
    %get3A_3 = vector.shape_cast %get3A_2 : vector<1x1x5000xi32> to vector<1x5000xi32>
    %iota3A = tpu.iota {dimensions = array<i32: 0>} : vector<256x5000xi32>
    %eq3A = vector.broadcast %get3A_3 : vector<1x5000xi32> to vector<256x5000xi32>
    %eq3A_4 = arith.cmpi eq, %eq3A, %iota3A : vector<256x5000xi32>
    %convert_element_type3A = arith.extui %eq3A_4 : vector<256x5000xi1> to vector<256x5000xi32>
    %convert_element_type3A_5 = arith.sitofp %convert_element_type3A : vector<256x5000xi32> to vector<256x5000xf32>
    %get3A_6 = arith.constant 0 : index
    %get3A_7 = arith.constant 0 : index
    %get3A_8 = vector.load %arg2[%get3A_6, %get3A_7] : memref<5000x128xf32, #tpu.memory_space<vmem>>, vector<5000x128xf32>
    %dot_general3A = arith.constant dense<0.000000e+00> : vector<256x128xf32>
    %dot_general3A_9 = tpu.matmul %convert_element_type3A_5, %get3A_8, %dot_general3A {dimension_numbers = #tpu.dot_dimension_numbers<[1], [0], [0], [1], [0, 0, 1, 1], [], []>, transpose_lhs_hint = false} : vector<256x5000xf32>, vector<5000x128xf32>, vector<256x128xf32> -> vector<256x128xf32>
    %eq3A_10 = arith.constant 0 : i32
    %eq3A_11 = arith.cmpi eq, %arg0, %eq3A_10 : i32
    %convert_element_type3A_12 = arith.extui %eq3A_11 : i1 to i32
    %cond3A = arith.constant 0 : i32
    %cond3A_13 = arith.cmpi ne, %convert_element_type3A_12, %cond3A : i32
    scf.if %cond3A_13 {
      %broadcast_in_dim3A = arith.constant 0.000000e+00 : f32
      %broadcast_in_dim3A_19 = vector.broadcast %broadcast_in_dim3A : f32 to vector<256x128xf32>
      %swap3A_20 = arith.constant 0 : index
      %swap3A_21 = arith.constant 0 : index
      %swap3A_22 = vector.load %arg3[%swap3A_20, %swap3A_21] : memref<256x128xf32, #tpu.memory_space<vmem>>, vector<256x128xf32>
      tpu.vector_store %arg3[%swap3A_20, %swap3A_21], %broadcast_in_dim3A_19 {strides = array<i32>} : memref<256x128xf32, #tpu.memory_space<vmem>>, vector<256x128xf32>,
    } else {
    }
    %get3A_14 = arith.constant 0 : index
    %get3A_15 = arith.constant 0 : index
    %get3A_16 = vector.load %arg3[%get3A_14, %get3A_15] : memref<256x128xf32, #tpu.memory_space<vmem>>, vector<256x128xf32>
    %add3A = arith.addf %get3A_16, %dot_general3A_9 : vector<256x128xf32>
    %swap3A = arith.constant 0 : index
    %swap3A_17 = arith.constant 0 : index
    %swap3A_18 = vector.load %arg3[%swap3A, %swap3A_17] : memref<256x128xf32, #tpu.memory_space<vmem>>, vector<256x128xf32>
    tpu.vector_store %arg3[%swap3A, %swap3A_17], %add3A {strides = array<i32>} : memref<256x128xf32, #tpu.memory_space<vmem>>, vector<256x128xf32>,
    return
  }
  func.func @transform_0(%arg0: i32) -> (i32, i32, i32) {
    %c0_i32 = arith.constant 0 : i32
    %c0_i32_0 = arith.constant 0 : i32
    %c0_i32_1 = arith.constant 0 : i32
    return %arg0, %c0_i32, %c0_i32_0 : i32, i32, i32
  }
  func.func @transform_1(%arg0: i32) -> (i32, i32) {
    %c0_i32 = arith.constant 0 : i32
    %c0_i32_0 = arith.constant 0 : i32
    return %arg0, %c0_i32 : i32, i32
  }
  func.func @transform_2(%arg0: i32) -> (i32, i32) {
    %c0_i32 = arith.constant 0 : i32
    %c0_i32_0 = arith.constant 0 : i32
    %c0_i32_1 = arith.constant 0 : i32
    return %c0_i32, %c0_i32_0 : i32, i32
  }
}

module attributes {stable_mosaic.version = 14 : i64} {
  func.func @body(%arg0: i32, %arg1: memref<5000x128xf32, #tpu.memory_space<vmem>>, %arg2: memref<5000x128xbf16, #tpu.memory_space<vmem>>, %arg3: memref<128x128xf32, #tpu.memory_space<vmem>>, %arg4: memref<5000x128xf32, #tpu.memory_space<vmem>>) attributes {dimension_semantics = [#tpu.dimension_semantics<arbitrary>], iteration_bounds = array<i64: 2>, scalar_prefetch = 0 : i64, scratch_operands = 0 : i64, tpu.core_type = #tpu.core_type<tc>, window_params = [{transform_indices = @transform_0, window_bounds = array<i64: 5000, 128>}, {transform_indices = @transform_1, window_bounds = array<i64: 5000, 128>}, {pipeline_mode = #tpu.pipeline_mode<synchronous>, transform_indices = @transform_2, window_bounds = array<i64: 128, 128>}, {transform_indices = @transform_3, window_bounds = array<i64: 5000, 128>}]} {
    %get3A = arith.constant 0 : index
    %get3A_0 = arith.constant 0 : index
    %get3A_1 = vector.load %arg1[%get3A, %get3A_0] : memref<5000x128xf32, #tpu.memory_space<vmem>>, vector<5000x128xf32>
    %get3A_2 = arith.constant 0 : index
    %get3A_3 = arith.constant 0 : index
    %get3A_4 = vector.load %arg2[%get3A_2, %get3A_3] : memref<5000x128xbf16, #tpu.memory_space<vmem>>, vector<5000x128xbf16>
    %convert_element_type3A = arith.extf %get3A_4 : vector<5000x128xbf16> to vector<5000x128xf32>
    %get3A_5 = arith.constant 0 : index
    %get3A_6 = arith.constant 0 : index
    %get3A_7 = vector.load %arg3[%get3A_5, %get3A_6] : memref<128x128xf32, #tpu.memory_space<vmem>>, vector<128x128xf32>
    %dot_general3A = arith.constant dense<0.000000e+00> : vector<5000x128xf32>
    %dot_general3A_8 = tpu.matmul %get3A_1, %get3A_7, %dot_general3A {dimension_numbers = #tpu.dot_dimension_numbers<[1], [0], [0], [1], [0, 0, 1, 1], [], []>, transpose_lhs_hint = false} : vector<5000x128xf32>, vector<128x128xf32>, vector<5000x128xf32> -> vector<5000x128xf32>
    %add3A = arith.addf %convert_element_type3A, %dot_general3A_8 : vector<5000x128xf32>
    %max3A = arith.constant 0.000000e+00 : f32
    %max3A_9 = vector.broadcast %max3A : f32 to vector<5000x128xf32>
    %max3A_10 = arith.maximumf %add3A, %max3A_9 : vector<5000x128xf32>
    %add3A_11 = arith.addf %max3A_10, %get3A_1 : vector<5000x128xf32>
    %swap3A = arith.constant 0 : index
    %swap3A_12 = arith.constant 0 : index
    %swap3A_13 = vector.load %arg4[%swap3A, %swap3A_12] : memref<5000x128xf32, #tpu.memory_space<vmem>>, vector<5000x128xf32>
    tpu.vector_store %arg4[%swap3A, %swap3A_12], %add3A_11 {strides = array<i32>} : memref<5000x128xf32, #tpu.memory_space<vmem>>, vector<5000x128xf32>,
    return
  }
  func.func @transform_0(%arg0: i32) -> (i32, i32) {
    %c0_i32 = arith.constant 0 : i32
    %c0_i32_0 = arith.constant 0 : i32
    return %arg0, %c0_i32 : i32, i32
  }
  func.func @transform_1(%arg0: i32) -> (i32, i32) {
    %c0_i32 = arith.constant 0 : i32
    %c0_i32_0 = arith.constant 0 : i32
    return %arg0, %c0_i32 : i32, i32
  }
  func.func @transform_2(%arg0: i32) -> (i32, i32) {
    %c0_i32 = arith.constant 0 : i32
    %c0_i32_0 = arith.constant 0 : i32
    %c0_i32_1 = arith.constant 0 : i32
    return %c0_i32, %c0_i32_0 : i32, i32
  }
  func.func @transform_3(%arg0: i32) -> (i32, i32) {
    %c0_i32 = arith.constant 0 : i32
    %c0_i32_0 = arith.constant 0 : i32
    return %arg0, %c0_i32 : i32, i32
  }
}

module attributes {stable_mosaic.version = 14 : i64} {
  func.func @body(%arg0: memref<256x128xf32, #tpu.memory_space<vmem>>, %arg1: memref<256x128xf32, #tpu.memory_space<vmem>>, %arg2: memref<256x128xf32, #tpu.memory_space<vmem>>, %arg3: memref<256x128xf32, #tpu.memory_space<vmem>>, %arg4: memref<256x128xf32, #tpu.memory_space<vmem>>, %arg5: memref<256x128xf32, #tpu.memory_space<vmem>>, %arg6: memref<640x512xf32, #tpu.memory_space<vmem>>, %arg7: memref<256x512xf32, #tpu.memory_space<vmem>>) attributes {dimension_semantics = [], scalar_prefetch = 0 : i64, scratch_operands = 0 : i64, tpu.core_type = #tpu.core_type<tc>} {
    %get3A = arith.constant 0 : index
    %get3A_0 = arith.constant 0 : index
    %get3A_1 = vector.load %arg5[%get3A, %get3A_0] : memref<256x128xf32, #tpu.memory_space<vmem>>, vector<256x128xf32>
    %slice3A = vector.extract_strided_slice %get3A_1 {offsets = [0, 0], sizes = [256, 1], strides = [1, 1]} : vector<256x128xf32> to vector<256x1xf32>
    %max3A = arith.constant 1.000000e+00 : f32
    %max3A_2 = vector.broadcast %max3A : f32 to vector<256x1xf32>
    %max3A_3 = arith.maximumf %slice3A, %max3A_2 : vector<256x1xf32>
    %div3A = arith.constant 1.000000e+00 : f32
    %div3A_4 = vector.broadcast %div3A : f32 to vector<256x1xf32>
    %div3A_5 = arith.divf %div3A_4, %max3A_3 : vector<256x1xf32>
    %get3A_6 = arith.constant 0 : index
    %get3A_7 = arith.constant 0 : index
    %get3A_8 = vector.load %arg0[%get3A_6, %get3A_7] : memref<256x128xf32, #tpu.memory_space<vmem>>, vector<256x128xf32>
    %get3A_9 = arith.constant 0 : index
    %get3A_10 = arith.constant 0 : index
    %get3A_11 = vector.load %arg1[%get3A_9, %get3A_10] : memref<256x128xf32, #tpu.memory_space<vmem>>, vector<256x128xf32>
    %get3A_12 = arith.constant 0 : index
    %get3A_13 = arith.constant 0 : index
    %get3A_14 = vector.load %arg2[%get3A_12, %get3A_13] : memref<256x128xf32, #tpu.memory_space<vmem>>, vector<256x128xf32>
    %get3A_15 = arith.constant 0 : index
    %get3A_16 = arith.constant 0 : index
    %get3A_17 = vector.load %arg3[%get3A_15, %get3A_16] : memref<256x128xf32, #tpu.memory_space<vmem>>, vector<256x128xf32>
    %get3A_18 = arith.constant 0 : index
    %get3A_19 = arith.constant 0 : index
    %get3A_20 = vector.load %arg4[%get3A_18, %get3A_19] : memref<256x128xf32, #tpu.memory_space<vmem>>, vector<256x128xf32>
    %concatenate3A = tpu.concatenate %get3A_8, %get3A_11, %get3A_14, %get3A_17, %get3A_20 in 1 : vector<256x128xf32>, vector<256x128xf32>, vector<256x128xf32>, vector<256x128xf32>, vector<256x128xf32> -> vector<256x640xf32>
    %mul3A = vector.broadcast %div3A_5 : vector<256x1xf32> to vector<256x640xf32>
    %mul3A_21 = arith.mulf %concatenate3A, %mul3A : vector<256x640xf32>
    %get3A_22 = arith.constant 0 : index
    %get3A_23 = arith.constant 0 : index
    %get3A_24 = vector.load %arg6[%get3A_22, %get3A_23] : memref<640x512xf32, #tpu.memory_space<vmem>>, vector<640x512xf32>
    %dot_general3A = arith.constant dense<0.000000e+00> : vector<256x512xf32>
    %dot_general3A_25 = tpu.matmul %mul3A_21, %get3A_24, %dot_general3A {dimension_numbers = #tpu.dot_dimension_numbers<[1], [0], [0], [1], [0, 0, 1, 1], [], []>, transpose_lhs_hint = false} : vector<256x640xf32>, vector<640x512xf32>, vector<256x512xf32> -> vector<256x512xf32>
    %swap3A = arith.constant 0 : index
    %swap3A_26 = arith.constant 0 : index
    %swap3A_27 = vector.load %arg7[%swap3A, %swap3A_26] : memref<256x512xf32, #tpu.memory_space<vmem>>, vector<256x512xf32>
    tpu.vector_store %arg7[%swap3A, %swap3A_26], %dot_general3A_25 {strides = array<i32>} : memref<256x512xf32, #tpu.memory_space<vmem>>, vector<256x512xf32>,
    return
  }
}

</mosaic_0001>

<sc_bundles>
// kernel: kernel.18.cloned.1.call-start
scs
__scs_entry_jumppad:
0x0: {  	(pc) =	sbr.rel $0x88, $3  }
0x1: {  	(tag) =	ssettag $0x0;
	lr =	simm.s32 $0x1  }
0x2: {  	[smem:$0x3F99] =	sst lr;
	_ =	strace $0xD0000000  }
0x3: {  	_ = 	snop  }
0x4: {  	_ = 	snop  }
0x5: {  	_ = 	snop  }
0x6: {  	_ = 	snop  }
0x7: {  	_ = 	snop  }
__scs_overlays_trampoline_lowered:
0x8: {  	[smem:$0x3FA8] =	sst s0  }
0x9: {  	[smem:$0x3FA9] =	sst s1  }
0xa: {  	[smem:$0x3FAA] =	sst s2  }
0xb: {  	[smem:$0x3FAB] =	sst s3  }
0xc: {  	[smem:$0x3FAC] =	sst s4  }
0xd: {  	[smem:$0x3FAD] =	sst s5  }
0xe: {  	[smem:$0x3FAE] =	sst s6  }
0xf: {  	[smem:$0x3FAF] =	sst s7  }
0x10: {  	[smem:$0x3FB0] =	sst s8  }
0x11: {  	[smem:$0x3FB1] =	sst s9;
	s0 =	simm.s32 @!p0 $0x0  }
0x12: {  	s1 =	sld [smem:$0x3F97];
	s0 =	simm.s32 @p0 $0x1  }
0x13: {  	[smem:$0x3FB2] =	sst s0;
	s0 =	simm.s32 @!p1 $0x0  }
0x14: {  	s2 =	sld [smem:$0x3F96];
	s0 =	simm.s32 @p1 $0x1  }
0x15: {  	[smem:$0x3FB3] =	sst s0;
	s0 =	simm.s32 @!p2 $0x0  }
0x16: {  	s3 =	sld [smem:$0x3FDB];
	s0 =	simm.s32 @p2 $0x1  }
0x17: {  	s4 =	simm.s32 $0x1BF5;
	[smem:$0x3FB5] =	sst s0  }
0x18: {  	s0 =	sld [smem:$0x3F98];
	_ =	swait.ge [sflag:s4], $0x0  }
0x19: {  	s7 =	sld [smem:$0x3F99]  }
0x1a: {  	s8 =	sadd.s32 $0xFFFFE003, lr  }
0x1b: {  	s9 =	sadd.s32 $0xFFFFFEF7, lr;
	s5 =	simm.s32 $0xFFFFFFFF;
	p2 =	slt.u32 s8, $0xFFFFF086  }
0x1c: {  	p1 =	slt.u32 s9, $0xF7A;
	s5 =	simm.s32 @!p2 $0x0  }
0x1d: {  	s5 =	simm.s32 @p1 $0x1;
	p0 =	seq.s32 s7, s2  }
0x1e: {  	s7 =	smul.u32 @!p0 $0xF7A, s2;
	p2 =	seq.s32 @!p0 s5, $0x0  }
0x1f: {  	s9 =	smul.u32 $0xF7A, s1;
	s8 =	simm.s32 @!p0 $0x1BF5;
	p2 =	por !p2, p0  }
0x20: {  	[sflag:s8] =	ssyncset.s32 @!p0 $0xFFFFF086;
	s6 =	sadd.s32 @!p0 s3, s7;
	s7 =	simm.s32 @!p0 $0x108  }
0x21: {  	s3 =	sadd.s32 s3, s9;
	s6 =	sadd.s32 @!p0 $0x88, s6;
	s7 =	simm.s32 @p2 $0x1082  }
0x22: {  	[simem:s7], [sflag:s8] =	dma.local @!p0 [hbm:s6], $0xF7A  }
0x23: {  	s9 =	sor.u32 $0xD0000000, s2;
	s6 =	simm.s32 $0x108;
	_ =	swait.ge @!p0 [sflag:s8], $0x0  }
0x24: {  	s3 =	sadd.s32 $0x88, s3;
	s6 =	simm.s32 @!p1 $0x1082;
	[sflag:s4] =	ssyncset.s32 $0xFFFFF086  }
0x25: {  	[simem:s6], [sflag:s4] =	dma.local [hbm:s3], $0xF7A  }
0x26: {  	[smem:$0x3F99] =	sst s1;
	(tag) =	ssettag s2;
	_ =	strace s9  }
0x27: {  	s1 =	sld [smem:$0x3FA9]  }
0x28: {  	s2 =	sld [smem:$0x3FAA]  }
0x29: {  	s4 =	sld [smem:$0x3FAC]  }
0x2a: {  	p0 =	seq.s32 s5, $0x0;
	s5 =	sld [smem:$0x3FAD]  }
0x2b: {  	s6 =	sld [smem:$0x3FAE]  }
0x2c: {  	s7 =	sld [smem:$0x3FAF]  }
0x2d: {  	s3 =	simm.s32 $0x108;
	s8 =	sld [smem:$0x3FB0]  }
0x2e: {  	s3 =	simm.s32 @!p0 $0x1082;
	s9 =	sld [smem:$0x3FB1]  }
0x2f: {  	lr =	sadd.s32 s0, s3;
	s0 =	sld [smem:$0x3FA8]  }
0x30: {  	s3 =	sld [smem:$0x3FAB]  }
0x31: {  	[smem:$0x3FB4] =	sst s10  }
0x32: {  	s10 =	sld [smem:$0x3FB2];
	_ =	sdelay $0x3  }
0x33: {  	p0 =	seq.s32 s10, $0x1;
	s10 =	sld [smem:$0x3FB4];
	_ =	sdelay $0x3  }
0x34: {  	[smem:$0x3FB4] =	sst s10  }
0x35: {  	s10 =	sld [smem:$0x3FB3];
	_ =	sdelay $0x3  }
0x36: {  	p1 =	seq.s32 s10, $0x1;
	s10 =	sld [smem:$0x3FB4];
	_ =	sdelay $0x3  }
0x37: {  	[smem:$0x3FB4] =	sst s10  }
0x38: {  	s10 =	sld [smem:$0x3FB5]  }
0x39: {  	_ = 	snop;
	(pc) =	sbr.ind lr, $3  }
0x3a: {  	_ = 	snop  }
0x3b: {  	_ = 	snop  }
0x3c: {  	p2 =	seq.s32 s10, $0x1;
	s10 =	sld [smem:$0x3FB4]  }
0x3d: {  	_ =	shalt  }
0x3e: {  	_ =	shalt  }
0x3f: {  	_ =	shalt  }
0x40: {  	_ =	shalt  }
0x41: {  	_ =	shalt  }
0x42: {  	_ =	shalt  }
0x43: {  	_ =	shalt  }
0x44: {  	_ =	shalt  }
0x45: {  	_ =	shalt  }
0x46: {  	_ =	shalt  }
0x47: {  	_ =	shalt  }
0x48: {  	_ =	shalt  }
0x49: {  	_ =	shalt  }
0x4a: {  	_ =	shalt  }
0x4b: {  	_ =	shalt  }
0x4c: {  	_ =	shalt  }
0x4d: {  	_ =	shalt  }
0x4e: {  	_ =	shalt  }
0x4f: {  	_ =	shalt  }
0x50: {  	_ =	shalt  }
0x51: {  	_ =	shalt  }
0x52: {  	_ =	shalt  }
0x53: {  	_ =	shalt  }
0x54: {  	_ =	shalt  }
0x55: {  	_ =	shalt  }
0x56: {  	_ =	shalt  }
0x57: {  	_ =	shalt  }
0x58: {  	_ =	shalt  }
0x59: {  	_ =	shalt  }
0x5a: {  	_ =	shalt  }
0x5b: {  	_ =	shalt  }
0x5c: {  	_ =	shalt  }
0x5d: {  	_ =	shalt  }
0x5e: {  	_ =	shalt  }
0x5f: {  	_ =	shalt  }
0x60: {  	_ =	shalt  }
0x61: {  	_ =	shalt  }
0x62: {  	_ =	shalt  }
0x63: {  	_ =	shalt  }
0x64: {  	_ =	shalt  }
0x65: {  	_ =	shalt  }
0x66: {  	_ =	shalt  }
0x67: {  	_ =	shalt  }
0x68: {  	_ =	shalt  }
0x69: {  	_ =	shalt  }
0x6a: {  	_ =	shalt  }
0x6b: {  	_ =	shalt  }
0x6c: {  	_ =	shalt  }
0x6d: {  	_ =	shalt  }
0x6e: {  	_ =	shalt  }
0x6f: {  	_ =	shalt  }
0x70: {  	_ =	shalt  }
0x71: {  	_ =	shalt  }
0x72: {  	_ =	shalt  }
0x73: {  	_ =	shalt  }
0x74: {  	_ =	shalt  }
0x75: {  	_ =	shalt  }
0x76: {  	_ =	shalt  }
0x77: {  	_ =	shalt  }
0x78: {  	_ =	shalt  }
0x79: {  	_ =	shalt  }
0x7a: {  	_ =	shalt  }
0x7b: {  	_ =	shalt  }
0x7c: {  	_ =	shalt  }
0x7d: {  	_ =	shalt  }
0x7e: {  	_ =	shalt  }
0x7f: {  	_ =	shalt  }
0x80: {  	_ =	shalt  }
0x81: {  	_ =	shalt  }
0x82: {  	_ =	shalt  }
0x83: {  	_ =	shalt  }
0x84: {  	_ =	shalt  }
0x85: {  	_ =	shalt  }
0x86: {  	_ =	shalt  }
0x87: {  	_ =	shalt  }
.Lfunc_end0:
.L_simem_size_0:
called_computation_lowered:
.L_overlay_start_0:
0x88: {  	s2 =	sld [smem:$0x3FD9]  }
0x89: {  	s3 =	sld [smem:$0x3FFE];
	_ =	sdelay $0x1  }
0x8a: {  	s1 =	srdreg.scid  }
0x8b: {  	s0 =	sand.u32 $0x1, s1  }
0x8c: {  	s17 =	sshll.u32 s0, $0xA;
	s2 =	sadd.s32 s3, s2  }
0x8d: {  	s2 =	sadd.s32 s2, s17  }
0x8e: {  	[smem:$0x3FC0] =	sst s2  }
0x8f: {  	_ = 	snop  }
0x90: {  	s2 =	sld [smem:$0x3FD0];
	(tm) =	ssettm $0x1  }
0x91: {  	s18 =	sld [smem:$0x3FFB];
	_ =	sdelay $0x3  }
0x92: {  	_ =	strace s18  }
0x93: {  	s3 =	sld [smem:$0x3FFC];
	_ =	sdelay $0x3  }
0x94: {  	_ =	strace s3  }
0x95: {  	s3 =	sld [smem:$0x3FFD];
	_ =	sdelay $0x3  }
0x96: {  	_ =	strace s3  }
0x97: {  	_ =	strace $0x8FFFFFFF  }
0x98: {  	s19 =	sld [smem:$0x3FDB];
	_ =	sdelay $0x1  }
0x99: {  	s4 =	simm.s32 $_scs_section_size  }
0x9a: {  	s5 =	simm.s32 $_size__tile_overlayer_lowered;
	s6 =	simm.s32 $_tile_overlayer_lowered  }
0x9b: {  	s22 =	simm.s32 $0x1BFF;
	s21 =	sshll.u32 s6, $0x1;
	s3 =	sadd.s32 s4, s19  }
0x9c: {  	s7 =	simm.s32 $0x0;
	s20 =	sshll.u32 s5, $0x1;
	s5 =	sadd.s32 s21, s3  }
0x9d: {  	[timem:s7], [sflag:s22] =	dma.local [hbm:s5], s20  }
0x9e: {  	_ =	swait.ge [sflag:s22], s20  }
0x9f: {  	s4 =	ssub.s32 $0x0, s20;
	[sflag:s22] =	ssyncset.done $0x0  }
0xa0: {  	[sflag:s22] =	ssyncadd.s32 s4;
	_ =	sdelay $0x1  }
0xa1: {  	s23 =	simm.s32 $0x1B8B  }
0xa2: {  	_ =	swait.ge [sflag:s23], $0x1  }
0xa3: {  	[sflag:s23] =	ssyncset.done $0x0  }
0xa4: {  	s25 =	simm.s32 $0x1B8E;
	s24 =	sld [smem:$0x3FFE];
	[sflag:s23] =	ssyncadd.s32 $0xFFFFFFFF  }
0xa5: {  	s26 =	simm.s32 $execute0_lowered;
	[smem:$0x3FD2] =	sst s25  }
0xa6: {  	s5 =	sshll.u32 s26, $0x1;
	_ =	strace $0x80000046;
	[dreg:$0x1] =	wrdreg $0xFFFFFFFF  }
0xa7: {  	s28 =	simm.s32 $_size_execute0_lowered;
	s3 =	sadd.s32 s3, s5;
	[dreg:$0x0] =	wrdreg $0x0  }
0xa8: {  	s5 =	sshll.u32 s28, $0x1;
	[dreg:$0x2] =	wrdreg s3  }
0xa9: {  	[dreg:$0x3] =	wrdreg s5  }
0xaa: {  	[dreg:$0x4] =	wrdreg $0xC0  }
0xab: {  	_ =	task [dreg:s7], $0x5FFFF  }
0xac: {  	[dreg:$0x1] =	wrdreg $0xFFFFFFFF  }
0xad: {  	[dreg:$0x0] =	wrdreg $0x60  }
0xae: {  	[dreg:$0x2] =	wrdreg s24  }
0xaf: {  	[dreg:$0x3] =	wrdreg s2  }
0xb0: {  	[dreg:$0x4] =	wrdreg $0xE0000  }
0xb1: {  	[dreg:$0x5] =	wrdreg $0x9  }
0xb2: {  	_ =	task.clear_ibuf [dreg:s7], $0x6FFFF;
	_ =	strace $0x90000046  }
0xb3: {  	s29 =	simm.s32 $0x9;
	_ =	strace $0x80000048  }
0xb4: {  	_ =	swait.ge [sflag:s29], $0x1  }
0xb5: {  	[sflag:s29] =	ssyncadd.s32 $0xFFFFFFFF  }
0xb6: {  	_ =	strace $0x90000048  }
0xb7: {  	_ =	sfence  }
0xb8: {  	s30 =	sld [smem:$0x0];
	_ =	sdelay $0x2  }
0xb9: {  	s31 =	sshll.u32 s1, $0xD;
	s1 =	sshrl.u32 s1, $0x2  }
0xba: {  	s3 =	sand.u32 $0x4000, s31;
	s1 =	sadd.s32 s1, s30  }
0xbb: {  	s0 =	sor.u32 s3, s0;
	s1 =	sshll.u32 s1, $0x11  }
0xbc: {  	s0 =	sor.u32 s1, s0  }
0xbd: {  	s0 =	sadd.s32 $0x8F2B, s0  }
0xbe: {  	[sflag:s0] =	ssyncadd.remote.s32 $0x1  }
0xbf: {  	_ =	sfence.sel $0xFFFF  }
0xc0: {  	[dreg:$0x0] =	wrdreg $0xFFFFFFFF;
	(pc) =	sbr.abs _section_cstart, $3  }
0xc1: {  	[dreg:$0x1] =	wrdreg $0xFFFFFFFF  }
0xc2: {  	_ =	task.clear_ibuf [dreg:s7], $0x2FFFF;
	_ =	strace $0x9FFFFFFF  }
0xc3: {  	(tm) =	ssettm $0x7FFFFFFF  }
tec
execute0_lowered:
.L_overlay_start_1:
0x0: {  	(tag) =	ssettag $0x1  }
0x1: {  	s0 =	rddreg [dreg:$0x0];
	s1 =	srdreg.scid  }
0x2: {  	s2 =	stileid.u32;
	s3 =	rddreg [dreg:$0x2]  }
0x3: {  	s4 =	simm.s32 $0x0;
	s11 =	simm.s32 $0x5000;
	s14 =	simm.s32 $0x80  }
0x4: {  	s15 =	simm.s32 $0xA000;
	s16 =	simm.s32 $0xB000;
	s17 =	simm.s32 $0x100  }
0x5: {  	s18 =	simm.s32 $0xC000;
	s19 =	simm.s32 $0x180;
	s20 =	simm.s32 $0xD000  }
0x6: {  	s21 =	simm.s32 $0x1;
	s22 =	simm.s32 $0x2;
	s23 =	simm.s32 $0x3  }
0x7: {  	s28 =	simm.s32 $0x9F00;
	s29 =	simm.s32 $0x9F80;
	s30 =	simm.s32 $0x8  }
0x8: {  	s31 =	simm.s32 $0x0;
	s1 =	sand.u32 $0x1, s1;
	s6 =	smul.u32 $0x5000, s2  }
0x9: {  	[smem:$0x7FF] =	sst s4;
	s8 =	smul.u32 $0x13C00, s2;
	s26 =	sshll.u32 s2, $0x6  }
0xa: {  	s5 =	smul.u32 $0x50000, s1;
	_ =	strace $0x80000047;
	s9 =	sshll.u32 s1, $0x6  }
0xb: {  	s1 =	ssub.s32 $0x2, s1;
	s12 =	sor.u32 $0x1C05, s26;
	s26 =	simm.s32 $0x9E80  }
0xc: {  	s9 =	sor.u32 s9, s8;
	s25 =	sshrl.u32 s1, $0x1;
	s8 =	sshrl.u32 s8, $0x2  }
0xd: {  	s5 =	sadd.s32 s6, s5;
	s6 =	sshrl.u32 s6, $0x3;
	s24 =	sshrl.u32 s9, $0x4  }
0xe: {  	s1 =	ssub.s32 s1, s25;
	s13 =	sadd.s32 s8, s3;
	s25 =	simm.s32 $0x9E00  }
0xf: {  	s7 =	sshrl.u32 s5, $0x3;
	s5 =	sadd.s32 $0x3400, s0;
	s10 =	sadd.s32 s6, s0  }
0x10: {  	s9 =	smax.u32 s1, $0x1;
	s13 =	sshrl.u32 s13, $0x3;
	s7 =	sadd.s32 s7, s0  }
0x11: {  	s0 =	sadd.s32 s24, s0;
	s24 =	simm.s32 $0x4;
	s6 =	sadd.s32 $0x20E00, s7  }
0x12: {  	s7 =	sadd.s32 $0x16E00, s10;
	s8 =	sadd.s32 $0x34E00, s0;
	s10 =	simm.s32 $0x5  }
.LBB2_1:
0x13: {  	[tilespmem:s4], [sflag:$0x5] =	stream.linear.gather [hbm4b:s6+s4], $0x5000, $0x38;
	[tilespmem:$0x12F00] =	vst v63  }
0x14: {  	_ =	swait.ge [sflag:s10], $0x5000  }
0x15: {  	[sflag:s10] =	ssyncset.done $0x0  }
0x16: {  	[sflag:s10] =	ssyncadd.s32 $0xFFFFB000  }
0x17: {  	[tilespmem:s11], [sflag:$0x5] =	stream.linear.gather [hbm4b:s7+s4], $0x5000, $0x38;
	[tilespmem:$0x12F00] =	vst v63  }
0x18: {  	_ =	swait.ge [sflag:s10], $0x5000  }
0x19: {  	[sflag:s10] =	ssyncset.done $0x0  }
0x1a: {  	[sflag:s10] =	ssyncadd.s32 $0xFFFFB000  }
0x1b: {  	s0 =	rddreg [dreg:$0x1]  }
0x1c: {  	[spmem:s13], [sflag:s12] =	dma.local [hbm:s0], $0x9E0  }
0x1d: {  	_ =	swait.ge [sflag:s10], $0x9E0  }
0x1e: {  	[sflag:s10] =	ssyncset.done $0x0  }
0x1f: {  	[sflag:s10] =	ssyncadd.s32 $0xFFFFF620  }
0x20: {  	[tilespmem:s15], [sflag:$0x1] =	stream.indirect.gather [hbm4b:s5+s14], $0x20, s4, s14, $0xb8;
	[tilespmem:$0x12F00] =	vst v63  }
0x21: {  	_ = 	snop  }
0x22: {  	[tilespmem:s16], [sflag:$0x2] =	stream.indirect.gather [hbm4b:s5+s14], $0x20, s14, s14, $0xb8;
	[tilespmem:$0x12F00] =	vst v63  }
0x23: {  	_ = 	snop  }
0x24: {  	[tilespmem:s18], [sflag:$0x3] =	stream.indirect.gather [hbm4b:s5+s14], $0x20, s17, s14, $0xb8;
	[tilespmem:$0x12F00] =	vst v63  }
0x25: {  	_ = 	snop  }
0x26: {  	[tilespmem:s20], [sflag:$0x4] =	stream.indirect.gather [hbm4b:s5+s14], $0x20, s19, s14, $0xb8;
	[tilespmem:$0x12F00] =	vst v63  }
0x27: {  	[bflag:$0x0] =	sbarrier.arrive $0xFFFF  }
0x28: {  	_ =	swait.ge [sflag:s21], $0x1000  }
0x29: {  	[sflag:s21] =	ssyncset.done $0x0  }
0x2a: {  	s2 =	simm.s32 $0x5000;
	[sflag:s21] =	ssyncadd.s32 $0xFFFFF000  }
0x2b: {  	[spmem:s3] =	stream.indirect.scatter.add.bf16 [tilespmem:s15], [sflag:$0x5], $0x20, s2, s14, $0xb8;
	[tilespmem:$0x12F00] =	vst v63  }
0x2c: {  	_ =	swait.ge [sflag:s10], $0x1000  }
0x2d: {  	[sflag:s10] =	ssyncset.done $0x0  }
0x2e: {  	s1 =	simm.s32 $0x200;
	[sflag:s10] =	ssyncadd.s32 $0xFFFFF000  }
0x2f: {  	[tilespmem:s15], [sflag:$0x1] =	stream.indirect.gather [hbm4b:s5+s14], $0x20, s1, s14, $0xb8;
	[tilespmem:$0x12F00] =	vst v63  }
0x30: {  	_ =	swait.ge [sflag:s22], $0x1000  }
0x31: {  	[sflag:s22] =	ssyncset.done $0x0  }
0x32: {  	s2 =	simm.s32 $0x5080;
	[sflag:s22] =	ssyncadd.s32 $0xFFFFF000  }
0x33: {  	[spmem:s3] =	stream.indirect.scatter.add.bf16 [tilespmem:s16], [sflag:$0x5], $0x20, s2, s14, $0xb8;
	[tilespmem:$0x12F00] =	vst v63  }
0x34: {  	_ =	swait.ge [sflag:s10], $0x1000  }
0x35: {  	[sflag:s10] =	ssyncset.done $0x0  }
0x36: {  	s1 =	simm.s32 $0x280;
	[sflag:s10] =	ssyncadd.s32 $0xFFFFF000  }
0x37: {  	[tilespmem:s16], [sflag:$0x2] =	stream.indirect.gather [hbm4b:s5+s14], $0x20, s1, s14, $0xb8;
	[tilespmem:$0x12F00] =	vst v63  }
0x38: {  	_ =	swait.ge [sflag:s23], $0x1000  }
0x39: {  	[sflag:s23] =	ssyncset.done $0x0  }
0x3a: {  	s2 =	simm.s32 $0x5100;
	[sflag:s23] =	ssyncadd.s32 $0xFFFFF000  }
0x3b: {  	[spmem:s3] =	stream.indirect.scatter.add.bf16 [tilespmem:s18], [sflag:$0x5], $0x20, s2, s14, $0xb8;
	[tilespmem:$0x12F00] =	vst v63  }
0x3c: {  	_ =	swait.ge [sflag:s10], $0x1000  }
0x3d: {  	[sflag:s10] =	ssyncset.done $0x0  }
0x3e: {  	s1 =	simm.s32 $0x300;
	[sflag:s10] =	ssyncadd.s32 $0xFFFFF000  }
0x3f: {  	[tilespmem:s18], [sflag:$0x3] =	stream.indirect.gather [hbm4b:s5+s14], $0x20, s1, s14, $0xb8;
	[tilespmem:$0x12F00] =	vst v63  }
0x40: {  	_ =	swait.ge [sflag:s24], $0x1000  }
0x41: {  	[sflag:s24] =	ssyncset.done $0x0  }
0x42: {  	s2 =	simm.s32 $0x5180;
	[sflag:s24] =	ssyncadd.s32 $0xFFFFF000  }
0x43: {  	[spmem:s3] =	stream.indirect.scatter.add.bf16 [tilespmem:s20], [sflag:$0x5], $0x20, s2, s14, $0xb8;
	[tilespmem:$0x12F00] =	vst v63  }
0x44: {  	_ =	swait.ge [sflag:s10], $0x1000  }
0x45: {  	[sflag:s10] =	ssyncset.done $0x0  }
0x46: {  	s0 =	simm.s32 $0x380;
	s1 =	simm.s32 $0x800;
	[sflag:s10] =	ssyncadd.s32 $0xFFFFF000  }
.LBB2_2:
0x47: {  	[tilespmem:s20], [sflag:$0x4] =	stream.indirect.gather [hbm4b:s5+s14], $0x20, s0, s14, $0xb8;
	[tilespmem:$0x12F00] =	vst v63  }
0x48: {  	s0 =	smov.u32 s1  }
0x49: {  	p0 =	sne.s32 s1, $0x13000;
	s1 =	sadd.s32 $0x800, s1;
	_ =	swait.ge [sflag:s21], $0x1000  }
0x4a: {  	s0 =	sshra.s32 s0, $0x2;
	[sflag:s21] =	ssyncset.done $0x0  }
0x4b: {  	s2 =	sadd.s32 $0x5000, s0;
	[sflag:s21] =	ssyncadd.s32 $0xFFFFF000  }
0x4c: {  	[spmem:s3] =	stream.indirect.scatter.add.bf16 [tilespmem:s15], [sflag:$0x5], $0x20, s2, s14, $0xb8;
	[tilespmem:$0x12F00] =	vst v63  }
0x4d: {  	_ =	swait.ge [sflag:s10], $0x1000  }
0x4e: {  	[sflag:s10] =	ssyncset.done $0x0  }
0x4f: {  	s2 =	sadd.s32 $0x200, s0;
	[sflag:s10] =	ssyncadd.s32 $0xFFFFF000  }
0x50: {  	[tilespmem:s15], [sflag:$0x1] =	stream.indirect.gather [hbm4b:s5+s14], $0x20, s2, s14, $0xb8;
	[tilespmem:$0x12F00] =	vst v63  }
0x51: {  	_ =	swait.ge [sflag:s22], $0x1000  }
0x52: {  	[sflag:s22] =	ssyncset.done $0x0  }
0x53: {  	s2 =	sadd.s32 $0x5080, s0;
	[sflag:s22] =	ssyncadd.s32 $0xFFFFF000  }
0x54: {  	[spmem:s3] =	stream.indirect.scatter.add.bf16 [tilespmem:s16], [sflag:$0x5], $0x20, s2, s14, $0xb8;
	[tilespmem:$0x12F00] =	vst v63  }
0x55: {  	_ =	swait.ge [sflag:s10], $0x1000  }
0x56: {  	[sflag:s10] =	ssyncset.done $0x0  }
0x57: {  	s2 =	sadd.s32 $0x280, s0;
	[sflag:s10] =	ssyncadd.s32 $0xFFFFF000  }
0x58: {  	[tilespmem:s16], [sflag:$0x2] =	stream.indirect.gather [hbm4b:s5+s14], $0x20, s2, s14, $0xb8;
	[tilespmem:$0x12F00] =	vst v63  }
0x59: {  	_ =	swait.ge [sflag:s23], $0x1000  }
0x5a: {  	[sflag:s23] =	ssyncset.done $0x0  }
0x5b: {  	s2 =	sadd.s32 $0x5100, s0;
	[sflag:s23] =	ssyncadd.s32 $0xFFFFF000  }
0x5c: {  	[spmem:s3] =	stream.indirect.scatter.add.bf16 [tilespmem:s18], [sflag:$0x5], $0x20, s2, s14, $0xb8;
	[tilespmem:$0x12F00] =	vst v63  }
0x5d: {  	_ =	swait.ge [sflag:s10], $0x1000  }
0x5e: {  	[sflag:s10] =	ssyncset.done $0x0  }
0x5f: {  	s2 =	sadd.s32 $0x300, s0;
	[sflag:s10] =	ssyncadd.s32 $0xFFFFF000  }
0x60: {  	[tilespmem:s18], [sflag:$0x3] =	stream.indirect.gather [hbm4b:s5+s14], $0x20, s2, s14, $0xb8;
	[tilespmem:$0x12F00] =	vst v63  }
0x61: {  	_ =	swait.ge [sflag:s24], $0x1000  }
0x62: {  	[sflag:s24] =	ssyncset.done $0x0  }
.Ltmp0:
0x63: {  	s2 =	sadd.s32 $0x5180, s0;
	[sflag:s24] =	ssyncadd.s32 $0xFFFFF000;
	(pc) =	sbr.rel @p0 .LBB2_2-.Ltmp0, $4  }
0x64: {  	[spmem:s3] =	stream.indirect.scatter.add.bf16 [tilespmem:s20], [sflag:$0x5], $0x20, s2, s14, $0xb8;
	[tilespmem:$0x12F00] =	vst v63  }
0x65: {  	_ =	swait.ge [sflag:s10], $0x1000  }
0x66: {  	[sflag:s10] =	ssyncset.done $0x0  }
0x67: {  	s0 =	sadd.s32 $0x380, s0;
	[sflag:s10] =	ssyncadd.s32 $0xFFFFF000  }
0x68: {  	[tilespmem:s20], [sflag:$0x4] =	stream.indirect.gather [hbm4b:s5+s14], $0x20, s0, s14, $0xb8;
	[tilespmem:$0x12F00] =	vst v63  }
0x69: {  	_ =	swait.ge [sflag:s21], $0x1000  }
0x6a: {  	[sflag:s21] =	ssyncset.done $0x0  }
0x6b: {  	[sflag:s21] =	ssyncadd.s32 $0xFFFFF000  }
0x6c: {  	[spmem:s3] =	stream.indirect.scatter.add.bf16 [tilespmem:s15], [sflag:$0x5], $0x20, s25, s14, $0xb8;
	[tilespmem:$0x12F00] =	vst v63  }
0x6d: {  	_ =	swait.ge [sflag:s10], $0x1000  }
0x6e: {  	[sflag:s10] =	ssyncset.done $0x0  }
0x6f: {  	[sflag:s10] =	ssyncadd.s32 $0xFFFFF000  }
0x70: {  	_ =	swait.ge [sflag:s22], $0x1000  }
0x71: {  	[sflag:s22] =	ssyncset.done $0x0  }
0x72: {  	[sflag:s22] =	ssyncadd.s32 $0xFFFFF000  }
0x73: {  	[spmem:s3] =	stream.indirect.scatter.add.bf16 [tilespmem:s16], [sflag:$0x5], $0x20, s26, s14, $0xb8;
	[tilespmem:$0x12F00] =	vst v63  }
0x74: {  	_ =	swait.ge [sflag:s10], $0x1000  }
0x75: {  	[sflag:s10] =	ssyncset.done $0x0  }
0x76: {  	[sflag:s10] =	ssyncadd.s32 $0xFFFFF000  }
0x77: {  	_ =	swait.ge [sflag:s23], $0x1000  }
0x78: {  	[sflag:s23] =	ssyncset.done $0x0  }
0x79: {  	[sflag:s23] =	ssyncadd.s32 $0xFFFFF000  }
0x7a: {  	[spmem:s3] =	stream.indirect.scatter.add.bf16 [tilespmem:s18], [sflag:$0x5], $0x20, s28, s14, $0xb8;
	[tilespmem:$0x12F00] =	vst v63  }
0x7b: {  	_ =	swait.ge [sflag:s10], $0x1000  }
0x7c: {  	[sflag:s10] =	ssyncset.done $0x0  }
0x7d: {  	[sflag:s10] =	ssyncadd.s32 $0xFFFFF000  }
0x7e: {  	_ =	swait.ge [sflag:s24], $0x1000  }
0x7f: {  	[sflag:s24] =	ssyncset.done $0x0  }
0x80: {  	[sflag:s24] =	ssyncadd.s32 $0xFFFFF000  }
0x81: {  	[spmem:s3] =	stream.indirect.scatter.add.bf16 [tilespmem:s20], [sflag:$0x5], $0x20, s29, s14, $0xb8;
	[tilespmem:$0x12F00] =	vst v63  }
0x82: {  	_ =	swait.ge [sflag:s10], $0x1000  }
0x83: {  	s31 =	sadd.s32 $0x1, s31;
	[sflag:s10] =	ssyncset.done $0x0  }
0x84: {  	p0 =	sne.s32 s31, s9;
	[sflag:s10] =	ssyncadd.s32 $0xFFFFF000  }
.Ltmp1:
0x85: {  	[bflag:$0x0] =	sbarrier.arrive $0xFFFF;
	(pc) =	sbr.rel @p0 .LBB2_1-.Ltmp1, $4  }
0x86: {  	[hbm:s8@s30], [sflag:s12] =	dma.strided [spmem:s13@s24], $0x9E0, s21, $0x4   }
0x87: {  	_ =	swait.ge [sflag:s10], $0x9E0  }
0x88: {  	[sflag:s10] =	ssyncset.done $0x0  }
0x89: {  	[sflag:s10] =	ssyncadd.s32 $0xFFFFF620  }
0x8a: {  	_ =	sfence.sel $0x180000  }
0x8b: {  	[bflag:$0x0] =	sbarrier.arrive $0xFFFF  }
0x8c: {  	_ =	strace $0x90000047  }
0x8d: {  	s0 =	stileid.u32;
	[bflag:$0x2] =	sbarrier.arrive $0xFFFF  }
0x8e: {  	p0 =	sne.s32 s0, $0x0;
	s0 =	rddreg [dreg:$0x3]  }
0x8f: {  	s0 =	sadd.s32 @!p0 $0x100000, s0  }
0x90: {  	[sflag:s0] =	ssyncadd.tile.s32 @!p0 $0x1;
	_ =	shalt  }
.Lfunc_end2:
_tile_overlayer_lowered:
.L_overlay_start_2:
0x91: {  	(tag) =	ssettag $0x2  }
0x92: {  	s0 =	rddreg [dreg:$0x0];
	s2 =	stileid.u32  }
0x93: {  	s1 =	rddreg [dreg:$0x1];
	p0 =	sne.s32 s2, $0x0  }
0x94: {  	s3 =	rddreg [dreg:$0x2];
	[bflag:$0x3] =	sbarrier.arrive $0xFFFF;
	s2 =	simm.s32 @!p0 $0x1C05  }
0x95: {  	[timem:s3], [sflag:s2] =	dma.local @!p0 [hbm:s0], s1  }
0x96: {  	s0 =	simm.s32 @!p0 $0x5  }
0x97: {  	_ =	swait.ge @!p0 [sflag:s0], s1  }
0x98: {  	s1 =	ssub.s32 @!p0 $0x0, s1;
	[sflag:s0] =	ssyncset.done @!p0 $0x0  }
0x99: {  	[sflag:s0] =	ssyncadd.s32 @!p0 s1  }
0x9a: {  	[bflag:$0x3] =	sbarrier.arrive $0xFFFF  }
0x9b: {  	_ =	shalt  }

// kernel: kernel.21.cloned.1.call-start
scs
__scs_entry_jumppad:
0x0: {  	(pc) =	sbr.rel $0x88, $3  }
0x1: {  	(tag) =	ssettag $0x0;
	lr =	simm.s32 $0x1  }
0x2: {  	[smem:$0x3F99] =	sst lr;
	_ =	strace $0xD0000000  }
0x3: {  	_ = 	snop  }
0x4: {  	_ = 	snop  }
0x5: {  	_ = 	snop  }
0x6: {  	_ = 	snop  }
0x7: {  	_ = 	snop  }
__scs_overlays_trampoline_lowered:
0x8: {  	[smem:$0x3FA8] =	sst s0  }
0x9: {  	[smem:$0x3FA9] =	sst s1  }
0xa: {  	[smem:$0x3FAA] =	sst s2  }
0xb: {  	[smem:$0x3FAB] =	sst s3  }
0xc: {  	[smem:$0x3FAC] =	sst s4  }
0xd: {  	[smem:$0x3FAD] =	sst s5  }
0xe: {  	[smem:$0x3FAE] =	sst s6  }
0xf: {  	[smem:$0x3FAF] =	sst s7  }
0x10: {  	[smem:$0x3FB0] =	sst s8  }
0x11: {  	[smem:$0x3FB1] =	sst s9;
	s0 =	simm.s32 @!p0 $0x0  }
0x12: {  	s1 =	sld [smem:$0x3F97];
	s0 =	simm.s32 @p0 $0x1  }
0x13: {  	[smem:$0x3FB2] =	sst s0;
	s0 =	simm.s32 @!p1 $0x0  }
0x14: {  	s2 =	sld [smem:$0x3F96];
	s0 =	simm.s32 @p1 $0x1  }
0x15: {  	[smem:$0x3FB3] =	sst s0;
	s0 =	simm.s32 @!p2 $0x0  }
0x16: {  	s3 =	sld [smem:$0x3FDB];
	s0 =	simm.s32 @p2 $0x1  }
0x17: {  	s4 =	simm.s32 $0x1BF5;
	[smem:$0x3FB5] =	sst s0  }
0x18: {  	s0 =	sld [smem:$0x3F98];
	_ =	swait.ge [sflag:s4], $0x0  }
0x19: {  	s7 =	sld [smem:$0x3F99]  }
0x1a: {  	s8 =	sadd.s32 $0xFFFFE003, lr  }
0x1b: {  	s9 =	sadd.s32 $0xFFFFFEF7, lr;
	s5 =	simm.s32 $0xFFFFFFFF;
	p2 =	slt.u32 s8, $0xFFFFF086  }
0x1c: {  	p1 =	slt.u32 s9, $0xF7A;
	s5 =	simm.s32 @!p2 $0x0  }
0x1d: {  	s5 =	simm.s32 @p1 $0x1;
	p0 =	seq.s32 s7, s2  }
0x1e: {  	s7 =	smul.u32 @!p0 $0xF7A, s2;
	p2 =	seq.s32 @!p0 s5, $0x0  }
0x1f: {  	s9 =	smul.u32 $0xF7A, s1;
	s8 =	simm.s32 @!p0 $0x1BF5;
	p2 =	por !p2, p0  }
0x20: {  	[sflag:s8] =	ssyncset.s32 @!p0 $0xFFFFF086;
	s6 =	sadd.s32 @!p0 s3, s7;
	s7 =	simm.s32 @!p0 $0x108  }
0x21: {  	s3 =	sadd.s32 s3, s9;
	s6 =	sadd.s32 @!p0 $0x88, s6;
	s7 =	simm.s32 @p2 $0x1082  }
0x22: {  	[simem:s7], [sflag:s8] =	dma.local @!p0 [hbm:s6], $0xF7A  }
0x23: {  	s9 =	sor.u32 $0xD0000000, s2;
	s6 =	simm.s32 $0x108;
	_ =	swait.ge @!p0 [sflag:s8], $0x0  }
0x24: {  	s3 =	sadd.s32 $0x88, s3;
	s6 =	simm.s32 @!p1 $0x1082;
	[sflag:s4] =	ssyncset.s32 $0xFFFFF086  }
0x25: {  	[simem:s6], [sflag:s4] =	dma.local [hbm:s3], $0xF7A  }
0x26: {  	[smem:$0x3F99] =	sst s1;
	(tag) =	ssettag s2;
	_ =	strace s9  }
0x27: {  	s1 =	sld [smem:$0x3FA9]  }
0x28: {  	s2 =	sld [smem:$0x3FAA]  }
0x29: {  	s4 =	sld [smem:$0x3FAC]  }
0x2a: {  	p0 =	seq.s32 s5, $0x0;
	s5 =	sld [smem:$0x3FAD]  }
0x2b: {  	s6 =	sld [smem:$0x3FAE]  }
0x2c: {  	s7 =	sld [smem:$0x3FAF]  }
0x2d: {  	s3 =	simm.s32 $0x108;
	s8 =	sld [smem:$0x3FB0]  }
0x2e: {  	s3 =	simm.s32 @!p0 $0x1082;
	s9 =	sld [smem:$0x3FB1]  }
0x2f: {  	lr =	sadd.s32 s0, s3;
	s0 =	sld [smem:$0x3FA8]  }
0x30: {  	s3 =	sld [smem:$0x3FAB]  }
0x31: {  	[smem:$0x3FB4] =	sst s10  }
0x32: {  	s10 =	sld [smem:$0x3FB2];
	_ =	sdelay $0x3  }
0x33: {  	p0 =	seq.s32 s10, $0x1;
	s10 =	sld [smem:$0x3FB4];
	_ =	sdelay $0x3  }
0x34: {  	[smem:$0x3FB4] =	sst s10  }
0x35: {  	s10 =	sld [smem:$0x3FB3];
	_ =	sdelay $0x3  }
0x36: {  	p1 =	seq.s32 s10, $0x1;
	s10 =	sld [smem:$0x3FB4];
	_ =	sdelay $0x3  }
0x37: {  	[smem:$0x3FB4] =	sst s10  }
0x38: {  	s10 =	sld [smem:$0x3FB5]  }
0x39: {  	_ = 	snop;
	(pc) =	sbr.ind lr, $3  }
0x3a: {  	_ = 	snop  }
0x3b: {  	_ = 	snop  }
0x3c: {  	p2 =	seq.s32 s10, $0x1;
	s10 =	sld [smem:$0x3FB4]  }
0x3d: {  	_ =	shalt  }
0x3e: {  	_ =	shalt  }
0x3f: {  	_ =	shalt  }
0x40: {  	_ =	shalt  }
0x41: {  	_ =	shalt  }
0x42: {  	_ =	shalt  }
0x43: {  	_ =	shalt  }
0x44: {  	_ =	shalt  }
0x45: {  	_ =	shalt  }
0x46: {  	_ =	shalt  }
0x47: {  	_ =	shalt  }
0x48: {  	_ =	shalt  }
0x49: {  	_ =	shalt  }
0x4a: {  	_ =	shalt  }
0x4b: {  	_ =	shalt  }
0x4c: {  	_ =	shalt  }
0x4d: {  	_ =	shalt  }
0x4e: {  	_ =	shalt  }
0x4f: {  	_ =	shalt  }
0x50: {  	_ =	shalt  }
0x51: {  	_ =	shalt  }
0x52: {  	_ =	shalt  }
0x53: {  	_ =	shalt  }
0x54: {  	_ =	shalt  }
0x55: {  	_ =	shalt  }
0x56: {  	_ =	shalt  }
0x57: {  	_ =	shalt  }
0x58: {  	_ =	shalt  }
0x59: {  	_ =	shalt  }
0x5a: {  	_ =	shalt  }
0x5b: {  	_ =	shalt  }
0x5c: {  	_ =	shalt  }
0x5d: {  	_ =	shalt  }
0x5e: {  	_ =	shalt  }
0x5f: {  	_ =	shalt  }
0x60: {  	_ =	shalt  }
0x61: {  	_ =	shalt  }
0x62: {  	_ =	shalt  }
0x63: {  	_ =	shalt  }
0x64: {  	_ =	shalt  }
0x65: {  	_ =	shalt  }
0x66: {  	_ =	shalt  }
0x67: {  	_ =	shalt  }
0x68: {  	_ =	shalt  }
0x69: {  	_ =	shalt  }
0x6a: {  	_ =	shalt  }
0x6b: {  	_ =	shalt  }
0x6c: {  	_ =	shalt  }
0x6d: {  	_ =	shalt  }
0x6e: {  	_ =	shalt  }
0x6f: {  	_ =	shalt  }
0x70: {  	_ =	shalt  }
0x71: {  	_ =	shalt  }
0x72: {  	_ =	shalt  }
0x73: {  	_ =	shalt  }
0x74: {  	_ =	shalt  }
0x75: {  	_ =	shalt  }
0x76: {  	_ =	shalt  }
0x77: {  	_ =	shalt  }
0x78: {  	_ =	shalt  }
0x79: {  	_ =	shalt  }
0x7a: {  	_ =	shalt  }
0x7b: {  	_ =	shalt  }
0x7c: {  	_ =	shalt  }
0x7d: {  	_ =	shalt  }
0x7e: {  	_ =	shalt  }
0x7f: {  	_ =	shalt  }
0x80: {  	_ =	shalt  }
0x81: {  	_ =	shalt  }
0x82: {  	_ =	shalt  }
0x83: {  	_ =	shalt  }
0x84: {  	_ =	shalt  }
0x85: {  	_ =	shalt  }
0x86: {  	_ =	shalt  }
0x87: {  	_ =	shalt  }
.Lfunc_end0:
.L_simem_size_0:
called_computation.1_lowered:
.L_overlay_start_0:
0x88: {  	s2 =	sld [smem:$0x3FD9]  }
0x89: {  	s3 =	sld [smem:$0x3FFE];
	_ =	sdelay $0x1  }
0x8a: {  	s1 =	srdreg.scid  }
0x8b: {  	s0 =	sand.u32 $0x1, s1  }
0x8c: {  	s17 =	sshll.u32 s0, $0xA;
	s2 =	sadd.s32 s3, s2  }
0x8d: {  	s2 =	sadd.s32 s2, s17  }
0x8e: {  	[smem:$0x3FC0] =	sst s2  }
0x8f: {  	_ = 	snop  }
0x90: {  	s2 =	sld [smem:$0x3FD0];
	(tm) =	ssettm $0x1  }
0x91: {  	s18 =	sld [smem:$0x3FFB];
	_ =	sdelay $0x3  }
0x92: {  	_ =	strace s18  }
0x93: {  	s3 =	sld [smem:$0x3FFC];
	_ =	sdelay $0x3  }
0x94: {  	_ =	strace s3  }
0x95: {  	s3 =	sld [smem:$0x3FFD];
	_ =	sdelay $0x3  }
0x96: {  	_ =	strace s3  }
0x97: {  	_ =	strace $0x8FFFFFFF  }
0x98: {  	s19 =	sld [smem:$0x3FDB];
	_ =	sdelay $0x1  }
0x99: {  	s4 =	simm.s32 $_scs_section_size  }
0x9a: {  	s5 =	simm.s32 $_size__tile_overlayer_lowered;
	s6 =	simm.s32 $_tile_overlayer_lowered  }
0x9b: {  	s22 =	simm.s32 $0x1BFF;
	s21 =	sshll.u32 s6, $0x1;
	s3 =	sadd.s32 s4, s19  }
0x9c: {  	s7 =	simm.s32 $0x0;
	s20 =	sshll.u32 s5, $0x1;
	s5 =	sadd.s32 s21, s3  }
0x9d: {  	[timem:s7], [sflag:s22] =	dma.local [hbm:s5], s20  }
0x9e: {  	_ =	swait.ge [sflag:s22], s20  }
0x9f: {  	s4 =	ssub.s32 $0x0, s20;
	[sflag:s22] =	ssyncset.done $0x0  }
0xa0: {  	[sflag:s22] =	ssyncadd.s32 s4;
	_ =	sdelay $0x1  }
0xa1: {  	s23 =	simm.s32 $0x1B8B  }
0xa2: {  	_ =	swait.ge [sflag:s23], $0x1  }
0xa3: {  	[sflag:s23] =	ssyncset.done $0x0  }
0xa4: {  	s25 =	simm.s32 $0x1B8E;
	s24 =	sld [smem:$0x3FFE];
	[sflag:s23] =	ssyncadd.s32 $0xFFFFFFFF  }
0xa5: {  	s26 =	simm.s32 $execute0_lowered;
	[smem:$0x3FD2] =	sst s25  }
0xa6: {  	s5 =	sshll.u32 s26, $0x1;
	_ =	strace $0x80000049;
	[dreg:$0x1] =	wrdreg $0xFFFFFFFF  }
0xa7: {  	s28 =	simm.s32 $_size_execute0_lowered;
	s3 =	sadd.s32 s3, s5;
	[dreg:$0x0] =	wrdreg $0x0  }
0xa8: {  	s5 =	sshll.u32 s28, $0x1;
	[dreg:$0x2] =	wrdreg s3  }
0xa9: {  	[dreg:$0x3] =	wrdreg s5  }
0xaa: {  	[dreg:$0x4] =	wrdreg $0xC0  }
0xab: {  	_ =	task [dreg:s7], $0x5FFFF  }
0xac: {  	[dreg:$0x1] =	wrdreg $0xFFFFFFFF  }
0xad: {  	[dreg:$0x0] =	wrdreg $0x60  }
0xae: {  	[dreg:$0x2] =	wrdreg s24  }
0xaf: {  	[dreg:$0x3] =	wrdreg s2  }
0xb0: {  	[dreg:$0x4] =	wrdreg $0xE0000  }
0xb1: {  	[dreg:$0x5] =	wrdreg $0x9  }
0xb2: {  	_ =	task.clear_ibuf [dreg:s7], $0x6FFFF;
	_ =	strace $0x90000049  }
0xb3: {  	s29 =	simm.s32 $0x9;
	_ =	strace $0x8000004B  }
0xb4: {  	_ =	swait.ge [sflag:s29], $0x1  }
0xb5: {  	[sflag:s29] =	ssyncadd.s32 $0xFFFFFFFF  }
0xb6: {  	_ =	strace $0x9000004B  }
0xb7: {  	_ =	sfence  }
0xb8: {  	s30 =	sld [smem:$0x0];
	_ =	sdelay $0x2  }
0xb9: {  	s31 =	sshll.u32 s1, $0xD;
	s1 =	sshrl.u32 s1, $0x2  }
0xba: {  	s3 =	sand.u32 $0x4000, s31;
	s1 =	sadd.s32 s1, s30  }
0xbb: {  	s0 =	sor.u32 s3, s0;
	s1 =	sshll.u32 s1, $0x11  }
0xbc: {  	s0 =	sor.u32 s1, s0  }
0xbd: {  	s0 =	sadd.s32 $0x8F2B, s0  }
0xbe: {  	[sflag:s0] =	ssyncadd.remote.s32 $0x1  }
0xbf: {  	_ =	sfence.sel $0xFFFF  }
0xc0: {  	[dreg:$0x0] =	wrdreg $0xFFFFFFFF;
	(pc) =	sbr.abs _section_cstart, $3  }
0xc1: {  	[dreg:$0x1] =	wrdreg $0xFFFFFFFF  }
0xc2: {  	_ =	task.clear_ibuf [dreg:s7], $0x2FFFF;
	_ =	strace $0x9FFFFFFF  }
0xc3: {  	(tm) =	ssettm $0x7FFFFFFF  }
tec
execute0_lowered:
.L_overlay_start_1:
0x0: {  	(tag) =	ssettag $0x1  }
0x1: {  	s0 =	rddreg [dreg:$0x0];
	s1 =	srdreg.scid  }
0x2: {  	s2 =	stileid.u32;
	s3 =	rddreg [dreg:$0x2]  }
0x3: {  	s4 =	simm.s32 $0x0;
	s11 =	simm.s32 $0x5000;
	s14 =	simm.s32 $0x80  }
0x4: {  	s15 =	simm.s32 $0xA000;
	s16 =	simm.s32 $0xB000;
	s17 =	simm.s32 $0x100  }
0x5: {  	s18 =	simm.s32 $0xC000;
	s19 =	simm.s32 $0x180;
	s20 =	simm.s32 $0xD000  }
0x6: {  	s21 =	simm.s32 $0x1;
	s22 =	simm.s32 $0x2;
	s23 =	simm.s32 $0x3  }
0x7: {  	s28 =	simm.s32 $0x9F00;
	s29 =	simm.s32 $0x9F80;
	s30 =	simm.s32 $0x8  }
0x8: {  	s31 =	simm.s32 $0x0;
	s1 =	sand.u32 $0x1, s1;
	s6 =	smul.u32 $0x5000, s2  }
0x9: {  	[smem:$0x7FF] =	sst s4;
	s8 =	smul.u32 $0x13C00, s2;
	s26 =	sshll.u32 s2, $0x6  }
0xa: {  	s5 =	smul.u32 $0x50000, s1;
	_ =	strace $0x8000004A;
	s9 =	sshll.u32 s1, $0x6  }
0xb: {  	s1 =	ssub.s32 $0x2, s1;
	s12 =	sor.u32 $0x1C05, s26;
	s26 =	simm.s32 $0x9E80  }
0xc: {  	s9 =	sor.u32 s9, s8;
	s25 =	sshrl.u32 s1, $0x1;
	s8 =	sshrl.u32 s8, $0x2  }
0xd: {  	s5 =	sadd.s32 s6, s5;
	s6 =	sshrl.u32 s6, $0x3;
	s24 =	sshrl.u32 s9, $0x4  }
0xe: {  	s1 =	ssub.s32 s1, s25;
	s13 =	sadd.s32 s8, s3;
	s25 =	simm.s32 $0x9E00  }
0xf: {  	s7 =	sshrl.u32 s5, $0x3;
	s5 =	sadd.s32 $0x3400, s0;
	s10 =	sadd.s32 s6, s0  }
0x10: {  	s9 =	smax.u32 s1, $0x1;
	s13 =	sshrl.u32 s13, $0x3;
	s7 =	sadd.s32 s7, s0  }
0x11: {  	s0 =	sadd.s32 s24, s0;
	s24 =	simm.s32 $0x4;
	s6 =	sadd.s32 $0x20E00, s7  }
0x12: {  	s7 =	sadd.s32 $0x16E00, s10;
	s8 =	sadd.s32 $0x34E00, s0;
	s10 =	simm.s32 $0x5  }
.LBB2_1:
0x13: {  	[tilespmem:s4], [sflag:$0x5] =	stream.linear.gather [hbm4b:s6+s4], $0x5000, $0x38;
	[tilespmem:$0x12F00] =	vst v63  }
0x14: {  	_ =	swait.ge [sflag:s10], $0x5000  }
0x15: {  	[sflag:s10] =	ssyncset.done $0x0  }
0x16: {  	[sflag:s10] =	ssyncadd.s32 $0xFFFFB000  }
0x17: {  	[tilespmem:s11], [sflag:$0x5] =	stream.linear.gather [hbm4b:s7+s4], $0x5000, $0x38;
	[tilespmem:$0x12F00] =	vst v63  }
0x18: {  	_ =	swait.ge [sflag:s10], $0x5000  }
0x19: {  	[sflag:s10] =	ssyncset.done $0x0  }
0x1a: {  	[sflag:s10] =	ssyncadd.s32 $0xFFFFB000  }
0x1b: {  	s0 =	rddreg [dreg:$0x1]  }
0x1c: {  	[spmem:s13], [sflag:s12] =	dma.local [hbm:s0], $0x9E0  }
0x1d: {  	_ =	swait.ge [sflag:s10], $0x9E0  }
0x1e: {  	[sflag:s10] =	ssyncset.done $0x0  }
0x1f: {  	[sflag:s10] =	ssyncadd.s32 $0xFFFFF620  }
0x20: {  	[tilespmem:s15], [sflag:$0x1] =	stream.indirect.gather [hbm4b:s5+s14], $0x20, s4, s14, $0xb8;
	[tilespmem:$0x12F00] =	vst v63  }
0x21: {  	_ = 	snop  }
0x22: {  	[tilespmem:s16], [sflag:$0x2] =	stream.indirect.gather [hbm4b:s5+s14], $0x20, s14, s14, $0xb8;
	[tilespmem:$0x12F00] =	vst v63  }
0x23: {  	_ = 	snop  }
0x24: {  	[tilespmem:s18], [sflag:$0x3] =	stream.indirect.gather [hbm4b:s5+s14], $0x20, s17, s14, $0xb8;
	[tilespmem:$0x12F00] =	vst v63  }
0x25: {  	_ = 	snop  }
0x26: {  	[tilespmem:s20], [sflag:$0x4] =	stream.indirect.gather [hbm4b:s5+s14], $0x20, s19, s14, $0xb8;
	[tilespmem:$0x12F00] =	vst v63  }
0x27: {  	[bflag:$0x0] =	sbarrier.arrive $0xFFFF  }
0x28: {  	_ =	swait.ge [sflag:s21], $0x1000  }
0x29: {  	[sflag:s21] =	ssyncset.done $0x0  }
0x2a: {  	s2 =	simm.s32 $0x5000;
	[sflag:s21] =	ssyncadd.s32 $0xFFFFF000  }
0x2b: {  	[spmem:s3] =	stream.indirect.scatter.add.bf16 [tilespmem:s15], [sflag:$0x5], $0x20, s2, s14, $0xb8;
	[tilespmem:$0x12F00] =	vst v63  }
0x2c: {  	_ =	swait.ge [sflag:s10], $0x1000  }
0x2d: {  	[sflag:s10] =	ssyncset.done $0x0  }
0x2e: {  	s1 =	simm.s32 $0x200;
	[sflag:s10] =	ssyncadd.s32 $0xFFFFF000  }
0x2f: {  	[tilespmem:s15], [sflag:$0x1] =	stream.indirect.gather [hbm4b:s5+s14], $0x20, s1, s14, $0xb8;
	[tilespmem:$0x12F00] =	vst v63  }
0x30: {  	_ =	swait.ge [sflag:s22], $0x1000  }
0x31: {  	[sflag:s22] =	ssyncset.done $0x0  }
0x32: {  	s2 =	simm.s32 $0x5080;
	[sflag:s22] =	ssyncadd.s32 $0xFFFFF000  }
0x33: {  	[spmem:s3] =	stream.indirect.scatter.add.bf16 [tilespmem:s16], [sflag:$0x5], $0x20, s2, s14, $0xb8;
	[tilespmem:$0x12F00] =	vst v63  }
0x34: {  	_ =	swait.ge [sflag:s10], $0x1000  }
0x35: {  	[sflag:s10] =	ssyncset.done $0x0  }
0x36: {  	s1 =	simm.s32 $0x280;
	[sflag:s10] =	ssyncadd.s32 $0xFFFFF000  }
0x37: {  	[tilespmem:s16], [sflag:$0x2] =	stream.indirect.gather [hbm4b:s5+s14], $0x20, s1, s14, $0xb8;
	[tilespmem:$0x12F00] =	vst v63  }
0x38: {  	_ =	swait.ge [sflag:s23], $0x1000  }
0x39: {  	[sflag:s23] =	ssyncset.done $0x0  }
0x3a: {  	s2 =	simm.s32 $0x5100;
	[sflag:s23] =	ssyncadd.s32 $0xFFFFF000  }
0x3b: {  	[spmem:s3] =	stream.indirect.scatter.add.bf16 [tilespmem:s18], [sflag:$0x5], $0x20, s2, s14, $0xb8;
	[tilespmem:$0x12F00] =	vst v63  }
0x3c: {  	_ =	swait.ge [sflag:s10], $0x1000  }
0x3d: {  	[sflag:s10] =	ssyncset.done $0x0  }
0x3e: {  	s1 =	simm.s32 $0x300;
	[sflag:s10] =	ssyncadd.s32 $0xFFFFF000  }
0x3f: {  	[tilespmem:s18], [sflag:$0x3] =	stream.indirect.gather [hbm4b:s5+s14], $0x20, s1, s14, $0xb8;
	[tilespmem:$0x12F00] =	vst v63  }
0x40: {  	_ =	swait.ge [sflag:s24], $0x1000  }
0x41: {  	[sflag:s24] =	ssyncset.done $0x0  }
0x42: {  	s2 =	simm.s32 $0x5180;
	[sflag:s24] =	ssyncadd.s32 $0xFFFFF000  }
0x43: {  	[spmem:s3] =	stream.indirect.scatter.add.bf16 [tilespmem:s20], [sflag:$0x5], $0x20, s2, s14, $0xb8;
	[tilespmem:$0x12F00] =	vst v63  }
0x44: {  	_ =	swait.ge [sflag:s10], $0x1000  }
0x45: {  	[sflag:s10] =	ssyncset.done $0x0  }
0x46: {  	s0 =	simm.s32 $0x380;
	s1 =	simm.s32 $0x800;
	[sflag:s10] =	ssyncadd.s32 $0xFFFFF000  }
.LBB2_2:
0x47: {  	[tilespmem:s20], [sflag:$0x4] =	stream.indirect.gather [hbm4b:s5+s14], $0x20, s0, s14, $0xb8;
	[tilespmem:$0x12F00] =	vst v63  }
0x48: {  	s0 =	smov.u32 s1  }
0x49: {  	p0 =	sne.s32 s1, $0x13000;
	s1 =	sadd.s32 $0x800, s1;
	_ =	swait.ge [sflag:s21], $0x1000  }
0x4a: {  	s0 =	sshra.s32 s0, $0x2;
	[sflag:s21] =	ssyncset.done $0x0  }
0x4b: {  	s2 =	sadd.s32 $0x5000, s0;
	[sflag:s21] =	ssyncadd.s32 $0xFFFFF000  }
0x4c: {  	[spmem:s3] =	stream.indirect.scatter.add.bf16 [tilespmem:s15], [sflag:$0x5], $0x20, s2, s14, $0xb8;
	[tilespmem:$0x12F00] =	vst v63  }
0x4d: {  	_ =	swait.ge [sflag:s10], $0x1000  }
0x4e: {  	[sflag:s10] =	ssyncset.done $0x0  }
0x4f: {  	s2 =	sadd.s32 $0x200, s0;
	[sflag:s10] =	ssyncadd.s32 $0xFFFFF000  }
0x50: {  	[tilespmem:s15], [sflag:$0x1] =	stream.indirect.gather [hbm4b:s5+s14], $0x20, s2, s14, $0xb8;
	[tilespmem:$0x12F00] =	vst v63  }
0x51: {  	_ =	swait.ge [sflag:s22], $0x1000  }
0x52: {  	[sflag:s22] =	ssyncset.done $0x0  }
0x53: {  	s2 =	sadd.s32 $0x5080, s0;
	[sflag:s22] =	ssyncadd.s32 $0xFFFFF000  }
0x54: {  	[spmem:s3] =	stream.indirect.scatter.add.bf16 [tilespmem:s16], [sflag:$0x5], $0x20, s2, s14, $0xb8;
	[tilespmem:$0x12F00] =	vst v63  }
0x55: {  	_ =	swait.ge [sflag:s10], $0x1000  }
0x56: {  	[sflag:s10] =	ssyncset.done $0x0  }
0x57: {  	s2 =	sadd.s32 $0x280, s0;
	[sflag:s10] =	ssyncadd.s32 $0xFFFFF000  }
0x58: {  	[tilespmem:s16], [sflag:$0x2] =	stream.indirect.gather [hbm4b:s5+s14], $0x20, s2, s14, $0xb8;
	[tilespmem:$0x12F00] =	vst v63  }
0x59: {  	_ =	swait.ge [sflag:s23], $0x1000  }
0x5a: {  	[sflag:s23] =	ssyncset.done $0x0  }
0x5b: {  	s2 =	sadd.s32 $0x5100, s0;
	[sflag:s23] =	ssyncadd.s32 $0xFFFFF000  }
0x5c: {  	[spmem:s3] =	stream.indirect.scatter.add.bf16 [tilespmem:s18], [sflag:$0x5], $0x20, s2, s14, $0xb8;
	[tilespmem:$0x12F00] =	vst v63  }
0x5d: {  	_ =	swait.ge [sflag:s10], $0x1000  }
0x5e: {  	[sflag:s10] =	ssyncset.done $0x0  }
0x5f: {  	s2 =	sadd.s32 $0x300, s0;
	[sflag:s10] =	ssyncadd.s32 $0xFFFFF000  }
0x60: {  	[tilespmem:s18], [sflag:$0x3] =	stream.indirect.gather [hbm4b:s5+s14], $0x20, s2, s14, $0xb8;
	[tilespmem:$0x12F00] =	vst v63  }
0x61: {  	_ =	swait.ge [sflag:s24], $0x1000  }
0x62: {  	[sflag:s24] =	ssyncset.done $0x0  }
.Ltmp0:
0x63: {  	s2 =	sadd.s32 $0x5180, s0;
	[sflag:s24] =	ssyncadd.s32 $0xFFFFF000;
	(pc) =	sbr.rel @p0 .LBB2_2-.Ltmp0, $4  }
0x64: {  	[spmem:s3] =	stream.indirect.scatter.add.bf16 [tilespmem:s20], [sflag:$0x5], $0x20, s2, s14, $0xb8;
	[tilespmem:$0x12F00] =	vst v63  }
0x65: {  	_ =	swait.ge [sflag:s10], $0x1000  }
0x66: {  	[sflag:s10] =	ssyncset.done $0x0  }
0x67: {  	s0 =	sadd.s32 $0x380, s0;
	[sflag:s10] =	ssyncadd.s32 $0xFFFFF000  }
0x68: {  	[tilespmem:s20], [sflag:$0x4] =	stream.indirect.gather [hbm4b:s5+s14], $0x20, s0, s14, $0xb8;
	[tilespmem:$0x12F00] =	vst v63  }
0x69: {  	_ =	swait.ge [sflag:s21], $0x1000  }
0x6a: {  	[sflag:s21] =	ssyncset.done $0x0  }
0x6b: {  	[sflag:s21] =	ssyncadd.s32 $0xFFFFF000  }
0x6c: {  	[spmem:s3] =	stream.indirect.scatter.add.bf16 [tilespmem:s15], [sflag:$0x5], $0x20, s25, s14, $0xb8;
	[tilespmem:$0x12F00] =	vst v63  }
0x6d: {  	_ =	swait.ge [sflag:s10], $0x1000  }
0x6e: {  	[sflag:s10] =	ssyncset.done $0x0  }
0x6f: {  	[sflag:s10] =	ssyncadd.s32 $0xFFFFF000  }
0x70: {  	_ =	swait.ge [sflag:s22], $0x1000  }
0x71: {  	[sflag:s22] =	ssyncset.done $0x0  }
0x72: {  	[sflag:s22] =	ssyncadd.s32 $0xFFFFF000  }
0x73: {  	[spmem:s3] =	stream.indirect.scatter.add.bf16 [tilespmem:s16], [sflag:$0x5], $0x20, s26, s14, $0xb8;
	[tilespmem:$0x12F00] =	vst v63  }
0x74: {  	_ =	swait.ge [sflag:s10], $0x1000  }
0x75: {  	[sflag:s10] =	ssyncset.done $0x0  }
0x76: {  	[sflag:s10] =	ssyncadd.s32 $0xFFFFF000  }
0x77: {  	_ =	swait.ge [sflag:s23], $0x1000  }
0x78: {  	[sflag:s23] =	ssyncset.done $0x0  }
0x79: {  	[sflag:s23] =	ssyncadd.s32 $0xFFFFF000  }
0x7a: {  	[spmem:s3] =	stream.indirect.scatter.add.bf16 [tilespmem:s18], [sflag:$0x5], $0x20, s28, s14, $0xb8;
	[tilespmem:$0x12F00] =	vst v63  }
0x7b: {  	_ =	swait.ge [sflag:s10], $0x1000  }
0x7c: {  	[sflag:s10] =	ssyncset.done $0x0  }
0x7d: {  	[sflag:s10] =	ssyncadd.s32 $0xFFFFF000  }
0x7e: {  	_ =	swait.ge [sflag:s24], $0x1000  }
0x7f: {  	[sflag:s24] =	ssyncset.done $0x0  }
0x80: {  	[sflag:s24] =	ssyncadd.s32 $0xFFFFF000  }
0x81: {  	[spmem:s3] =	stream.indirect.scatter.add.bf16 [tilespmem:s20], [sflag:$0x5], $0x20, s29, s14, $0xb8;
	[tilespmem:$0x12F00] =	vst v63  }
0x82: {  	_ =	swait.ge [sflag:s10], $0x1000  }
0x83: {  	s31 =	sadd.s32 $0x1, s31;
	[sflag:s10] =	ssyncset.done $0x0  }
0x84: {  	p0 =	sne.s32 s31, s9;
	[sflag:s10] =	ssyncadd.s32 $0xFFFFF000  }
.Ltmp1:
0x85: {  	[bflag:$0x0] =	sbarrier.arrive $0xFFFF;
	(pc) =	sbr.rel @p0 .LBB2_1-.Ltmp1, $4  }
0x86: {  	[hbm:s8@s30], [sflag:s12] =	dma.strided [spmem:s13@s24], $0x9E0, s21, $0x4   }
0x87: {  	_ =	swait.ge [sflag:s10], $0x9E0  }
0x88: {  	[sflag:s10] =	ssyncset.done $0x0  }
0x89: {  	[sflag:s10] =	ssyncadd.s32 $0xFFFFF620  }
0x8a: {  	_ =	sfence.sel $0x180000  }
0x8b: {  	[bflag:$0x0] =	sbarrier.arrive $0xFFFF  }
0x8c: {  	_ =	strace $0x9000004A  }
0x8d: {  	s0 =	stileid.u32;
	[bflag:$0x2] =	sbarrier.arrive $0xFFFF  }
0x8e: {  	p0 =	sne.s32 s0, $0x0;
	s0 =	rddreg [dreg:$0x3]  }
0x8f: {  	s0 =	sadd.s32 @!p0 $0x100000, s0  }
0x90: {  	[sflag:s0] =	ssyncadd.tile.s32 @!p0 $0x1;
	_ =	shalt  }
.Lfunc_end2:
_tile_overlayer_lowered:
.L_overlay_start_2:
0x91: {  	(tag) =	ssettag $0x2  }
0x92: {  	s0 =	rddreg [dreg:$0x0];
	s2 =	stileid.u32  }
0x93: {  	s1 =	rddreg [dreg:$0x1];
	p0 =	sne.s32 s2, $0x0  }
0x94: {  	s3 =	rddreg [dreg:$0x2];
	[bflag:$0x3] =	sbarrier.arrive $0xFFFF;
	s2 =	simm.s32 @!p0 $0x1C05  }
0x95: {  	[timem:s3], [sflag:s2] =	dma.local @!p0 [hbm:s0], s1  }
0x96: {  	s0 =	simm.s32 @!p0 $0x5  }
0x97: {  	_ =	swait.ge @!p0 [sflag:s0], s1  }
0x98: {  	s1 =	ssub.s32 @!p0 $0x0, s1;
	[sflag:s0] =	ssyncset.done @!p0 $0x0  }
0x99: {  	[sflag:s0] =	ssyncadd.s32 @!p0 s1  }
0x9a: {  	[bflag:$0x3] =	sbarrier.arrive $0xFFFF  }
0x9b: {  	_ =	shalt  }

// kernel: kernel.24.cloned.1.call-start
scs
__scs_entry_jumppad:
0x0: {  	(pc) =	sbr.rel $0x88, $3  }
0x1: {  	(tag) =	ssettag $0x0;
	lr =	simm.s32 $0x1  }
0x2: {  	[smem:$0x3F99] =	sst lr;
	_ =	strace $0xD0000000  }
0x3: {  	_ = 	snop  }
0x4: {  	_ = 	snop  }
0x5: {  	_ = 	snop  }
0x6: {  	_ = 	snop  }
0x7: {  	_ = 	snop  }
__scs_overlays_trampoline_lowered:
0x8: {  	[smem:$0x3FA8] =	sst s0  }
0x9: {  	[smem:$0x3FA9] =	sst s1  }
0xa: {  	[smem:$0x3FAA] =	sst s2  }
0xb: {  	[smem:$0x3FAB] =	sst s3  }
0xc: {  	[smem:$0x3FAC] =	sst s4  }
0xd: {  	[smem:$0x3FAD] =	sst s5  }
0xe: {  	[smem:$0x3FAE] =	sst s6  }
0xf: {  	[smem:$0x3FAF] =	sst s7  }
0x10: {  	[smem:$0x3FB0] =	sst s8  }
0x11: {  	[smem:$0x3FB1] =	sst s9;
	s0 =	simm.s32 @!p0 $0x0  }
0x12: {  	s1 =	sld [smem:$0x3F97];
	s0 =	simm.s32 @p0 $0x1  }
0x13: {  	[smem:$0x3FB2] =	sst s0;
	s0 =	simm.s32 @!p1 $0x0  }
0x14: {  	s2 =	sld [smem:$0x3F96];
	s0 =	simm.s32 @p1 $0x1  }
0x15: {  	[smem:$0x3FB3] =	sst s0;
	s0 =	simm.s32 @!p2 $0x0  }
0x16: {  	s3 =	sld [smem:$0x3FDB];
	s0 =	simm.s32 @p2 $0x1  }
0x17: {  	s4 =	simm.s32 $0x1BF5;
	[smem:$0x3FB5] =	sst s0  }
0x18: {  	s0 =	sld [smem:$0x3F98];
	_ =	swait.ge [sflag:s4], $0x0  }
0x19: {  	s7 =	sld [smem:$0x3F99]  }
0x1a: {  	s8 =	sadd.s32 $0xFFFFE003, lr  }
0x1b: {  	s9 =	sadd.s32 $0xFFFFFEF7, lr;
	s5 =	simm.s32 $0xFFFFFFFF;
	p2 =	slt.u32 s8, $0xFFFFF086  }
0x1c: {  	p1 =	slt.u32 s9, $0xF7A;
	s5 =	simm.s32 @!p2 $0x0  }
0x1d: {  	s5 =	simm.s32 @p1 $0x1;
	p0 =	seq.s32 s7, s2  }
0x1e: {  	s7 =	smul.u32 @!p0 $0xF7A, s2;
	p2 =	seq.s32 @!p0 s5, $0x0  }
0x1f: {  	s9 =	smul.u32 $0xF7A, s1;
	s8 =	simm.s32 @!p0 $0x1BF5;
	p2 =	por !p2, p0  }
0x20: {  	[sflag:s8] =	ssyncset.s32 @!p0 $0xFFFFF086;
	s6 =	sadd.s32 @!p0 s3, s7;
	s7 =	simm.s32 @!p0 $0x108  }
0x21: {  	s3 =	sadd.s32 s3, s9;
	s6 =	sadd.s32 @!p0 $0x88, s6;
	s7 =	simm.s32 @p2 $0x1082  }
0x22: {  	[simem:s7], [sflag:s8] =	dma.local @!p0 [hbm:s6], $0xF7A  }
0x23: {  	s9 =	sor.u32 $0xD0000000, s2;
	s6 =	simm.s32 $0x108;
	_ =	swait.ge @!p0 [sflag:s8], $0x0  }
0x24: {  	s3 =	sadd.s32 $0x88, s3;
	s6 =	simm.s32 @!p1 $0x1082;
	[sflag:s4] =	ssyncset.s32 $0xFFFFF086  }
0x25: {  	[simem:s6], [sflag:s4] =	dma.local [hbm:s3], $0xF7A  }
0x26: {  	[smem:$0x3F99] =	sst s1;
	(tag) =	ssettag s2;
	_ =	strace s9  }
0x27: {  	s1 =	sld [smem:$0x3FA9]  }
0x28: {  	s2 =	sld [smem:$0x3FAA]  }
0x29: {  	s4 =	sld [smem:$0x3FAC]  }
0x2a: {  	p0 =	seq.s32 s5, $0x0;
	s5 =	sld [smem:$0x3FAD]  }
0x2b: {  	s6 =	sld [smem:$0x3FAE]  }
0x2c: {  	s7 =	sld [smem:$0x3FAF]  }
0x2d: {  	s3 =	simm.s32 $0x108;
	s8 =	sld [smem:$0x3FB0]  }
0x2e: {  	s3 =	simm.s32 @!p0 $0x1082;
	s9 =	sld [smem:$0x3FB1]  }
0x2f: {  	lr =	sadd.s32 s0, s3;
	s0 =	sld [smem:$0x3FA8]  }
0x30: {  	s3 =	sld [smem:$0x3FAB]  }
0x31: {  	[smem:$0x3FB4] =	sst s10  }
0x32: {  	s10 =	sld [smem:$0x3FB2];
	_ =	sdelay $0x3  }
0x33: {  	p0 =	seq.s32 s10, $0x1;
	s10 =	sld [smem:$0x3FB4];
	_ =	sdelay $0x3  }
0x34: {  	[smem:$0x3FB4] =	sst s10  }
0x35: {  	s10 =	sld [smem:$0x3FB3];
	_ =	sdelay $0x3  }
0x36: {  	p1 =	seq.s32 s10, $0x1;
	s10 =	sld [smem:$0x3FB4];
	_ =	sdelay $0x3  }
0x37: {  	[smem:$0x3FB4] =	sst s10  }
0x38: {  	s10 =	sld [smem:$0x3FB5]  }
0x39: {  	_ = 	snop;
	(pc) =	sbr.ind lr, $3  }
0x3a: {  	_ = 	snop  }
0x3b: {  	_ = 	snop  }
0x3c: {  	p2 =	seq.s32 s10, $0x1;
	s10 =	sld [smem:$0x3FB4]  }
0x3d: {  	_ =	shalt  }
0x3e: {  	_ =	shalt  }
0x3f: {  	_ =	shalt  }
0x40: {  	_ =	shalt  }
0x41: {  	_ =	shalt  }
0x42: {  	_ =	shalt  }
0x43: {  	_ =	shalt  }
0x44: {  	_ =	shalt  }
0x45: {  	_ =	shalt  }
0x46: {  	_ =	shalt  }
0x47: {  	_ =	shalt  }
0x48: {  	_ =	shalt  }
0x49: {  	_ =	shalt  }
0x4a: {  	_ =	shalt  }
0x4b: {  	_ =	shalt  }
0x4c: {  	_ =	shalt  }
0x4d: {  	_ =	shalt  }
0x4e: {  	_ =	shalt  }
0x4f: {  	_ =	shalt  }
0x50: {  	_ =	shalt  }
0x51: {  	_ =	shalt  }
0x52: {  	_ =	shalt  }
0x53: {  	_ =	shalt  }
0x54: {  	_ =	shalt  }
0x55: {  	_ =	shalt  }
0x56: {  	_ =	shalt  }
0x57: {  	_ =	shalt  }
0x58: {  	_ =	shalt  }
0x59: {  	_ =	shalt  }
0x5a: {  	_ =	shalt  }
0x5b: {  	_ =	shalt  }
0x5c: {  	_ =	shalt  }
0x5d: {  	_ =	shalt  }
0x5e: {  	_ =	shalt  }
0x5f: {  	_ =	shalt  }
0x60: {  	_ =	shalt  }
0x61: {  	_ =	shalt  }
0x62: {  	_ =	shalt  }
0x63: {  	_ =	shalt  }
0x64: {  	_ =	shalt  }
0x65: {  	_ =	shalt  }
0x66: {  	_ =	shalt  }
0x67: {  	_ =	shalt  }
0x68: {  	_ =	shalt  }
0x69: {  	_ =	shalt  }
0x6a: {  	_ =	shalt  }
0x6b: {  	_ =	shalt  }
0x6c: {  	_ =	shalt  }
0x6d: {  	_ =	shalt  }
0x6e: {  	_ =	shalt  }
0x6f: {  	_ =	shalt  }
0x70: {  	_ =	shalt  }
0x71: {  	_ =	shalt  }
0x72: {  	_ =	shalt  }
0x73: {  	_ =	shalt  }
0x74: {  	_ =	shalt  }
0x75: {  	_ =	shalt  }
0x76: {  	_ =	shalt  }
0x77: {  	_ =	shalt  }
0x78: {  	_ =	shalt  }
0x79: {  	_ =	shalt  }
0x7a: {  	_ =	shalt  }
0x7b: {  	_ =	shalt  }
0x7c: {  	_ =	shalt  }
0x7d: {  	_ =	shalt  }
0x7e: {  	_ =	shalt  }
0x7f: {  	_ =	shalt  }
0x80: {  	_ =	shalt  }
0x81: {  	_ =	shalt  }
0x82: {  	_ =	shalt  }
0x83: {  	_ =	shalt  }
0x84: {  	_ =	shalt  }
0x85: {  	_ =	shalt  }
0x86: {  	_ =	shalt  }
0x87: {  	_ =	shalt  }
.Lfunc_end0:
.L_simem_size_0:
called_computation.2_lowered:
.L_overlay_start_0:
0x88: {  	s2 =	sld [smem:$0x3FD9]  }
0x89: {  	s3 =	sld [smem:$0x3FFE];
	_ =	sdelay $0x1  }
0x8a: {  	s1 =	srdreg.scid  }
0x8b: {  	s0 =	sand.u32 $0x1, s1  }
0x8c: {  	s17 =	sshll.u32 s0, $0xA;
	s2 =	sadd.s32 s3, s2  }
0x8d: {  	s2 =	sadd.s32 s2, s17  }
0x8e: {  	[smem:$0x3FC0] =	sst s2  }
0x8f: {  	_ = 	snop  }
0x90: {  	s2 =	sld [smem:$0x3FD0];
	(tm) =	ssettm $0x1  }
0x91: {  	s18 =	sld [smem:$0x3FFB];
	_ =	sdelay $0x3  }
0x92: {  	_ =	strace s18  }
0x93: {  	s3 =	sld [smem:$0x3FFC];
	_ =	sdelay $0x3  }
0x94: {  	_ =	strace s3  }
0x95: {  	s3 =	sld [smem:$0x3FFD];
	_ =	sdelay $0x3  }
0x96: {  	_ =	strace s3  }
0x97: {  	_ =	strace $0x8FFFFFFF  }
0x98: {  	s19 =	sld [smem:$0x3FDB];
	_ =	sdelay $0x1  }
0x99: {  	s4 =	simm.s32 $_scs_section_size  }
0x9a: {  	s5 =	simm.s32 $_size__tile_overlayer_lowered;
	s6 =	simm.s32 $_tile_overlayer_lowered  }
0x9b: {  	s22 =	simm.s32 $0x1BFF;
	s21 =	sshll.u32 s6, $0x1;
	s3 =	sadd.s32 s4, s19  }
0x9c: {  	s7 =	simm.s32 $0x0;
	s20 =	sshll.u32 s5, $0x1;
	s5 =	sadd.s32 s21, s3  }
0x9d: {  	[timem:s7], [sflag:s22] =	dma.local [hbm:s5], s20  }
0x9e: {  	_ =	swait.ge [sflag:s22], s20  }
0x9f: {  	s4 =	ssub.s32 $0x0, s20;
	[sflag:s22] =	ssyncset.done $0x0  }
0xa0: {  	[sflag:s22] =	ssyncadd.s32 s4;
	_ =	sdelay $0x1  }
0xa1: {  	s23 =	simm.s32 $0x1B8B  }
0xa2: {  	_ =	swait.ge [sflag:s23], $0x1  }
0xa3: {  	[sflag:s23] =	ssyncset.done $0x0  }
0xa4: {  	s25 =	simm.s32 $0x1B8E;
	s24 =	sld [smem:$0x3FFE];
	[sflag:s23] =	ssyncadd.s32 $0xFFFFFFFF  }
0xa5: {  	s26 =	simm.s32 $execute0_lowered;
	[smem:$0x3FD2] =	sst s25  }
0xa6: {  	s5 =	sshll.u32 s26, $0x1;
	_ =	strace $0x8000004C;
	[dreg:$0x1] =	wrdreg $0xFFFFFFFF  }
0xa7: {  	s28 =	simm.s32 $_size_execute0_lowered;
	s3 =	sadd.s32 s3, s5;
	[dreg:$0x0] =	wrdreg $0x0  }
0xa8: {  	s5 =	sshll.u32 s28, $0x1;
	[dreg:$0x2] =	wrdreg s3  }
0xa9: {  	[dreg:$0x3] =	wrdreg s5  }
0xaa: {  	[dreg:$0x4] =	wrdreg $0xC0  }
0xab: {  	_ =	task [dreg:s7], $0x5FFFF  }
0xac: {  	[dreg:$0x1] =	wrdreg $0xFFFFFFFF  }
0xad: {  	[dreg:$0x0] =	wrdreg $0x60  }
0xae: {  	[dreg:$0x2] =	wrdreg s24  }
0xaf: {  	[dreg:$0x3] =	wrdreg s2  }
0xb0: {  	[dreg:$0x4] =	wrdreg $0xE0000  }
0xb1: {  	[dreg:$0x5] =	wrdreg $0x9  }
0xb2: {  	_ =	task.clear_ibuf [dreg:s7], $0x6FFFF;
	_ =	strace $0x9000004C  }
0xb3: {  	s29 =	simm.s32 $0x9;
	_ =	strace $0x8000004E  }
0xb4: {  	_ =	swait.ge [sflag:s29], $0x1  }
0xb5: {  	[sflag:s29] =	ssyncadd.s32 $0xFFFFFFFF  }
0xb6: {  	_ =	strace $0x9000004E  }
0xb7: {  	_ =	sfence  }
0xb8: {  	s30 =	sld [smem:$0x0];
	_ =	sdelay $0x2  }
0xb9: {  	s31 =	sshll.u32 s1, $0xD;
	s1 =	sshrl.u32 s1, $0x2  }
0xba: {  	s3 =	sand.u32 $0x4000, s31;
	s1 =	sadd.s32 s1, s30  }
0xbb: {  	s0 =	sor.u32 s3, s0;
	s1 =	sshll.u32 s1, $0x11  }
0xbc: {  	s0 =	sor.u32 s1, s0  }
0xbd: {  	s0 =	sadd.s32 $0x8F2B, s0  }
0xbe: {  	[sflag:s0] =	ssyncadd.remote.s32 $0x1  }
0xbf: {  	_ =	sfence.sel $0xFFFF  }
0xc0: {  	[dreg:$0x0] =	wrdreg $0xFFFFFFFF;
	(pc) =	sbr.abs _section_cstart, $3  }
0xc1: {  	[dreg:$0x1] =	wrdreg $0xFFFFFFFF  }
0xc2: {  	_ =	task.clear_ibuf [dreg:s7], $0x2FFFF;
	_ =	strace $0x9FFFFFFF  }
0xc3: {  	(tm) =	ssettm $0x7FFFFFFF  }
tec
execute0_lowered:
.L_overlay_start_1:
0x0: {  	(tag) =	ssettag $0x1  }
0x1: {  	s0 =	rddreg [dreg:$0x0];
	s1 =	srdreg.scid  }
0x2: {  	s2 =	stileid.u32;
	s3 =	rddreg [dreg:$0x2]  }
0x3: {  	s4 =	simm.s32 $0x0;
	s11 =	simm.s32 $0x5000;
	s14 =	simm.s32 $0x80  }
0x4: {  	s15 =	simm.s32 $0xA000;
	s16 =	simm.s32 $0xB000;
	s17 =	simm.s32 $0x100  }
0x5: {  	s18 =	simm.s32 $0xC000;
	s19 =	simm.s32 $0x180;
	s20 =	simm.s32 $0xD000  }
0x6: {  	s21 =	simm.s32 $0x1;
	s22 =	simm.s32 $0x2;
	s23 =	simm.s32 $0x3  }
0x7: {  	s28 =	simm.s32 $0x9F00;
	s29 =	simm.s32 $0x9F80;
	s30 =	simm.s32 $0x8  }
0x8: {  	s31 =	simm.s32 $0x0;
	s1 =	sand.u32 $0x1, s1;
	s6 =	smul.u32 $0x5000, s2  }
0x9: {  	[smem:$0x7FF] =	sst s4;
	s8 =	smul.u32 $0x13C00, s2;
	s26 =	sshll.u32 s2, $0x6  }
0xa: {  	s5 =	smul.u32 $0x50000, s1;
	_ =	strace $0x8000004D;
	s9 =	sshll.u32 s1, $0x6  }
0xb: {  	s1 =	ssub.s32 $0x2, s1;
	s12 =	sor.u32 $0x1C05, s26;
	s26 =	simm.s32 $0x9E80  }
0xc: {  	s9 =	sor.u32 s9, s8;
	s25 =	sshrl.u32 s1, $0x1;
	s8 =	sshrl.u32 s8, $0x2  }
0xd: {  	s5 =	sadd.s32 s6, s5;
	s6 =	sshrl.u32 s6, $0x3;
	s24 =	sshrl.u32 s9, $0x4  }
0xe: {  	s1 =	ssub.s32 s1, s25;
	s13 =	sadd.s32 s8, s3;
	s25 =	simm.s32 $0x9E00  }
0xf: {  	s7 =	sshrl.u32 s5, $0x3;
	s5 =	sadd.s32 $0x3400, s0;
	s10 =	sadd.s32 s6, s0  }
0x10: {  	s9 =	smax.u32 s1, $0x1;
	s13 =	sshrl.u32 s13, $0x3;
	s7 =	sadd.s32 s7, s0  }
0x11: {  	s0 =	sadd.s32 s24, s0;
	s24 =	simm.s32 $0x4;
	s6 =	sadd.s32 $0x20E00, s7  }
0x12: {  	s7 =	sadd.s32 $0x16E00, s10;
	s8 =	sadd.s32 $0x34E00, s0;
	s10 =	simm.s32 $0x5  }
.LBB2_1:
0x13: {  	[tilespmem:s4], [sflag:$0x5] =	stream.linear.gather [hbm4b:s6+s4], $0x5000, $0x38;
	[tilespmem:$0x12F00] =	vst v63  }
0x14: {  	_ =	swait.ge [sflag:s10], $0x5000  }
0x15: {  	[sflag:s10] =	ssyncset.done $0x0  }
0x16: {  	[sflag:s10] =	ssyncadd.s32 $0xFFFFB000  }
0x17: {  	[tilespmem:s11], [sflag:$0x5] =	stream.linear.gather [hbm4b:s7+s4], $0x5000, $0x38;
	[tilespmem:$0x12F00] =	vst v63  }
0x18: {  	_ =	swait.ge [sflag:s10], $0x5000  }
0x19: {  	[sflag:s10] =	ssyncset.done $0x0  }
0x1a: {  	[sflag:s10] =	ssyncadd.s32 $0xFFFFB000  }
0x1b: {  	s0 =	rddreg [dreg:$0x1]  }
0x1c: {  	[spmem:s13], [sflag:s12] =	dma.local [hbm:s0], $0x9E0  }
0x1d: {  	_ =	swait.ge [sflag:s10], $0x9E0  }
0x1e: {  	[sflag:s10] =	ssyncset.done $0x0  }
0x1f: {  	[sflag:s10] =	ssyncadd.s32 $0xFFFFF620  }
0x20: {  	[tilespmem:s15], [sflag:$0x1] =	stream.indirect.gather [hbm4b:s5+s14], $0x20, s4, s14, $0xb8;
	[tilespmem:$0x12F00] =	vst v63  }
0x21: {  	_ = 	snop  }
0x22: {  	[tilespmem:s16], [sflag:$0x2] =	stream.indirect.gather [hbm4b:s5+s14], $0x20, s14, s14, $0xb8;
	[tilespmem:$0x12F00] =	vst v63  }
0x23: {  	_ = 	snop  }
0x24: {  	[tilespmem:s18], [sflag:$0x3] =	stream.indirect.gather [hbm4b:s5+s14], $0x20, s17, s14, $0xb8;
	[tilespmem:$0x12F00] =	vst v63  }
0x25: {  	_ = 	snop  }
0x26: {  	[tilespmem:s20], [sflag:$0x4] =	stream.indirect.gather [hbm4b:s5+s14], $0x20, s19, s14, $0xb8;
	[tilespmem:$0x12F00] =	vst v63  }
0x27: {  	[bflag:$0x0] =	sbarrier.arrive $0xFFFF  }
0x28: {  	_ =	swait.ge [sflag:s21], $0x1000  }
0x29: {  	[sflag:s21] =	ssyncset.done $0x0  }
0x2a: {  	s2 =	simm.s32 $0x5000;
	[sflag:s21] =	ssyncadd.s32 $0xFFFFF000  }
0x2b: {  	[spmem:s3] =	stream.indirect.scatter.add.bf16 [tilespmem:s15], [sflag:$0x5], $0x20, s2, s14, $0xb8;
	[tilespmem:$0x12F00] =	vst v63  }
0x2c: {  	_ =	swait.ge [sflag:s10], $0x1000  }
0x2d: {  	[sflag:s10] =	ssyncset.done $0x0  }
0x2e: {  	s1 =	simm.s32 $0x200;
	[sflag:s10] =	ssyncadd.s32 $0xFFFFF000  }
0x2f: {  	[tilespmem:s15], [sflag:$0x1] =	stream.indirect.gather [hbm4b:s5+s14], $0x20, s1, s14, $0xb8;
	[tilespmem:$0x12F00] =	vst v63  }
0x30: {  	_ =	swait.ge [sflag:s22], $0x1000  }
0x31: {  	[sflag:s22] =	ssyncset.done $0x0  }
0x32: {  	s2 =	simm.s32 $0x5080;
	[sflag:s22] =	ssyncadd.s32 $0xFFFFF000  }
0x33: {  	[spmem:s3] =	stream.indirect.scatter.add.bf16 [tilespmem:s16], [sflag:$0x5], $0x20, s2, s14, $0xb8;
	[tilespmem:$0x12F00] =	vst v63  }
0x34: {  	_ =	swait.ge [sflag:s10], $0x1000  }
0x35: {  	[sflag:s10] =	ssyncset.done $0x0  }
0x36: {  	s1 =	simm.s32 $0x280;
	[sflag:s10] =	ssyncadd.s32 $0xFFFFF000  }
0x37: {  	[tilespmem:s16], [sflag:$0x2] =	stream.indirect.gather [hbm4b:s5+s14], $0x20, s1, s14, $0xb8;
	[tilespmem:$0x12F00] =	vst v63  }
0x38: {  	_ =	swait.ge [sflag:s23], $0x1000  }
0x39: {  	[sflag:s23] =	ssyncset.done $0x0  }
0x3a: {  	s2 =	simm.s32 $0x5100;
	[sflag:s23] =	ssyncadd.s32 $0xFFFFF000  }
0x3b: {  	[spmem:s3] =	stream.indirect.scatter.add.bf16 [tilespmem:s18], [sflag:$0x5], $0x20, s2, s14, $0xb8;
	[tilespmem:$0x12F00] =	vst v63  }
0x3c: {  	_ =	swait.ge [sflag:s10], $0x1000  }
0x3d: {  	[sflag:s10] =	ssyncset.done $0x0  }
0x3e: {  	s1 =	simm.s32 $0x300;
	[sflag:s10] =	ssyncadd.s32 $0xFFFFF000  }
0x3f: {  	[tilespmem:s18], [sflag:$0x3] =	stream.indirect.gather [hbm4b:s5+s14], $0x20, s1, s14, $0xb8;
	[tilespmem:$0x12F00] =	vst v63  }
0x40: {  	_ =	swait.ge [sflag:s24], $0x1000  }
0x41: {  	[sflag:s24] =	ssyncset.done $0x0  }
0x42: {  	s2 =	simm.s32 $0x5180;
	[sflag:s24] =	ssyncadd.s32 $0xFFFFF000  }
0x43: {  	[spmem:s3] =	stream.indirect.scatter.add.bf16 [tilespmem:s20], [sflag:$0x5], $0x20, s2, s14, $0xb8;
	[tilespmem:$0x12F00] =	vst v63  }
0x44: {  	_ =	swait.ge [sflag:s10], $0x1000  }
0x45: {  	[sflag:s10] =	ssyncset.done $0x0  }
0x46: {  	s0 =	simm.s32 $0x380;
	s1 =	simm.s32 $0x800;
	[sflag:s10] =	ssyncadd.s32 $0xFFFFF000  }
.LBB2_2:
0x47: {  	[tilespmem:s20], [sflag:$0x4] =	stream.indirect.gather [hbm4b:s5+s14], $0x20, s0, s14, $0xb8;
	[tilespmem:$0x12F00] =	vst v63  }
0x48: {  	s0 =	smov.u32 s1  }
0x49: {  	p0 =	sne.s32 s1, $0x13000;
	s1 =	sadd.s32 $0x800, s1;
	_ =	swait.ge [sflag:s21], $0x1000  }
0x4a: {  	s0 =	sshra.s32 s0, $0x2;
	[sflag:s21] =	ssyncset.done $0x0  }
0x4b: {  	s2 =	sadd.s32 $0x5000, s0;
	[sflag:s21] =	ssyncadd.s32 $0xFFFFF000  }
0x4c: {  	[spmem:s3] =	stream.indirect.scatter.add.bf16 [tilespmem:s15], [sflag:$0x5], $0x20, s2, s14, $0xb8;
	[tilespmem:$0x12F00] =	vst v63  }
0x4d: {  	_ =	swait.ge [sflag:s10], $0x1000  }
0x4e: {  	[sflag:s10] =	ssyncset.done $0x0  }
0x4f: {  	s2 =	sadd.s32 $0x200, s0;
	[sflag:s10] =	ssyncadd.s32 $0xFFFFF000  }
0x50: {  	[tilespmem:s15], [sflag:$0x1] =	stream.indirect.gather [hbm4b:s5+s14], $0x20, s2, s14, $0xb8;
	[tilespmem:$0x12F00] =	vst v63  }
0x51: {  	_ =	swait.ge [sflag:s22], $0x1000  }
0x52: {  	[sflag:s22] =	ssyncset.done $0x0  }
0x53: {  	s2 =	sadd.s32 $0x5080, s0;
	[sflag:s22] =	ssyncadd.s32 $0xFFFFF000  }
0x54: {  	[spmem:s3] =	stream.indirect.scatter.add.bf16 [tilespmem:s16], [sflag:$0x5], $0x20, s2, s14, $0xb8;
	[tilespmem:$0x12F00] =	vst v63  }
0x55: {  	_ =	swait.ge [sflag:s10], $0x1000  }
0x56: {  	[sflag:s10] =	ssyncset.done $0x0  }
0x57: {  	s2 =	sadd.s32 $0x280, s0;
	[sflag:s10] =	ssyncadd.s32 $0xFFFFF000  }
0x58: {  	[tilespmem:s16], [sflag:$0x2] =	stream.indirect.gather [hbm4b:s5+s14], $0x20, s2, s14, $0xb8;
	[tilespmem:$0x12F00] =	vst v63  }
0x59: {  	_ =	swait.ge [sflag:s23], $0x1000  }
0x5a: {  	[sflag:s23] =	ssyncset.done $0x0  }
0x5b: {  	s2 =	sadd.s32 $0x5100, s0;
	[sflag:s23] =	ssyncadd.s32 $0xFFFFF000  }
0x5c: {  	[spmem:s3] =	stream.indirect.scatter.add.bf16 [tilespmem:s18], [sflag:$0x5], $0x20, s2, s14, $0xb8;
	[tilespmem:$0x12F00] =	vst v63  }
0x5d: {  	_ =	swait.ge [sflag:s10], $0x1000  }
0x5e: {  	[sflag:s10] =	ssyncset.done $0x0  }
0x5f: {  	s2 =	sadd.s32 $0x300, s0;
	[sflag:s10] =	ssyncadd.s32 $0xFFFFF000  }
0x60: {  	[tilespmem:s18], [sflag:$0x3] =	stream.indirect.gather [hbm4b:s5+s14], $0x20, s2, s14, $0xb8;
	[tilespmem:$0x12F00] =	vst v63  }
0x61: {  	_ =	swait.ge [sflag:s24], $0x1000  }
0x62: {  	[sflag:s24] =	ssyncset.done $0x0  }
.Ltmp0:
0x63: {  	s2 =	sadd.s32 $0x5180, s0;
	[sflag:s24] =	ssyncadd.s32 $0xFFFFF000;
	(pc) =	sbr.rel @p0 .LBB2_2-.Ltmp0, $4  }
0x64: {  	[spmem:s3] =	stream.indirect.scatter.add.bf16 [tilespmem:s20], [sflag:$0x5], $0x20, s2, s14, $0xb8;
	[tilespmem:$0x12F00] =	vst v63  }
0x65: {  	_ =	swait.ge [sflag:s10], $0x1000  }
0x66: {  	[sflag:s10] =	ssyncset.done $0x0  }
0x67: {  	s0 =	sadd.s32 $0x380, s0;
	[sflag:s10] =	ssyncadd.s32 $0xFFFFF000  }
0x68: {  	[tilespmem:s20], [sflag:$0x4] =	stream.indirect.gather [hbm4b:s5+s14], $0x20, s0, s14, $0xb8;
	[tilespmem:$0x12F00] =	vst v63  }
0x69: {  	_ =	swait.ge [sflag:s21], $0x1000  }
0x6a: {  	[sflag:s21] =	ssyncset.done $0x0  }
0x6b: {  	[sflag:s21] =	ssyncadd.s32 $0xFFFFF000  }
0x6c: {  	[spmem:s3] =	stream.indirect.scatter.add.bf16 [tilespmem:s15], [sflag:$0x5], $0x20, s25, s14, $0xb8;
	[tilespmem:$0x12F00] =	vst v63  }
0x6d: {  	_ =	swait.ge [sflag:s10], $0x1000  }
0x6e: {  	[sflag:s10] =	ssyncset.done $0x0  }
0x6f: {  	[sflag:s10] =	ssyncadd.s32 $0xFFFFF000  }
0x70: {  	_ =	swait.ge [sflag:s22], $0x1000  }
0x71: {  	[sflag:s22] =	ssyncset.done $0x0  }
0x72: {  	[sflag:s22] =	ssyncadd.s32 $0xFFFFF000  }
0x73: {  	[spmem:s3] =	stream.indirect.scatter.add.bf16 [tilespmem:s16], [sflag:$0x5], $0x20, s26, s14, $0xb8;
	[tilespmem:$0x12F00] =	vst v63  }
0x74: {  	_ =	swait.ge [sflag:s10], $0x1000  }
0x75: {  	[sflag:s10] =	ssyncset.done $0x0  }
0x76: {  	[sflag:s10] =	ssyncadd.s32 $0xFFFFF000  }
0x77: {  	_ =	swait.ge [sflag:s23], $0x1000  }
0x78: {  	[sflag:s23] =	ssyncset.done $0x0  }
0x79: {  	[sflag:s23] =	ssyncadd.s32 $0xFFFFF000  }
0x7a: {  	[spmem:s3] =	stream.indirect.scatter.add.bf16 [tilespmem:s18], [sflag:$0x5], $0x20, s28, s14, $0xb8;
	[tilespmem:$0x12F00] =	vst v63  }
0x7b: {  	_ =	swait.ge [sflag:s10], $0x1000  }
0x7c: {  	[sflag:s10] =	ssyncset.done $0x0  }
0x7d: {  	[sflag:s10] =	ssyncadd.s32 $0xFFFFF000  }
0x7e: {  	_ =	swait.ge [sflag:s24], $0x1000  }
0x7f: {  	[sflag:s24] =	ssyncset.done $0x0  }
0x80: {  	[sflag:s24] =	ssyncadd.s32 $0xFFFFF000  }
0x81: {  	[spmem:s3] =	stream.indirect.scatter.add.bf16 [tilespmem:s20], [sflag:$0x5], $0x20, s29, s14, $0xb8;
	[tilespmem:$0x12F00] =	vst v63  }
0x82: {  	_ =	swait.ge [sflag:s10], $0x1000  }
0x83: {  	s31 =	sadd.s32 $0x1, s31;
	[sflag:s10] =	ssyncset.done $0x0  }
0x84: {  	p0 =	sne.s32 s31, s9;
	[sflag:s10] =	ssyncadd.s32 $0xFFFFF000  }
.Ltmp1:
0x85: {  	[bflag:$0x0] =	sbarrier.arrive $0xFFFF;
	(pc) =	sbr.rel @p0 .LBB2_1-.Ltmp1, $4  }
0x86: {  	[hbm:s8@s30], [sflag:s12] =	dma.strided [spmem:s13@s24], $0x9E0, s21, $0x4   }
0x87: {  	_ =	swait.ge [sflag:s10], $0x9E0  }
0x88: {  	[sflag:s10] =	ssyncset.done $0x0  }
0x89: {  	[sflag:s10] =	ssyncadd.s32 $0xFFFFF620  }
0x8a: {  	_ =	sfence.sel $0x180000  }
0x8b: {  	[bflag:$0x0] =	sbarrier.arrive $0xFFFF  }
0x8c: {  	_ =	strace $0x9000004D  }
0x8d: {  	s0 =	stileid.u32;
	[bflag:$0x2] =	sbarrier.arrive $0xFFFF  }
0x8e: {  	p0 =	sne.s32 s0, $0x0;
	s0 =	rddreg [dreg:$0x3]  }
0x8f: {  	s0 =	sadd.s32 @!p0 $0x100000, s0  }
0x90: {  	[sflag:s0] =	ssyncadd.tile.s32 @!p0 $0x1;
	_ =	shalt  }
.Lfunc_end2:
_tile_overlayer_lowered:
.L_overlay_start_2:
0x91: {  	(tag) =	ssettag $0x2  }
0x92: {  	s0 =	rddreg [dreg:$0x0];
	s2 =	stileid.u32  }
0x93: {  	s1 =	rddreg [dreg:$0x1];
	p0 =	sne.s32 s2, $0x0  }
0x94: {  	s3 =	rddreg [dreg:$0x2];
	[bflag:$0x3] =	sbarrier.arrive $0xFFFF;
	s2 =	simm.s32 @!p0 $0x1C05  }
0x95: {  	[timem:s3], [sflag:s2] =	dma.local @!p0 [hbm:s0], s1  }
0x96: {  	s0 =	simm.s32 @!p0 $0x5  }
0x97: {  	_ =	swait.ge @!p0 [sflag:s0], s1  }
0x98: {  	s1 =	ssub.s32 @!p0 $0x0, s1;
	[sflag:s0] =	ssyncset.done @!p0 $0x0  }
0x99: {  	[sflag:s0] =	ssyncadd.s32 @!p0 s1  }
0x9a: {  	[bflag:$0x3] =	sbarrier.arrive $0xFFFF  }
0x9b: {  	_ =	shalt  }

// kernel: kernel.27.cloned.1.call-start
scs
__scs_entry_jumppad:
0x0: {  	(pc) =	sbr.rel $0x88, $3  }
0x1: {  	(tag) =	ssettag $0x0;
	lr =	simm.s32 $0x1  }
0x2: {  	[smem:$0x3F99] =	sst lr;
	_ =	strace $0xD0000000  }
0x3: {  	_ = 	snop  }
0x4: {  	_ = 	snop  }
0x5: {  	_ = 	snop  }
0x6: {  	_ = 	snop  }
0x7: {  	_ = 	snop  }
__scs_overlays_trampoline_lowered:
0x8: {  	[smem:$0x3FA8] =	sst s0  }
0x9: {  	[smem:$0x3FA9] =	sst s1  }
0xa: {  	[smem:$0x3FAA] =	sst s2  }
0xb: {  	[smem:$0x3FAB] =	sst s3  }
0xc: {  	[smem:$0x3FAC] =	sst s4  }
0xd: {  	[smem:$0x3FAD] =	sst s5  }
0xe: {  	[smem:$0x3FAE] =	sst s6  }
0xf: {  	[smem:$0x3FAF] =	sst s7  }
0x10: {  	[smem:$0x3FB0] =	sst s8  }
0x11: {  	[smem:$0x3FB1] =	sst s9;
	s0 =	simm.s32 @!p0 $0x0  }
0x12: {  	s1 =	sld [smem:$0x3F97];
	s0 =	simm.s32 @p0 $0x1  }
0x13: {  	[smem:$0x3FB2] =	sst s0;
	s0 =	simm.s32 @!p1 $0x0  }
0x14: {  	s2 =	sld [smem:$0x3F96];
	s0 =	simm.s32 @p1 $0x1  }
0x15: {  	[smem:$0x3FB3] =	sst s0;
	s0 =	simm.s32 @!p2 $0x0  }
0x16: {  	s3 =	sld [smem:$0x3FDB];
	s0 =	simm.s32 @p2 $0x1  }
0x17: {  	s4 =	simm.s32 $0x1BF5;
	[smem:$0x3FB5] =	sst s0  }
0x18: {  	s0 =	sld [smem:$0x3F98];
	_ =	swait.ge [sflag:s4], $0x0  }
0x19: {  	s7 =	sld [smem:$0x3F99]  }
0x1a: {  	s8 =	sadd.s32 $0xFFFFE003, lr  }
0x1b: {  	s9 =	sadd.s32 $0xFFFFFEF7, lr;
	s5 =	simm.s32 $0xFFFFFFFF;
	p2 =	slt.u32 s8, $0xFFFFF086  }
0x1c: {  	p1 =	slt.u32 s9, $0xF7A;
	s5 =	simm.s32 @!p2 $0x0  }
0x1d: {  	s5 =	simm.s32 @p1 $0x1;
	p0 =	seq.s32 s7, s2  }
0x1e: {  	s7 =	smul.u32 @!p0 $0xF7A, s2;
	p2 =	seq.s32 @!p0 s5, $0x0  }
0x1f: {  	s9 =	smul.u32 $0xF7A, s1;
	s8 =	simm.s32 @!p0 $0x1BF5;
	p2 =	por !p2, p0  }
0x20: {  	[sflag:s8] =	ssyncset.s32 @!p0 $0xFFFFF086;
	s6 =	sadd.s32 @!p0 s3, s7;
	s7 =	simm.s32 @!p0 $0x108  }
0x21: {  	s3 =	sadd.s32 s3, s9;
	s6 =	sadd.s32 @!p0 $0x88, s6;
	s7 =	simm.s32 @p2 $0x1082  }
0x22: {  	[simem:s7], [sflag:s8] =	dma.local @!p0 [hbm:s6], $0xF7A  }
0x23: {  	s9 =	sor.u32 $0xD0000000, s2;
	s6 =	simm.s32 $0x108;
	_ =	swait.ge @!p0 [sflag:s8], $0x0  }
0x24: {  	s3 =	sadd.s32 $0x88, s3;
	s6 =	simm.s32 @!p1 $0x1082;
	[sflag:s4] =	ssyncset.s32 $0xFFFFF086  }
0x25: {  	[simem:s6], [sflag:s4] =	dma.local [hbm:s3], $0xF7A  }
0x26: {  	[smem:$0x3F99] =	sst s1;
	(tag) =	ssettag s2;
	_ =	strace s9  }
0x27: {  	s1 =	sld [smem:$0x3FA9]  }
0x28: {  	s2 =	sld [smem:$0x3FAA]  }
0x29: {  	s4 =	sld [smem:$0x3FAC]  }
0x2a: {  	p0 =	seq.s32 s5, $0x0;
	s5 =	sld [smem:$0x3FAD]  }
0x2b: {  	s6 =	sld [smem:$0x3FAE]  }
0x2c: {  	s7 =	sld [smem:$0x3FAF]  }
0x2d: {  	s3 =	simm.s32 $0x108;
	s8 =	sld [smem:$0x3FB0]  }
0x2e: {  	s3 =	simm.s32 @!p0 $0x1082;
	s9 =	sld [smem:$0x3FB1]  }
0x2f: {  	lr =	sadd.s32 s0, s3;
	s0 =	sld [smem:$0x3FA8]  }
0x30: {  	s3 =	sld [smem:$0x3FAB]  }
0x31: {  	[smem:$0x3FB4] =	sst s10  }
0x32: {  	s10 =	sld [smem:$0x3FB2];
	_ =	sdelay $0x3  }
0x33: {  	p0 =	seq.s32 s10, $0x1;
	s10 =	sld [smem:$0x3FB4];
	_ =	sdelay $0x3  }
0x34: {  	[smem:$0x3FB4] =	sst s10  }
0x35: {  	s10 =	sld [smem:$0x3FB3];
	_ =	sdelay $0x3  }
0x36: {  	p1 =	seq.s32 s10, $0x1;
	s10 =	sld [smem:$0x3FB4];
	_ =	sdelay $0x3  }
0x37: {  	[smem:$0x3FB4] =	sst s10  }
0x38: {  	s10 =	sld [smem:$0x3FB5]  }
0x39: {  	_ = 	snop;
	(pc) =	sbr.ind lr, $3  }
0x3a: {  	_ = 	snop  }
0x3b: {  	_ = 	snop  }
0x3c: {  	p2 =	seq.s32 s10, $0x1;
	s10 =	sld [smem:$0x3FB4]  }
0x3d: {  	_ =	shalt  }
0x3e: {  	_ =	shalt  }
0x3f: {  	_ =	shalt  }
0x40: {  	_ =	shalt  }
0x41: {  	_ =	shalt  }
0x42: {  	_ =	shalt  }
0x43: {  	_ =	shalt  }
0x44: {  	_ =	shalt  }
0x45: {  	_ =	shalt  }
0x46: {  	_ =	shalt  }
0x47: {  	_ =	shalt  }
0x48: {  	_ =	shalt  }
0x49: {  	_ =	shalt  }
0x4a: {  	_ =	shalt  }
0x4b: {  	_ =	shalt  }
0x4c: {  	_ =	shalt  }
0x4d: {  	_ =	shalt  }
0x4e: {  	_ =	shalt  }
0x4f: {  	_ =	shalt  }
0x50: {  	_ =	shalt  }
0x51: {  	_ =	shalt  }
0x52: {  	_ =	shalt  }
0x53: {  	_ =	shalt  }
0x54: {  	_ =	shalt  }
0x55: {  	_ =	shalt  }
0x56: {  	_ =	shalt  }
0x57: {  	_ =	shalt  }
0x58: {  	_ =	shalt  }
0x59: {  	_ =	shalt  }
0x5a: {  	_ =	shalt  }
0x5b: {  	_ =	shalt  }
0x5c: {  	_ =	shalt  }
0x5d: {  	_ =	shalt  }
0x5e: {  	_ =	shalt  }
0x5f: {  	_ =	shalt  }
0x60: {  	_ =	shalt  }
0x61: {  	_ =	shalt  }
0x62: {  	_ =	shalt  }
0x63: {  	_ =	shalt  }
0x64: {  	_ =	shalt  }
0x65: {  	_ =	shalt  }
0x66: {  	_ =	shalt  }
0x67: {  	_ =	shalt  }
0x68: {  	_ =	shalt  }
0x69: {  	_ =	shalt  }
0x6a: {  	_ =	shalt  }
0x6b: {  	_ =	shalt  }
0x6c: {  	_ =	shalt  }
0x6d: {  	_ =	shalt  }
0x6e: {  	_ =	shalt  }
0x6f: {  	_ =	shalt  }
0x70: {  	_ =	shalt  }
0x71: {  	_ =	shalt  }
0x72: {  	_ =	shalt  }
0x73: {  	_ =	shalt  }
0x74: {  	_ =	shalt  }
0x75: {  	_ =	shalt  }
0x76: {  	_ =	shalt  }
0x77: {  	_ =	shalt  }
0x78: {  	_ =	shalt  }
0x79: {  	_ =	shalt  }
0x7a: {  	_ =	shalt  }
0x7b: {  	_ =	shalt  }
0x7c: {  	_ =	shalt  }
0x7d: {  	_ =	shalt  }
0x7e: {  	_ =	shalt  }
0x7f: {  	_ =	shalt  }
0x80: {  	_ =	shalt  }
0x81: {  	_ =	shalt  }
0x82: {  	_ =	shalt  }
0x83: {  	_ =	shalt  }
0x84: {  	_ =	shalt  }
0x85: {  	_ =	shalt  }
0x86: {  	_ =	shalt  }
0x87: {  	_ =	shalt  }
.Lfunc_end0:
.L_simem_size_0:
called_computation.3_lowered:
.L_overlay_start_0:
0x88: {  	s2 =	sld [smem:$0x3FD9]  }
0x89: {  	s3 =	sld [smem:$0x3FFE];
	_ =	sdelay $0x1  }
0x8a: {  	s1 =	srdreg.scid  }
0x8b: {  	s0 =	sand.u32 $0x1, s1  }
0x8c: {  	s17 =	sshll.u32 s0, $0xA;
	s2 =	sadd.s32 s3, s2  }
0x8d: {  	s2 =	sadd.s32 s2, s17  }
0x8e: {  	[smem:$0x3FC0] =	sst s2  }
0x8f: {  	_ = 	snop  }
0x90: {  	s2 =	sld [smem:$0x3FD0];
	(tm) =	ssettm $0x1  }
0x91: {  	s18 =	sld [smem:$0x3FFB];
	_ =	sdelay $0x3  }
0x92: {  	_ =	strace s18  }
0x93: {  	s3 =	sld [smem:$0x3FFC];
	_ =	sdelay $0x3  }
0x94: {  	_ =	strace s3  }
0x95: {  	s3 =	sld [smem:$0x3FFD];
	_ =	sdelay $0x3  }
0x96: {  	_ =	strace s3  }
0x97: {  	_ =	strace $0x8FFFFFFF  }
0x98: {  	s19 =	sld [smem:$0x3FDB];
	_ =	sdelay $0x1  }
0x99: {  	s4 =	simm.s32 $_scs_section_size  }
0x9a: {  	s5 =	simm.s32 $_size__tile_overlayer_lowered;
	s6 =	simm.s32 $_tile_overlayer_lowered  }
0x9b: {  	s22 =	simm.s32 $0x1BFF;
	s21 =	sshll.u32 s6, $0x1;
	s3 =	sadd.s32 s4, s19  }
0x9c: {  	s7 =	simm.s32 $0x0;
	s20 =	sshll.u32 s5, $0x1;
	s5 =	sadd.s32 s21, s3  }
0x9d: {  	[timem:s7], [sflag:s22] =	dma.local [hbm:s5], s20  }
0x9e: {  	_ =	swait.ge [sflag:s22], s20  }
0x9f: {  	s4 =	ssub.s32 $0x0, s20;
	[sflag:s22] =	ssyncset.done $0x0  }
0xa0: {  	[sflag:s22] =	ssyncadd.s32 s4;
	_ =	sdelay $0x1  }
0xa1: {  	s23 =	simm.s32 $0x1B8B  }
0xa2: {  	_ =	swait.ge [sflag:s23], $0x1  }
0xa3: {  	[sflag:s23] =	ssyncset.done $0x0  }
0xa4: {  	s25 =	simm.s32 $0x1B8E;
	s24 =	sld [smem:$0x3FFE];
	[sflag:s23] =	ssyncadd.s32 $0xFFFFFFFF  }
0xa5: {  	s26 =	simm.s32 $execute0_lowered;
	[smem:$0x3FD2] =	sst s25  }
0xa6: {  	s5 =	sshll.u32 s26, $0x1;
	_ =	strace $0x8000004F;
	[dreg:$0x1] =	wrdreg $0xFFFFFFFF  }
0xa7: {  	s28 =	simm.s32 $_size_execute0_lowered;
	s3 =	sadd.s32 s3, s5;
	[dreg:$0x0] =	wrdreg $0x0  }
0xa8: {  	s5 =	sshll.u32 s28, $0x1;
	[dreg:$0x2] =	wrdreg s3  }
0xa9: {  	[dreg:$0x3] =	wrdreg s5  }
0xaa: {  	[dreg:$0x4] =	wrdreg $0xC0  }
0xab: {  	_ =	task [dreg:s7], $0x5FFFF  }
0xac: {  	[dreg:$0x1] =	wrdreg $0xFFFFFFFF  }
0xad: {  	[dreg:$0x0] =	wrdreg $0x60  }
0xae: {  	[dreg:$0x2] =	wrdreg s24  }
0xaf: {  	[dreg:$0x3] =	wrdreg s2  }
0xb0: {  	[dreg:$0x4] =	wrdreg $0xE0000  }
0xb1: {  	[dreg:$0x5] =	wrdreg $0x9  }
0xb2: {  	_ =	task.clear_ibuf [dreg:s7], $0x6FFFF;
	_ =	strace $0x9000004F  }
0xb3: {  	s29 =	simm.s32 $0x9;
	_ =	strace $0x80000051  }
0xb4: {  	_ =	swait.ge [sflag:s29], $0x1  }
0xb5: {  	[sflag:s29] =	ssyncadd.s32 $0xFFFFFFFF  }
0xb6: {  	_ =	strace $0x90000051  }
0xb7: {  	_ =	sfence  }
0xb8: {  	s30 =	sld [smem:$0x0];
	_ =	sdelay $0x2  }
0xb9: {  	s31 =	sshll.u32 s1, $0xD;
	s1 =	sshrl.u32 s1, $0x2  }
0xba: {  	s3 =	sand.u32 $0x4000, s31;
	s1 =	sadd.s32 s1, s30  }
0xbb: {  	s0 =	sor.u32 s3, s0;
	s1 =	sshll.u32 s1, $0x11  }
0xbc: {  	s0 =	sor.u32 s1, s0  }
0xbd: {  	s0 =	sadd.s32 $0x8F2B, s0  }
0xbe: {  	[sflag:s0] =	ssyncadd.remote.s32 $0x1  }
0xbf: {  	_ =	sfence.sel $0xFFFF  }
0xc0: {  	[dreg:$0x0] =	wrdreg $0xFFFFFFFF;
	(pc) =	sbr.abs _section_cstart, $3  }
0xc1: {  	[dreg:$0x1] =	wrdreg $0xFFFFFFFF  }
0xc2: {  	_ =	task.clear_ibuf [dreg:s7], $0x2FFFF;
	_ =	strace $0x9FFFFFFF  }
0xc3: {  	(tm) =	ssettm $0x7FFFFFFF  }
tec
execute0_lowered:
.L_overlay_start_1:
0x0: {  	(tag) =	ssettag $0x1  }
0x1: {  	s0 =	rddreg [dreg:$0x0];
	s1 =	srdreg.scid  }
0x2: {  	s2 =	stileid.u32;
	s3 =	rddreg [dreg:$0x2]  }
0x3: {  	s4 =	simm.s32 $0x0;
	s11 =	simm.s32 $0x5000;
	s14 =	simm.s32 $0x80  }
0x4: {  	s15 =	simm.s32 $0xA000;
	s16 =	simm.s32 $0xB000;
	s17 =	simm.s32 $0x100  }
0x5: {  	s18 =	simm.s32 $0xC000;
	s19 =	simm.s32 $0x180;
	s20 =	simm.s32 $0xD000  }
0x6: {  	s21 =	simm.s32 $0x1;
	s22 =	simm.s32 $0x2;
	s23 =	simm.s32 $0x3  }
0x7: {  	s28 =	simm.s32 $0x9F00;
	s29 =	simm.s32 $0x9F80;
	s30 =	simm.s32 $0x8  }
0x8: {  	s31 =	simm.s32 $0x0;
	s1 =	sand.u32 $0x1, s1;
	s6 =	smul.u32 $0x5000, s2  }
0x9: {  	[smem:$0x7FF] =	sst s4;
	s8 =	smul.u32 $0x13C00, s2;
	s26 =	sshll.u32 s2, $0x6  }
0xa: {  	s5 =	smul.u32 $0x50000, s1;
	_ =	strace $0x80000050;
	s9 =	sshll.u32 s1, $0x6  }
0xb: {  	s1 =	ssub.s32 $0x2, s1;
	s12 =	sor.u32 $0x1C05, s26;
	s26 =	simm.s32 $0x9E80  }
0xc: {  	s9 =	sor.u32 s9, s8;
	s25 =	sshrl.u32 s1, $0x1;
	s8 =	sshrl.u32 s8, $0x2  }
0xd: {  	s5 =	sadd.s32 s6, s5;
	s6 =	sshrl.u32 s6, $0x3;
	s24 =	sshrl.u32 s9, $0x4  }
0xe: {  	s1 =	ssub.s32 s1, s25;
	s13 =	sadd.s32 s8, s3;
	s25 =	simm.s32 $0x9E00  }
0xf: {  	s7 =	sshrl.u32 s5, $0x3;
	s5 =	sadd.s32 $0x3400, s0;
	s10 =	sadd.s32 s6, s0  }
0x10: {  	s9 =	smax.u32 s1, $0x1;
	s13 =	sshrl.u32 s13, $0x3;
	s7 =	sadd.s32 s7, s0  }
0x11: {  	s0 =	sadd.s32 s24, s0;
	s24 =	simm.s32 $0x4;
	s6 =	sadd.s32 $0x20E00, s7  }
0x12: {  	s7 =	sadd.s32 $0x16E00, s10;
	s8 =	sadd.s32 $0x5C000, s0;
	s10 =	simm.s32 $0x5  }
.LBB2_1:
0x13: {  	[tilespmem:s4], [sflag:$0x5] =	stream.linear.gather [hbm4b:s6+s4], $0x5000, $0x38;
	[tilespmem:$0x12F00] =	vst v63  }
0x14: {  	_ =	swait.ge [sflag:s10], $0x5000  }
0x15: {  	[sflag:s10] =	ssyncset.done $0x0  }
0x16: {  	[sflag:s10] =	ssyncadd.s32 $0xFFFFB000  }
0x17: {  	[tilespmem:s11], [sflag:$0x5] =	stream.linear.gather [hbm4b:s7+s4], $0x5000, $0x38;
	[tilespmem:$0x12F00] =	vst v63  }
0x18: {  	_ =	swait.ge [sflag:s10], $0x5000  }
0x19: {  	[sflag:s10] =	ssyncset.done $0x0  }
0x1a: {  	[sflag:s10] =	ssyncadd.s32 $0xFFFFB000  }
0x1b: {  	s0 =	rddreg [dreg:$0x1]  }
0x1c: {  	[spmem:s13], [sflag:s12] =	dma.local [hbm:s0], $0x9E0  }
0x1d: {  	_ =	swait.ge [sflag:s10], $0x9E0  }
0x1e: {  	[sflag:s10] =	ssyncset.done $0x0  }
0x1f: {  	[sflag:s10] =	ssyncadd.s32 $0xFFFFF620  }
0x20: {  	[tilespmem:s15], [sflag:$0x1] =	stream.indirect.gather [hbm4b:s5+s14], $0x20, s4, s14, $0xb8;
	[tilespmem:$0x12F00] =	vst v63  }
0x21: {  	_ = 	snop  }
0x22: {  	[tilespmem:s16], [sflag:$0x2] =	stream.indirect.gather [hbm4b:s5+s14], $0x20, s14, s14, $0xb8;
	[tilespmem:$0x12F00] =	vst v63  }
0x23: {  	_ = 	snop  }
0x24: {  	[tilespmem:s18], [sflag:$0x3] =	stream.indirect.gather [hbm4b:s5+s14], $0x20, s17, s14, $0xb8;
	[tilespmem:$0x12F00] =	vst v63  }
0x25: {  	_ = 	snop  }
0x26: {  	[tilespmem:s20], [sflag:$0x4] =	stream.indirect.gather [hbm4b:s5+s14], $0x20, s19, s14, $0xb8;
	[tilespmem:$0x12F00] =	vst v63  }
0x27: {  	[bflag:$0x0] =	sbarrier.arrive $0xFFFF  }
0x28: {  	_ =	swait.ge [sflag:s21], $0x1000  }
0x29: {  	[sflag:s21] =	ssyncset.done $0x0  }
0x2a: {  	s2 =	simm.s32 $0x5000;
	[sflag:s21] =	ssyncadd.s32 $0xFFFFF000  }
0x2b: {  	[spmem:s3] =	stream.indirect.scatter.add.bf16 [tilespmem:s15], [sflag:$0x5], $0x20, s2, s14, $0xb8;
	[tilespmem:$0x12F00] =	vst v63  }
0x2c: {  	_ =	swait.ge [sflag:s10], $0x1000  }
0x2d: {  	[sflag:s10] =	ssyncset.done $0x0  }
0x2e: {  	s1 =	simm.s32 $0x200;
	[sflag:s10] =	ssyncadd.s32 $0xFFFFF000  }
0x2f: {  	[tilespmem:s15], [sflag:$0x1] =	stream.indirect.gather [hbm4b:s5+s14], $0x20, s1, s14, $0xb8;
	[tilespmem:$0x12F00] =	vst v63  }
0x30: {  	_ =	swait.ge [sflag:s22], $0x1000  }
0x31: {  	[sflag:s22] =	ssyncset.done $0x0  }
0x32: {  	s2 =	simm.s32 $0x5080;
	[sflag:s22] =	ssyncadd.s32 $0xFFFFF000  }
0x33: {  	[spmem:s3] =	stream.indirect.scatter.add.bf16 [tilespmem:s16], [sflag:$0x5], $0x20, s2, s14, $0xb8;
	[tilespmem:$0x12F00] =	vst v63  }
0x34: {  	_ =	swait.ge [sflag:s10], $0x1000  }
0x35: {  	[sflag:s10] =	ssyncset.done $0x0  }
0x36: {  	s1 =	simm.s32 $0x280;
	[sflag:s10] =	ssyncadd.s32 $0xFFFFF000  }
0x37: {  	[tilespmem:s16], [sflag:$0x2] =	stream.indirect.gather [hbm4b:s5+s14], $0x20, s1, s14, $0xb8;
	[tilespmem:$0x12F00] =	vst v63  }
0x38: {  	_ =	swait.ge [sflag:s23], $0x1000  }
0x39: {  	[sflag:s23] =	ssyncset.done $0x0  }
0x3a: {  	s2 =	simm.s32 $0x5100;
	[sflag:s23] =	ssyncadd.s32 $0xFFFFF000  }
0x3b: {  	[spmem:s3] =	stream.indirect.scatter.add.bf16 [tilespmem:s18], [sflag:$0x5], $0x20, s2, s14, $0xb8;
	[tilespmem:$0x12F00] =	vst v63  }
0x3c: {  	_ =	swait.ge [sflag:s10], $0x1000  }
0x3d: {  	[sflag:s10] =	ssyncset.done $0x0  }
0x3e: {  	s1 =	simm.s32 $0x300;
	[sflag:s10] =	ssyncadd.s32 $0xFFFFF000  }
0x3f: {  	[tilespmem:s18], [sflag:$0x3] =	stream.indirect.gather [hbm4b:s5+s14], $0x20, s1, s14, $0xb8;
	[tilespmem:$0x12F00] =	vst v63  }
0x40: {  	_ =	swait.ge [sflag:s24], $0x1000  }
0x41: {  	[sflag:s24] =	ssyncset.done $0x0  }
0x42: {  	s2 =	simm.s32 $0x5180;
	[sflag:s24] =	ssyncadd.s32 $0xFFFFF000  }
0x43: {  	[spmem:s3] =	stream.indirect.scatter.add.bf16 [tilespmem:s20], [sflag:$0x5], $0x20, s2, s14, $0xb8;
	[tilespmem:$0x12F00] =	vst v63  }
0x44: {  	_ =	swait.ge [sflag:s10], $0x1000  }
0x45: {  	[sflag:s10] =	ssyncset.done $0x0  }
0x46: {  	s0 =	simm.s32 $0x380;
	s1 =	simm.s32 $0x800;
	[sflag:s10] =	ssyncadd.s32 $0xFFFFF000  }
.LBB2_2:
0x47: {  	[tilespmem:s20], [sflag:$0x4] =	stream.indirect.gather [hbm4b:s5+s14], $0x20, s0, s14, $0xb8;
	[tilespmem:$0x12F00] =	vst v63  }
0x48: {  	s0 =	smov.u32 s1  }
0x49: {  	p0 =	sne.s32 s1, $0x13000;
	s1 =	sadd.s32 $0x800, s1;
	_ =	swait.ge [sflag:s21], $0x1000  }
0x4a: {  	s0 =	sshra.s32 s0, $0x2;
	[sflag:s21] =	ssyncset.done $0x0  }
0x4b: {  	s2 =	sadd.s32 $0x5000, s0;
	[sflag:s21] =	ssyncadd.s32 $0xFFFFF000  }
0x4c: {  	[spmem:s3] =	stream.indirect.scatter.add.bf16 [tilespmem:s15], [sflag:$0x5], $0x20, s2, s14, $0xb8;
	[tilespmem:$0x12F00] =	vst v63  }
0x4d: {  	_ =	swait.ge [sflag:s10], $0x1000  }
0x4e: {  	[sflag:s10] =	ssyncset.done $0x0  }
0x4f: {  	s2 =	sadd.s32 $0x200, s0;
	[sflag:s10] =	ssyncadd.s32 $0xFFFFF000  }
0x50: {  	[tilespmem:s15], [sflag:$0x1] =	stream.indirect.gather [hbm4b:s5+s14], $0x20, s2, s14, $0xb8;
	[tilespmem:$0x12F00] =	vst v63  }
0x51: {  	_ =	swait.ge [sflag:s22], $0x1000  }
0x52: {  	[sflag:s22] =	ssyncset.done $0x0  }
0x53: {  	s2 =	sadd.s32 $0x5080, s0;
	[sflag:s22] =	ssyncadd.s32 $0xFFFFF000  }
0x54: {  	[spmem:s3] =	stream.indirect.scatter.add.bf16 [tilespmem:s16], [sflag:$0x5], $0x20, s2, s14, $0xb8;
	[tilespmem:$0x12F00] =	vst v63  }
0x55: {  	_ =	swait.ge [sflag:s10], $0x1000  }
0x56: {  	[sflag:s10] =	ssyncset.done $0x0  }
0x57: {  	s2 =	sadd.s32 $0x280, s0;
	[sflag:s10] =	ssyncadd.s32 $0xFFFFF000  }
0x58: {  	[tilespmem:s16], [sflag:$0x2] =	stream.indirect.gather [hbm4b:s5+s14], $0x20, s2, s14, $0xb8;
	[tilespmem:$0x12F00] =	vst v63  }
0x59: {  	_ =	swait.ge [sflag:s23], $0x1000  }
0x5a: {  	[sflag:s23] =	ssyncset.done $0x0  }
0x5b: {  	s2 =	sadd.s32 $0x5100, s0;
	[sflag:s23] =	ssyncadd.s32 $0xFFFFF000  }
0x5c: {  	[spmem:s3] =	stream.indirect.scatter.add.bf16 [tilespmem:s18], [sflag:$0x5], $0x20, s2, s14, $0xb8;
	[tilespmem:$0x12F00] =	vst v63  }
0x5d: {  	_ =	swait.ge [sflag:s10], $0x1000  }
0x5e: {  	[sflag:s10] =	ssyncset.done $0x0  }
0x5f: {  	s2 =	sadd.s32 $0x300, s0;
	[sflag:s10] =	ssyncadd.s32 $0xFFFFF000  }
0x60: {  	[tilespmem:s18], [sflag:$0x3] =	stream.indirect.gather [hbm4b:s5+s14], $0x20, s2, s14, $0xb8;
	[tilespmem:$0x12F00] =	vst v63  }
0x61: {  	_ =	swait.ge [sflag:s24], $0x1000  }
0x62: {  	[sflag:s24] =	ssyncset.done $0x0  }
.Ltmp0:
0x63: {  	s2 =	sadd.s32 $0x5180, s0;
	[sflag:s24] =	ssyncadd.s32 $0xFFFFF000;
	(pc) =	sbr.rel @p0 .LBB2_2-.Ltmp0, $4  }
0x64: {  	[spmem:s3] =	stream.indirect.scatter.add.bf16 [tilespmem:s20], [sflag:$0x5], $0x20, s2, s14, $0xb8;
	[tilespmem:$0x12F00] =	vst v63  }
0x65: {  	_ =	swait.ge [sflag:s10], $0x1000  }
0x66: {  	[sflag:s10] =	ssyncset.done $0x0  }
0x67: {  	s0 =	sadd.s32 $0x380, s0;
	[sflag:s10] =	ssyncadd.s32 $0xFFFFF000  }
0x68: {  	[tilespmem:s20], [sflag:$0x4] =	stream.indirect.gather [hbm4b:s5+s14], $0x20, s0, s14, $0xb8;
	[tilespmem:$0x12F00] =	vst v63  }
0x69: {  	_ =	swait.ge [sflag:s21], $0x1000  }
0x6a: {  	[sflag:s21] =	ssyncset.done $0x0  }
0x6b: {  	[sflag:s21] =	ssyncadd.s32 $0xFFFFF000  }
0x6c: {  	[spmem:s3] =	stream.indirect.scatter.add.bf16 [tilespmem:s15], [sflag:$0x5], $0x20, s25, s14, $0xb8;
	[tilespmem:$0x12F00] =	vst v63  }
0x6d: {  	_ =	swait.ge [sflag:s10], $0x1000  }
0x6e: {  	[sflag:s10] =	ssyncset.done $0x0  }
0x6f: {  	[sflag:s10] =	ssyncadd.s32 $0xFFFFF000  }
0x70: {  	_ =	swait.ge [sflag:s22], $0x1000  }
0x71: {  	[sflag:s22] =	ssyncset.done $0x0  }
0x72: {  	[sflag:s22] =	ssyncadd.s32 $0xFFFFF000  }
0x73: {  	[spmem:s3] =	stream.indirect.scatter.add.bf16 [tilespmem:s16], [sflag:$0x5], $0x20, s26, s14, $0xb8;
	[tilespmem:$0x12F00] =	vst v63  }
0x74: {  	_ =	swait.ge [sflag:s10], $0x1000  }
0x75: {  	[sflag:s10] =	ssyncset.done $0x0  }
0x76: {  	[sflag:s10] =	ssyncadd.s32 $0xFFFFF000  }
0x77: {  	_ =	swait.ge [sflag:s23], $0x1000  }
0x78: {  	[sflag:s23] =	ssyncset.done $0x0  }
0x79: {  	[sflag:s23] =	ssyncadd.s32 $0xFFFFF000  }
0x7a: {  	[spmem:s3] =	stream.indirect.scatter.add.bf16 [tilespmem:s18], [sflag:$0x5], $0x20, s28, s14, $0xb8;
	[tilespmem:$0x12F00] =	vst v63  }
0x7b: {  	_ =	swait.ge [sflag:s10], $0x1000  }
0x7c: {  	[sflag:s10] =	ssyncset.done $0x0  }
0x7d: {  	[sflag:s10] =	ssyncadd.s32 $0xFFFFF000  }
0x7e: {  	_ =	swait.ge [sflag:s24], $0x1000  }
0x7f: {  	[sflag:s24] =	ssyncset.done $0x0  }
0x80: {  	[sflag:s24] =	ssyncadd.s32 $0xFFFFF000  }
0x81: {  	[spmem:s3] =	stream.indirect.scatter.add.bf16 [tilespmem:s20], [sflag:$0x5], $0x20, s29, s14, $0xb8;
	[tilespmem:$0x12F00] =	vst v63  }
0x82: {  	_ =	swait.ge [sflag:s10], $0x1000  }
0x83: {  	s31 =	sadd.s32 $0x1, s31;
	[sflag:s10] =	ssyncset.done $0x0  }
0x84: {  	p0 =	sne.s32 s31, s9;
	[sflag:s10] =	ssyncadd.s32 $0xFFFFF000  }
.Ltmp1:
0x85: {  	[bflag:$0x0] =	sbarrier.arrive $0xFFFF;
	(pc) =	sbr.rel @p0 .LBB2_1-.Ltmp1, $4  }
0x86: {  	[hbm:s8@s30], [sflag:s12] =	dma.strided [spmem:s13@s24], $0x9E0, s21, $0x4   }
0x87: {  	_ =	swait.ge [sflag:s10], $0x9E0  }
0x88: {  	[sflag:s10] =	ssyncset.done $0x0  }
0x89: {  	[sflag:s10] =	ssyncadd.s32 $0xFFFFF620  }
0x8a: {  	_ =	sfence.sel $0x180000  }
0x8b: {  	[bflag:$0x0] =	sbarrier.arrive $0xFFFF  }
0x8c: {  	_ =	strace $0x90000050  }
0x8d: {  	s0 =	stileid.u32;
	[bflag:$0x2] =	sbarrier.arrive $0xFFFF  }
0x8e: {  	p0 =	sne.s32 s0, $0x0;
	s0 =	rddreg [dreg:$0x3]  }
0x8f: {  	s0 =	sadd.s32 @!p0 $0x100000, s0  }
0x90: {  	[sflag:s0] =	ssyncadd.tile.s32 @!p0 $0x1;
	_ =	shalt  }
.Lfunc_end2:
_tile_overlayer_lowered:
.L_overlay_start_2:
0x91: {  	(tag) =	ssettag $0x2  }
0x92: {  	s0 =	rddreg [dreg:$0x0];
	s2 =	stileid.u32  }
0x93: {  	s1 =	rddreg [dreg:$0x1];
	p0 =	sne.s32 s2, $0x0  }
0x94: {  	s3 =	rddreg [dreg:$0x2];
	[bflag:$0x3] =	sbarrier.arrive $0xFFFF;
	s2 =	simm.s32 @!p0 $0x1C05  }
0x95: {  	[timem:s3], [sflag:s2] =	dma.local @!p0 [hbm:s0], s1  }
0x96: {  	s0 =	simm.s32 @!p0 $0x5  }
0x97: {  	_ =	swait.ge @!p0 [sflag:s0], s1  }
0x98: {  	s1 =	ssub.s32 @!p0 $0x0, s1;
	[sflag:s0] =	ssyncset.done @!p0 $0x0  }
0x99: {  	[sflag:s0] =	ssyncadd.s32 @!p0 s1  }
0x9a: {  	[bflag:$0x3] =	sbarrier.arrive $0xFFFF  }
0x9b: {  	_ =	shalt  }

</sc_bundles>
